<compile_context>
chip_gen: v7x
topology: tpu7x:2x2x1
jax: 0.10.2.dev20260603
libtpu: 0.0.44.dev20260713+nightly
codegen_flags: <defaults>
</compile_context>

<pallas_src>
import functools

import jax
import jax.numpy as jnp
from jax import lax
from jax.experimental import pallas as pl
from jax.experimental.pallas import tpu as pltpu
from jax.experimental.pallas import tpu_sc as plsc

_N = 100000
_E = 1600000
_IN_C = 32
_OUT_C = 64
_NET = 7
_AUG = 37
_YC = _NET * _OUT_C
_WROWS = 40

_ROW_BLK = 2048
_GRID = (_N + _ROW_BLK - 1) // _ROW_BLK

_NTILE = 16
_BLK = 400
_EPT = _E // _NTILE
_BLOCKS = _EPT // _BLK
_PAIRS = _BLOCKS // 2
_ACC_ROWS = _N + 8
_OPT = _N // _NTILE
_ZR = 125


def _y_body(x_ref, nt_ref, w_ref, y_ref):
    xb = x_ref[...]
    ntb = nt_ref[...]
    w1 = w_ref[:_IN_C, :]
    w2 = w_ref[_IN_C:, :]
    oh = (lax.broadcasted_iota(jnp.int32, (_ROW_BLK, _WROWS - _IN_C), 1)
          == ntb).astype(jnp.float32)
    acc = jnp.dot(xb, w1, preferred_element_type=jnp.float32)
    acc = acc + jnp.dot(oh, w2, preferred_element_type=jnp.float32)
    y_ref[...] = acc.astype(jnp.bfloat16)


_y_call = pl.pallas_call(
    _y_body,
    grid=(_GRID,),
    in_specs=[
        pl.BlockSpec((_ROW_BLK, _IN_C), lambda i: (i, 0)),
        pl.BlockSpec((_ROW_BLK, 1), lambda i: (i, 0)),
        pl.BlockSpec((_WROWS, _YC), lambda i: (0, 0)),
    ],
    out_specs=pl.BlockSpec((_ROW_BLK, _YC), lambda i: (i, 0)),
    out_shape=jax.ShapeDtypeStruct((_N, _YC), jnp.bfloat16),
)


@functools.partial(
    pl.kernel,
    out_type=jax.ShapeDtypeStruct((_N, _OUT_C), jnp.float32),
    mesh=plsc.VectorSubcoreMesh(core_axis_name="c", subcore_axis_name="s"),
    compiler_params=pltpu.CompilerParams(use_tc_tiling_on_sc=False,
                                         needs_layout_passes=False),
    scratch_types=[
        pltpu.VMEM((2, 1, _BLK), jnp.int32),
        pltpu.VMEM((2, 1, _BLK), jnp.int32),
        pltpu.VMEM((2, 1, _BLK), jnp.int32),
        pltpu.VMEM((2, 1, _BLK), jnp.int32),
        pltpu.VMEM((2, 1, _BLK, 32), jnp.bfloat16),
        pltpu.VMEM((_ZR, 32), jnp.bfloat16),
        pltpu.VMEM((_ZR, 32), jnp.bfloat16),
        pltpu.VMEM((_ZR, 32), jnp.float32),
        pltpu.VMEM_SHARED((_ACC_ROWS, 32), jnp.bfloat16),
        pltpu.SemaphoreType.DMA,
        pltpu.SemaphoreType.DMA,
    ],
)
def _sc_call(y2, rowm, colm, typm, out, row_v, col_v, typ_v, idx_v, ybuf,
             zbuf, cbuf, fbuf, acc, sem_e, sem_g):
    c = lax.axis_index("c")
    s = lax.axis_index("s")

    def zfill(i, carry):
        zbuf[i, :] = jnp.zeros((32,), jnp.bfloat16)
        return carry

    lax.fori_loop(0, _ZR, zfill, 0)

    def edges_start(e0, p):
        pltpu.async_copy(rowm.at[pl.ds(e0, _BLK)], row_v.at[p, 0], sem_e)
        pltpu.async_copy(colm.at[pl.ds(e0, _BLK)], col_v.at[p, 0], sem_e)
        pltpu.async_copy(typm.at[pl.ds(e0, _BLK)], typ_v.at[p, 0], sem_e)

    def edges_wait(p):
        pltpu.make_async_copy(rowm.at[pl.ds(0, _BLK)], row_v.at[p, 0],
                              sem_e).wait()
        pltpu.make_async_copy(colm.at[pl.ds(0, _BLK)], col_v.at[p, 0],
                              sem_e).wait()
        pltpu.make_async_copy(typm.at[pl.ds(0, _BLK)], typ_v.at[p, 0],
                              sem_e).wait()

    def idx_compute(p):
        for k in range(_BLK // 16):
            sl = pl.ds(k * 16, 16)
            idx_v[p, 0, sl] = (col_v[p, 0, sl] * 14
                               + typ_v[p, 0, sl] * 2 + c)

    def gather_start(p):
        pltpu.async_copy(y2.at[idx_v.at[p, 0]], ybuf.at[p, 0], sem_g)

    def gather_wait(p):
        pltpu.make_async_copy(y2.at[idx_v.at[p, 0]], ybuf.at[p, 0],
                              sem_g).wait()

    def scatter(p):
        pltpu.sync_copy(ybuf.at[p, 0], acc.at[row_v.at[p, 0]], add=True)

    def zcp(z, carry):
        pltpu.sync_copy(zbuf, acc.at[pl.ds(s * _OPT + z * _ZR, _ZR), :])
        return carry

    lax.fori_loop(0, _OPT // _ZR, zcp, 0)
    plsc.subcore_barrier()

    base = s * _EPT

    for k in range(_BLK // 16):
        sl = pl.ds(k * 16, 16)
        idx_v[1, 0, sl] = jnp.zeros((16,), jnp.int32)
        row_v[1, 0, sl] = jnp.full((16,), _N, jnp.int32)
    gather_start(1)
    edges_start(base, 0)

    def pair_body(g, carry):
        b0 = base + 2 * g * _BLK
        edges_wait(0)
        idx_compute(0)
        gather_wait(1)
        gather_start(0)
        scatter(1)
        edges_start(b0 + _BLK, 1)
        edges_wait(1)
        idx_compute(1)
        gather_wait(0)
        gather_start(1)
        scatter(0)
        @pl.when(g < _PAIRS - 1)
        def _():
            edges_start(b0 + 2 * _BLK, 0)
        return carry

    lax.fori_loop(0, _PAIRS, pair_body, 0)
    gather_wait(1)
    scatter(1)
    plsc.subcore_barrier()

    def drain(z, carry):
        r0 = s * _OPT + z * _ZR
        pltpu.sync_copy(acc.at[pl.ds(r0, _ZR), :], cbuf)

        def widen(r, carry2):
            a, b = plsc.unpack(cbuf[r, :], format=plsc.PackFormat.INTERLEAVED)
            fbuf[r, pl.ds(0, 16)] = a
            fbuf[r, pl.ds(16, 16)] = b
            return carry2

        lax.fori_loop(0, _ZR, widen, 0)

        @pl.when(c == 0)
        def _():
            pltpu.sync_copy(fbuf, out.at[pl.ds(r0, _ZR), pl.ds(0, 32)])

        @pl.when(c == 1)
        def _():
            pltpu.sync_copy(fbuf, out.at[pl.ds(r0, _ZR), pl.ds(32, 32)])

        return carry

    lax.fori_loop(0, _OPT // _ZR, drain, 0)


def kernel(x_hr, edge_index, edge_type, node_type, W):
    wt = W.reshape(_NET, _AUG, _OUT_C).transpose(1, 0, 2).reshape(_AUG, _YC)
    wt = wt.reshape(_AUG, 14, 2, 16).transpose(0, 1, 3, 2).reshape(_AUG, _YC)
    wp = jnp.zeros((_WROWS, _YC), jnp.float32).at[:_AUG].set(wt / 7.0)
    nt2 = node_type.reshape(_N, 1)
    y = _y_call(x_hr, nt2, wp)
    y2 = y.reshape(_N * 14, 32)
    return _sc_call(y2, edge_index[0], edge_index[1], edge_type)

# --- scband reference (transcript-rebuilt; emitter-appended) ---
"""Pipeline reference for scband-unet3-dmodel-67061619360315 (READ-ONLY COPY).

The authoritative reference and input builder live on the scoring server;
editing this copy changes nothing except your own understanding.
"""

import jax, jax.numpy as jnp
import numpy as np

N = 100000            # octree leaf nodes at input_depth
E = 1600000           # graph edges (GRAPH pool: N * 16)
IN_C = 32             # in_feature_channels
OUT_C = 64            # model_channels
N_EDGE_TYPE = 7       # hardcoded in UNet3DModel (n_edge_type, avg_degree = (7, 7))
AVG_DEGREE = 7
N_NODE_TYPE = 5       # input_depth - 1
AUG_C = IN_C + N_NODE_TYPE


def setup_inputs(seed: int = 0) -> dict:
    key = jax.random.key(seed)
    k1, k2, k3, k4, k5 = jax.random.split(key, 5)
    x_hr = jax.random.normal(k1, (N, IN_C), dtype=jnp.float32)
    edge_index = jax.random.randint(k2, (2, E), 0, N, dtype=jnp.int32)
    edge_type = jax.random.randint(k3, (E,), 0, N_EDGE_TYPE, dtype=jnp.int32)
    node_type = jax.random.randint(k4, (N,), 0, N_NODE_TYPE, dtype=jnp.int32)
    # learned per-edge-type GraphConv weight: [n_edge_type * (in_ch + n_node_type), out_ch]
    W = jax.random.normal(k5, (N_EDGE_TYPE * AUG_C, OUT_C), dtype=jnp.float32) * (1.0 / np.sqrt(N_EDGE_TYPE * AUG_C))
    return {"x_hr": x_hr, "edge_index": edge_index, "edge_type": edge_type, "node_type": node_type, "W": W}


def reference(x_hr, edge_index, edge_type, node_type, W):
    # Dual-octree GraphConv (input_blocks[0] of UNet3DModel):
    # 1) append one-hot node-type to features
    one_hot = jax.nn.one_hot(node_type, N_NODE_TYPE, dtype=x_hr.dtype)
    x = jnp.concatenate([x_hr, one_hot], axis=1)  # [N, AUG_C]
    # 2) gather source-node features along edges
    row = edge_index[0]
    col = edge_index[1]
    gathered = jnp.take(x, col, axis=0)  # [E, AUG_C]
    # 3) scatter-add into (dst_node, edge_type) buckets
    idx = row * N_EDGE_TYPE + edge_type  # [E]
    col_data = jax.ops.segment_sum(gathered, idx, num_segments=N * N_EDGE_TYPE)  # [N*7, AUG_C]
    # 4) typed linear mixing + average-degree normalization
    out = col_data.reshape(N, N_EDGE_TYPE * AUG_C) @ W  # [N, OUT_C]
    out = out / AVG_DEGREE
    return out

if __name__ == "__main__":
    import jax
    _d = setup_inputs()
    print(jax.jit(kernel)(*tuple(_d.values())))

</pallas_src>

<mosaic_0001>
#map = affine_map<(d0, d1) -> (0, 0)>
#map1 = affine_map<(d0, d1) -> (0)>
module attributes {stable_mosaic.version = 14 : i64} {
  func.func @_sc_call(%arg0: i32, %arg1: i32, %arg2: memref<1400000x32xbf16, #tpu.memory_space<hbm>>, %arg3: memref<1600000xi32, #tpu.memory_space<hbm>>, %arg4: memref<1600000xi32, #tpu.memory_space<hbm>>, %arg5: memref<1600000xi32, #tpu.memory_space<hbm>>, %arg6: memref<100000x64xf32, #tpu.memory_space<hbm>>, %arg7: memref<2x1x400xi32, #tpu.memory_space<vmem>>, %arg8: memref<2x1x400xi32, #tpu.memory_space<vmem>>, %arg9: memref<2x1x400xi32, #tpu.memory_space<vmem>>, %arg10: memref<2x1x400xi32, #tpu.memory_space<vmem>>, %arg11: memref<2x1x400x32xbf16, #tpu.memory_space<vmem>>, %arg12: memref<125x32xbf16, #tpu.memory_space<vmem>>, %arg13: memref<125x32xbf16, #tpu.memory_space<vmem>>, %arg14: memref<125x32xf32, #tpu.memory_space<vmem>>, %arg15: memref<100008x32xbf16, #tpu.memory_space<vmem_shared>>, %arg16: memref<!tpu.dma_semaphore, #tpu.memory_space<semaphore_mem>>, %arg17: memref<!tpu.dma_semaphore, #tpu.memory_space<semaphore_mem>>) attributes {dimension_semantics = [#tpu.dimension_semantics<core_parallel>, #tpu.dimension_semantics<subcore_parallel>], iteration_bounds = array<i64: 2, 16>, scalar_prefetch = 0 : i64, scratch_operands = 11 : i64, tpu.core_type = #tpu.core_type<sc_vector_subcore>, window_params = [{transform_indices = #map}, {transform_indices = #map1}, {transform_indices = #map1}, {transform_indices = #map1}, {transform_indices = #map}]} {
    %scan3A = arith.constant 0 : i32
    %scan3A_0 = arith.constant 0 : i32
    %scan3A_1 = arith.constant 125 : i32
    %scan3A_2 = arith.addi %scan3A_0, %scan3A_1 : i32
    %scan3A_3 = arith.constant 1 : i32
    scf.for %scan3A_482 = %scan3A_0 to %scan3A_2 step %scan3A_3  : i32 {
      %broadcast_in_dim3A_483 = arith.constant 0.000000e+00 : bf16
      %broadcast_in_dim3A_484 = vector.broadcast %broadcast_in_dim3A_483 : bf16 to vector<32xbf16>
      %swap3A_485 = arith.index_cast %scan3A_482 : i32 to index
      %swap3A_486 = arith.constant 0 : index
      %swap3A_487 = tpu.vector_load %arg12[%swap3A_485, %swap3A_486] {strides = array<i32>} : memref<125x32xbf16, #tpu.memory_space<vmem>>, vector<32xbf16>,
      tpu.vector_store %arg12[%swap3A_485, %swap3A_486], %broadcast_in_dim3A_484 {strides = array<i32>} : memref<125x32xbf16, #tpu.memory_space<vmem>>, vector<32xbf16>,
    }
    %scan3A_4 = arith.constant 125 : i32
    %scan3A_5 = arith.constant 0 : i32
    %scan3A_6 = arith.constant 0 : i32
    %scan3A_7 = arith.constant 50 : i32
    %scan3A_8 = arith.addi %scan3A_6, %scan3A_7 : i32
    %scan3A_9 = arith.constant 1 : i32
    scf.for %scan3A_482 = %scan3A_6 to %scan3A_8 step %scan3A_9  : i32 {
      %mul3A_483 = arith.constant 6250 : i32
      %mul3A_484 = arith.muli %arg1, %mul3A_483 : i32
      %mul3A_485 = arith.constant 125 : i32
      %mul3A_486 = arith.muli %scan3A_482, %mul3A_485 : i32
      %add3A = arith.addi %mul3A_484, %mul3A_486 : i32
      "tpu.region"() ({
        %run_scoped3A_487 = tpu.sem_alloc : memref<!tpu.dma_semaphore, #tpu.memory_space<semaphore_mem>>
        %dma_start3A_488 = arith.constant 0 : i32
        %dma_start3A_489 = tpu.memref_slice %arg15[%add3A, %dma_start3A_488] : memref<100008x32xbf16, #tpu.memory_space<vmem_shared>> -> memref<125x32xbf16, #tpu.memory_space<vmem_shared>>
        %dma_start3A_490 = arith.constant 0 : i32
        %dma_start3A_491 = tpu.memref_slice %arg15[%add3A, %dma_start3A_490] : memref<100008x32xbf16, #tpu.memory_space<vmem_shared>> -> memref<125x32xbf16, #tpu.memory_space<vmem_shared>>
        tpu.enqueue_dma source(%arg12 : memref<125x32xbf16, #tpu.memory_space<vmem>>) target(%dma_start3A_491 : memref<125x32xbf16, #tpu.memory_space<vmem_shared>>) target_semaphore(%run_scoped3A_487 : memref<!tpu.dma_semaphore, #tpu.memory_space<semaphore_mem>>)
        %dma_wait3A_492 = arith.constant 0 : i32
        %dma_wait3A_493 = tpu.memref_slice %arg15[%add3A, %dma_wait3A_492] : memref<100008x32xbf16, #tpu.memory_space<vmem_shared>> -> memref<125x32xbf16, #tpu.memory_space<vmem_shared>>
        %dma_wait3A_494 = arith.constant 0 : i32
        %dma_wait3A_495 = tpu.memref_slice %arg15[%add3A, %dma_wait3A_494] : memref<100008x32xbf16, #tpu.memory_space<vmem_shared>> -> memref<125x32xbf16, #tpu.memory_space<vmem_shared>>
        tpu.wait_dma2 semaphore(%run_scoped3A_487 : memref<!tpu.dma_semaphore, #tpu.memory_space<semaphore_mem>>) src(%arg12 : memref<125x32xbf16, #tpu.memory_space<vmem>>) dst(%dma_wait3A_495 : memref<125x32xbf16, #tpu.memory_space<vmem_shared>>)
        tpu.yield
      }) : () -> ()
    }
    %scan3A_10 = arith.constant 50 : i32
    %barrier3A = arith.constant 0 : index
    tpu.barrier barrier_id(%barrier3A)
    %mul3A = arith.constant 100000 : i32
    %mul3A_11 = arith.muli %arg1, %mul3A : i32
    %broadcast_in_dim3A = arith.constant 0 : i32
    %broadcast_in_dim3A_12 = vector.broadcast %broadcast_in_dim3A : i32 to vector<16xi32>
    %swap3A = arith.constant 1 : i32
    %swap3A_13 = arith.constant 0 : i32
    %swap3A_14 = arith.index_cast %swap3A : i32 to index
    %swap3A_15 = arith.index_cast %swap3A_13 : i32 to index
    %swap3A_16 = arith.constant 0 : index
    %swap3A_17 = tpu.vector_load %arg10[%swap3A_14, %swap3A_15, %swap3A_16] {strides = array<i32>} : memref<2x1x400xi32, #tpu.memory_space<vmem>>, vector<16xi32>,
    tpu.vector_store %arg10[%swap3A_14, %swap3A_15, %swap3A_16], %broadcast_in_dim3A_12 {strides = array<i32>} : memref<2x1x400xi32, #tpu.memory_space<vmem>>, vector<16xi32>,
    %broadcast_in_dim3A_18 = arith.constant 100000 : i32
    %broadcast_in_dim3A_19 = vector.broadcast %broadcast_in_dim3A_18 : i32 to vector<16xi32>
    %swap3A_20 = arith.constant 1 : i32
    %swap3A_21 = arith.constant 0 : i32
    %swap3A_22 = arith.index_cast %swap3A_20 : i32 to index
    %swap3A_23 = arith.index_cast %swap3A_21 : i32 to index
    %swap3A_24 = arith.constant 0 : index
    %swap3A_25 = tpu.vector_load %arg7[%swap3A_22, %swap3A_23, %swap3A_24] {strides = array<i32>} : memref<2x1x400xi32, #tpu.memory_space<vmem>>, vector<16xi32>,
    tpu.vector_store %arg7[%swap3A_22, %swap3A_23, %swap3A_24], %broadcast_in_dim3A_19 {strides = array<i32>} : memref<2x1x400xi32, #tpu.memory_space<vmem>>, vector<16xi32>,
    %broadcast_in_dim3A_26 = arith.constant 0 : i32
    %broadcast_in_dim3A_27 = vector.broadcast %broadcast_in_dim3A_26 : i32 to vector<16xi32>
    %swap3A_28 = arith.constant 1 : i32
    %swap3A_29 = arith.constant 0 : i32
    %swap3A_30 = arith.index_cast %swap3A_28 : i32 to index
    %swap3A_31 = arith.index_cast %swap3A_29 : i32 to index
    %swap3A_32 = arith.constant 16 : index
    %swap3A_33 = tpu.vector_load %arg10[%swap3A_30, %swap3A_31, %swap3A_32] {strides = array<i32>} : memref<2x1x400xi32, #tpu.memory_space<vmem>>, vector<16xi32>,
    tpu.vector_store %arg10[%swap3A_30, %swap3A_31, %swap3A_32], %broadcast_in_dim3A_27 {strides = array<i32>} : memref<2x1x400xi32, #tpu.memory_space<vmem>>, vector<16xi32>,
    %broadcast_in_dim3A_34 = arith.constant 100000 : i32
    %broadcast_in_dim3A_35 = vector.broadcast %broadcast_in_dim3A_34 : i32 to vector<16xi32>
    %swap3A_36 = arith.constant 1 : i32
    %swap3A_37 = arith.constant 0 : i32
    %swap3A_38 = arith.index_cast %swap3A_36 : i32 to index
    %swap3A_39 = arith.index_cast %swap3A_37 : i32 to index
    %swap3A_40 = arith.constant 16 : index
    %swap3A_41 = tpu.vector_load %arg7[%swap3A_38, %swap3A_39, %swap3A_40] {strides = array<i32>} : memref<2x1x400xi32, #tpu.memory_space<vmem>>, vector<16xi32>,
    tpu.vector_store %arg7[%swap3A_38, %swap3A_39, %swap3A_40], %broadcast_in_dim3A_35 {strides = array<i32>} : memref<2x1x400xi32, #tpu.memory_space<vmem>>, vector<16xi32>,
    %broadcast_in_dim3A_42 = arith.constant 0 : i32
    %broadcast_in_dim3A_43 = vector.broadcast %broadcast_in_dim3A_42 : i32 to vector<16xi32>
    %swap3A_44 = arith.constant 1 : i32
    %swap3A_45 = arith.constant 0 : i32
    %swap3A_46 = arith.index_cast %swap3A_44 : i32 to index
    %swap3A_47 = arith.index_cast %swap3A_45 : i32 to index
    %swap3A_48 = arith.constant 32 : index
    %swap3A_49 = tpu.vector_load %arg10[%swap3A_46, %swap3A_47, %swap3A_48] {strides = array<i32>} : memref<2x1x400xi32, #tpu.memory_space<vmem>>, vector<16xi32>,
    tpu.vector_store %arg10[%swap3A_46, %swap3A_47, %swap3A_48], %broadcast_in_dim3A_43 {strides = array<i32>} : memref<2x1x400xi32, #tpu.memory_space<vmem>>, vector<16xi32>,
    %broadcast_in_dim3A_50 = arith.constant 100000 : i32
    %broadcast_in_dim3A_51 = vector.broadcast %broadcast_in_dim3A_50 : i32 to vector<16xi32>
    %swap3A_52 = arith.constant 1 : i32
    %swap3A_53 = arith.constant 0 : i32
    %swap3A_54 = arith.index_cast %swap3A_52 : i32 to index
    %swap3A_55 = arith.index_cast %swap3A_53 : i32 to index
    %swap3A_56 = arith.constant 32 : index
    %swap3A_57 = tpu.vector_load %arg7[%swap3A_54, %swap3A_55, %swap3A_56] {strides = array<i32>} : memref<2x1x400xi32, #tpu.memory_space<vmem>>, vector<16xi32>,
    tpu.vector_store %arg7[%swap3A_54, %swap3A_55, %swap3A_56], %broadcast_in_dim3A_51 {strides = array<i32>} : memref<2x1x400xi32, #tpu.memory_space<vmem>>, vector<16xi32>,
    %broadcast_in_dim3A_58 = arith.constant 0 : i32
    %broadcast_in_dim3A_59 = vector.broadcast %broadcast_in_dim3A_58 : i32 to vector<16xi32>
    %swap3A_60 = arith.constant 1 : i32
    %swap3A_61 = arith.constant 0 : i32
    %swap3A_62 = arith.index_cast %swap3A_60 : i32 to index
    %swap3A_63 = arith.index_cast %swap3A_61 : i32 to index
    %swap3A_64 = arith.constant 48 : index
    %swap3A_65 = tpu.vector_load %arg10[%swap3A_62, %swap3A_63, %swap3A_64] {strides = array<i32>} : memref<2x1x400xi32, #tpu.memory_space<vmem>>, vector<16xi32>,
    tpu.vector_store %arg10[%swap3A_62, %swap3A_63, %swap3A_64], %broadcast_in_dim3A_59 {strides = array<i32>} : memref<2x1x400xi32, #tpu.memory_space<vmem>>, vector<16xi32>,
    %broadcast_in_dim3A_66 = arith.constant 100000 : i32
    %broadcast_in_dim3A_67 = vector.broadcast %broadcast_in_dim3A_66 : i32 to vector<16xi32>
    %swap3A_68 = arith.constant 1 : i32
    %swap3A_69 = arith.constant 0 : i32
    %swap3A_70 = arith.index_cast %swap3A_68 : i32 to index
    %swap3A_71 = arith.index_cast %swap3A_69 : i32 to index
    %swap3A_72 = arith.constant 48 : index
    %swap3A_73 = tpu.vector_load %arg7[%swap3A_70, %swap3A_71, %swap3A_72] {strides = array<i32>} : memref<2x1x400xi32, #tpu.memory_space<vmem>>, vector<16xi32>,
    tpu.vector_store %arg7[%swap3A_70, %swap3A_71, %swap3A_72], %broadcast_in_dim3A_67 {strides = array<i32>} : memref<2x1x400xi32, #tpu.memory_space<vmem>>, vector<16xi32>,
    %broadcast_in_dim3A_74 = arith.constant 0 : i32
    %broadcast_in_dim3A_75 = vector.broadcast %broadcast_in_dim3A_74 : i32 to vector<16xi32>
    %swap3A_76 = arith.constant 1 : i32
    %swap3A_77 = arith.constant 0 : i32
    %swap3A_78 = arith.index_cast %swap3A_76 : i32 to index
    %swap3A_79 = arith.index_cast %swap3A_77 : i32 to index
    %swap3A_80 = arith.constant 64 : index
    %swap3A_81 = tpu.vector_load %arg10[%swap3A_78, %swap3A_79, %swap3A_80] {strides = array<i32>} : memref<2x1x400xi32, #tpu.memory_space<vmem>>, vector<16xi32>,
    tpu.vector_store %arg10[%swap3A_78, %swap3A_79, %swap3A_80], %broadcast_in_dim3A_75 {strides = array<i32>} : memref<2x1x400xi32, #tpu.memory_space<vmem>>, vector<16xi32>,
    %broadcast_in_dim3A_82 = arith.constant 100000 : i32
    %broadcast_in_dim3A_83 = vector.broadcast %broadcast_in_dim3A_82 : i32 to vector<16xi32>
    %swap3A_84 = arith.constant 1 : i32
    %swap3A_85 = arith.constant 0 : i32
    %swap3A_86 = arith.index_cast %swap3A_84 : i32 to index
    %swap3A_87 = arith.index_cast %swap3A_85 : i32 to index
    %swap3A_88 = arith.constant 64 : index
    %swap3A_89 = tpu.vector_load %arg7[%swap3A_86, %swap3A_87, %swap3A_88] {strides = array<i32>} : memref<2x1x400xi32, #tpu.memory_space<vmem>>, vector<16xi32>,
    tpu.vector_store %arg7[%swap3A_86, %swap3A_87, %swap3A_88], %broadcast_in_dim3A_83 {strides = array<i32>} : memref<2x1x400xi32, #tpu.memory_space<vmem>>, vector<16xi32>,
    %broadcast_in_dim3A_90 = arith.constant 0 : i32
    %broadcast_in_dim3A_91 = vector.broadcast %broadcast_in_dim3A_90 : i32 to vector<16xi32>
    %swap3A_92 = arith.constant 1 : i32
    %swap3A_93 = arith.constant 0 : i32
    %swap3A_94 = arith.index_cast %swap3A_92 : i32 to index
    %swap3A_95 = arith.index_cast %swap3A_93 : i32 to index
    %swap3A_96 = arith.constant 80 : index
    %swap3A_97 = tpu.vector_load %arg10[%swap3A_94, %swap3A_95, %swap3A_96] {strides = array<i32>} : memref<2x1x400xi32, #tpu.memory_space<vmem>>, vector<16xi32>,
    tpu.vector_store %arg10[%swap3A_94, %swap3A_95, %swap3A_96], %broadcast_in_dim3A_91 {strides = array<i32>} : memref<2x1x400xi32, #tpu.memory_space<vmem>>, vector<16xi32>,
    %broadcast_in_dim3A_98 = arith.constant 100000 : i32
    %broadcast_in_dim3A_99 = vector.broadcast %broadcast_in_dim3A_98 : i32 to vector<16xi32>
    %swap3A_100 = arith.constant 1 : i32
    %swap3A_101 = arith.constant 0 : i32
    %swap3A_102 = arith.index_cast %swap3A_100 : i32 to index
    %swap3A_103 = arith.index_cast %swap3A_101 : i32 to index
    %swap3A_104 = arith.constant 80 : index
    %swap3A_105 = tpu.vector_load %arg7[%swap3A_102, %swap3A_103, %swap3A_104] {strides = array<i32>} : memref<2x1x400xi32, #tpu.memory_space<vmem>>, vector<16xi32>,
    tpu.vector_store %arg7[%swap3A_102, %swap3A_103, %swap3A_104], %broadcast_in_dim3A_99 {strides = array<i32>} : memref<2x1x400xi32, #tpu.memory_space<vmem>>, vector<16xi32>,
    %broadcast_in_dim3A_106 = arith.constant 0 : i32
    %broadcast_in_dim3A_107 = vector.broadcast %broadcast_in_dim3A_106 : i32 to vector<16xi32>
    %swap3A_108 = arith.constant 1 : i32
    %swap3A_109 = arith.constant 0 : i32
    %swap3A_110 = arith.index_cast %swap3A_108 : i32 to index
    %swap3A_111 = arith.index_cast %swap3A_109 : i32 to index
    %swap3A_112 = arith.constant 96 : index
    %swap3A_113 = tpu.vector_load %arg10[%swap3A_110, %swap3A_111, %swap3A_112] {strides = array<i32>} : memref<2x1x400xi32, #tpu.memory_space<vmem>>, vector<16xi32>,
    tpu.vector_store %arg10[%swap3A_110, %swap3A_111, %swap3A_112], %broadcast_in_dim3A_107 {strides = array<i32>} : memref<2x1x400xi32, #tpu.memory_space<vmem>>, vector<16xi32>,
    %broadcast_in_dim3A_114 = arith.constant 100000 : i32
    %broadcast_in_dim3A_115 = vector.broadcast %broadcast_in_dim3A_114 : i32 to vector<16xi32>
    %swap3A_116 = arith.constant 1 : i32
    %swap3A_117 = arith.constant 0 : i32
    %swap3A_118 = arith.index_cast %swap3A_116 : i32 to index
    %swap3A_119 = arith.index_cast %swap3A_117 : i32 to index
    %swap3A_120 = arith.constant 96 : index
    %swap3A_121 = tpu.vector_load %arg7[%swap3A_118, %swap3A_119, %swap3A_120] {strides = array<i32>} : memref<2x1x400xi32, #tpu.memory_space<vmem>>, vector<16xi32>,
    tpu.vector_store %arg7[%swap3A_118, %swap3A_119, %swap3A_120], %broadcast_in_dim3A_115 {strides = array<i32>} : memref<2x1x400xi32, #tpu.memory_space<vmem>>, vector<16xi32>,
    %broadcast_in_dim3A_122 = arith.constant 0 : i32
    %broadcast_in_dim3A_123 = vector.broadcast %broadcast_in_dim3A_122 : i32 to vector<16xi32>
    %swap3A_124 = arith.constant 1 : i32
    %swap3A_125 = arith.constant 0 : i32
    %swap3A_126 = arith.index_cast %swap3A_124 : i32 to index
    %swap3A_127 = arith.index_cast %swap3A_125 : i32 to index
    %swap3A_128 = arith.constant 112 : index
    %swap3A_129 = tpu.vector_load %arg10[%swap3A_126, %swap3A_127, %swap3A_128] {strides = array<i32>} : memref<2x1x400xi32, #tpu.memory_space<vmem>>, vector<16xi32>,
    tpu.vector_store %arg10[%swap3A_126, %swap3A_127, %swap3A_128], %broadcast_in_dim3A_123 {strides = array<i32>} : memref<2x1x400xi32, #tpu.memory_space<vmem>>, vector<16xi32>,
    %broadcast_in_dim3A_130 = arith.constant 100000 : i32
    %broadcast_in_dim3A_131 = vector.broadcast %broadcast_in_dim3A_130 : i32 to vector<16xi32>
    %swap3A_132 = arith.constant 1 : i32
    %swap3A_133 = arith.constant 0 : i32
    %swap3A_134 = arith.index_cast %swap3A_132 : i32 to index
    %swap3A_135 = arith.index_cast %swap3A_133 : i32 to index
    %swap3A_136 = arith.constant 112 : index
    %swap3A_137 = tpu.vector_load %arg7[%swap3A_134, %swap3A_135, %swap3A_136] {strides = array<i32>} : memref<2x1x400xi32, #tpu.memory_space<vmem>>, vector<16xi32>,
    tpu.vector_store %arg7[%swap3A_134, %swap3A_135, %swap3A_136], %broadcast_in_dim3A_131 {strides = array<i32>} : memref<2x1x400xi32, #tpu.memory_space<vmem>>, vector<16xi32>,
    %broadcast_in_dim3A_138 = arith.constant 0 : i32
    %broadcast_in_dim3A_139 = vector.broadcast %broadcast_in_dim3A_138 : i32 to vector<16xi32>
    %swap3A_140 = arith.constant 1 : i32
    %swap3A_141 = arith.constant 0 : i32
    %swap3A_142 = arith.index_cast %swap3A_140 : i32 to index
    %swap3A_143 = arith.index_cast %swap3A_141 : i32 to index
    %swap3A_144 = arith.constant 128 : index
    %swap3A_145 = tpu.vector_load %arg10[%swap3A_142, %swap3A_143, %swap3A_144] {strides = array<i32>} : memref<2x1x400xi32, #tpu.memory_space<vmem>>, vector<16xi32>,
    tpu.vector_store %arg10[%swap3A_142, %swap3A_143, %swap3A_144], %broadcast_in_dim3A_139 {strides = array<i32>} : memref<2x1x400xi32, #tpu.memory_space<vmem>>, vector<16xi32>,
    %broadcast_in_dim3A_146 = arith.constant 100000 : i32
    %broadcast_in_dim3A_147 = vector.broadcast %broadcast_in_dim3A_146 : i32 to vector<16xi32>
    %swap3A_148 = arith.constant 1 : i32
    %swap3A_149 = arith.constant 0 : i32
    %swap3A_150 = arith.index_cast %swap3A_148 : i32 to index
    %swap3A_151 = arith.index_cast %swap3A_149 : i32 to index
    %swap3A_152 = arith.constant 128 : index
    %swap3A_153 = tpu.vector_load %arg7[%swap3A_150, %swap3A_151, %swap3A_152] {strides = array<i32>} : memref<2x1x400xi32, #tpu.memory_space<vmem>>, vector<16xi32>,
    tpu.vector_store %arg7[%swap3A_150, %swap3A_151, %swap3A_152], %broadcast_in_dim3A_147 {strides = array<i32>} : memref<2x1x400xi32, #tpu.memory_space<vmem>>, vector<16xi32>,
    %broadcast_in_dim3A_154 = arith.constant 0 : i32
    %broadcast_in_dim3A_155 = vector.broadcast %broadcast_in_dim3A_154 : i32 to vector<16xi32>
    %swap3A_156 = arith.constant 1 : i32
    %swap3A_157 = arith.constant 0 : i32
    %swap3A_158 = arith.index_cast %swap3A_156 : i32 to index
    %swap3A_159 = arith.index_cast %swap3A_157 : i32 to index
    %swap3A_160 = arith.constant 144 : index
    %swap3A_161 = tpu.vector_load %arg10[%swap3A_158, %swap3A_159, %swap3A_160] {strides = array<i32>} : memref<2x1x400xi32, #tpu.memory_space<vmem>>, vector<16xi32>,
    tpu.vector_store %arg10[%swap3A_158, %swap3A_159, %swap3A_160], %broadcast_in_dim3A_155 {strides = array<i32>} : memref<2x1x400xi32, #tpu.memory_space<vmem>>, vector<16xi32>,
    %broadcast_in_dim3A_162 = arith.constant 100000 : i32
    %broadcast_in_dim3A_163 = vector.broadcast %broadcast_in_dim3A_162 : i32 to vector<16xi32>
    %swap3A_164 = arith.constant 1 : i32
    %swap3A_165 = arith.constant 0 : i32
    %swap3A_166 = arith.index_cast %swap3A_164 : i32 to index
    %swap3A_167 = arith.index_cast %swap3A_165 : i32 to index
    %swap3A_168 = arith.constant 144 : index
    %swap3A_169 = tpu.vector_load %arg7[%swap3A_166, %swap3A_167, %swap3A_168] {strides = array<i32>} : memref<2x1x400xi32, #tpu.memory_space<vmem>>, vector<16xi32>,
    tpu.vector_store %arg7[%swap3A_166, %swap3A_167, %swap3A_168], %broadcast_in_dim3A_163 {strides = array<i32>} : memref<2x1x400xi32, #tpu.memory_space<vmem>>, vector<16xi32>,
    %broadcast_in_dim3A_170 = arith.constant 0 : i32
    %broadcast_in_dim3A_171 = vector.broadcast %broadcast_in_dim3A_170 : i32 to vector<16xi32>
    %swap3A_172 = arith.constant 1 : i32
    %swap3A_173 = arith.constant 0 : i32
    %swap3A_174 = arith.index_cast %swap3A_172 : i32 to index
    %swap3A_175 = arith.index_cast %swap3A_173 : i32 to index
    %swap3A_176 = arith.constant 160 : index
    %swap3A_177 = tpu.vector_load %arg10[%swap3A_174, %swap3A_175, %swap3A_176] {strides = array<i32>} : memref<2x1x400xi32, #tpu.memory_space<vmem>>, vector<16xi32>,
    tpu.vector_store %arg10[%swap3A_174, %swap3A_175, %swap3A_176], %broadcast_in_dim3A_171 {strides = array<i32>} : memref<2x1x400xi32, #tpu.memory_space<vmem>>, vector<16xi32>,
    %broadcast_in_dim3A_178 = arith.constant 100000 : i32
    %broadcast_in_dim3A_179 = vector.broadcast %broadcast_in_dim3A_178 : i32 to vector<16xi32>
    %swap3A_180 = arith.constant 1 : i32
    %swap3A_181 = arith.constant 0 : i32
    %swap3A_182 = arith.index_cast %swap3A_180 : i32 to index
    %swap3A_183 = arith.index_cast %swap3A_181 : i32 to index
    %swap3A_184 = arith.constant 160 : index
    %swap3A_185 = tpu.vector_load %arg7[%swap3A_182, %swap3A_183, %swap3A_184] {strides = array<i32>} : memref<2x1x400xi32, #tpu.memory_space<vmem>>, vector<16xi32>,
    tpu.vector_store %arg7[%swap3A_182, %swap3A_183, %swap3A_184], %broadcast_in_dim3A_179 {strides = array<i32>} : memref<2x1x400xi32, #tpu.memory_space<vmem>>, vector<16xi32>,
    %broadcast_in_dim3A_186 = arith.constant 0 : i32
    %broadcast_in_dim3A_187 = vector.broadcast %broadcast_in_dim3A_186 : i32 to vector<16xi32>
    %swap3A_188 = arith.constant 1 : i32
    %swap3A_189 = arith.constant 0 : i32
    %swap3A_190 = arith.index_cast %swap3A_188 : i32 to index
    %swap3A_191 = arith.index_cast %swap3A_189 : i32 to index
    %swap3A_192 = arith.constant 176 : index
    %swap3A_193 = tpu.vector_load %arg10[%swap3A_190, %swap3A_191, %swap3A_192] {strides = array<i32>} : memref<2x1x400xi32, #tpu.memory_space<vmem>>, vector<16xi32>,
    tpu.vector_store %arg10[%swap3A_190, %swap3A_191, %swap3A_192], %broadcast_in_dim3A_187 {strides = array<i32>} : memref<2x1x400xi32, #tpu.memory_space<vmem>>, vector<16xi32>,
    %broadcast_in_dim3A_194 = arith.constant 100000 : i32
    %broadcast_in_dim3A_195 = vector.broadcast %broadcast_in_dim3A_194 : i32 to vector<16xi32>
    %swap3A_196 = arith.constant 1 : i32
    %swap3A_197 = arith.constant 0 : i32
    %swap3A_198 = arith.index_cast %swap3A_196 : i32 to index
    %swap3A_199 = arith.index_cast %swap3A_197 : i32 to index
    %swap3A_200 = arith.constant 176 : index
    %swap3A_201 = tpu.vector_load %arg7[%swap3A_198, %swap3A_199, %swap3A_200] {strides = array<i32>} : memref<2x1x400xi32, #tpu.memory_space<vmem>>, vector<16xi32>,
    tpu.vector_store %arg7[%swap3A_198, %swap3A_199, %swap3A_200], %broadcast_in_dim3A_195 {strides = array<i32>} : memref<2x1x400xi32, #tpu.memory_space<vmem>>, vector<16xi32>,
    %broadcast_in_dim3A_202 = arith.constant 0 : i32
    %broadcast_in_dim3A_203 = vector.broadcast %broadcast_in_dim3A_202 : i32 to vector<16xi32>
    %swap3A_204 = arith.constant 1 : i32
    %swap3A_205 = arith.constant 0 : i32
    %swap3A_206 = arith.index_cast %swap3A_204 : i32 to index
    %swap3A_207 = arith.index_cast %swap3A_205 : i32 to index
    %swap3A_208 = arith.constant 192 : index
    %swap3A_209 = tpu.vector_load %arg10[%swap3A_206, %swap3A_207, %swap3A_208] {strides = array<i32>} : memref<2x1x400xi32, #tpu.memory_space<vmem>>, vector<16xi32>,
    tpu.vector_store %arg10[%swap3A_206, %swap3A_207, %swap3A_208], %broadcast_in_dim3A_203 {strides = array<i32>} : memref<2x1x400xi32, #tpu.memory_space<vmem>>, vector<16xi32>,
    %broadcast_in_dim3A_210 = arith.constant 100000 : i32
    %broadcast_in_dim3A_211 = vector.broadcast %broadcast_in_dim3A_210 : i32 to vector<16xi32>
    %swap3A_212 = arith.constant 1 : i32
    %swap3A_213 = arith.constant 0 : i32
    %swap3A_214 = arith.index_cast %swap3A_212 : i32 to index
    %swap3A_215 = arith.index_cast %swap3A_213 : i32 to index
    %swap3A_216 = arith.constant 192 : index
    %swap3A_217 = tpu.vector_load %arg7[%swap3A_214, %swap3A_215, %swap3A_216] {strides = array<i32>} : memref<2x1x400xi32, #tpu.memory_space<vmem>>, vector<16xi32>,
    tpu.vector_store %arg7[%swap3A_214, %swap3A_215, %swap3A_216], %broadcast_in_dim3A_211 {strides = array<i32>} : memref<2x1x400xi32, #tpu.memory_space<vmem>>, vector<16xi32>,
    %broadcast_in_dim3A_218 = arith.constant 0 : i32
    %broadcast_in_dim3A_219 = vector.broadcast %broadcast_in_dim3A_218 : i32 to vector<16xi32>
    %swap3A_220 = arith.constant 1 : i32
    %swap3A_221 = arith.constant 0 : i32
    %swap3A_222 = arith.index_cast %swap3A_220 : i32 to index
    %swap3A_223 = arith.index_cast %swap3A_221 : i32 to index
    %swap3A_224 = arith.constant 208 : index
    %swap3A_225 = tpu.vector_load %arg10[%swap3A_222, %swap3A_223, %swap3A_224] {strides = array<i32>} : memref<2x1x400xi32, #tpu.memory_space<vmem>>, vector<16xi32>,
    tpu.vector_store %arg10[%swap3A_222, %swap3A_223, %swap3A_224], %broadcast_in_dim3A_219 {strides = array<i32>} : memref<2x1x400xi32, #tpu.memory_space<vmem>>, vector<16xi32>,
    %broadcast_in_dim3A_226 = arith.constant 100000 : i32
    %broadcast_in_dim3A_227 = vector.broadcast %broadcast_in_dim3A_226 : i32 to vector<16xi32>
    %swap3A_228 = arith.constant 1 : i32
    %swap3A_229 = arith.constant 0 : i32
    %swap3A_230 = arith.index_cast %swap3A_228 : i32 to index
    %swap3A_231 = arith.index_cast %swap3A_229 : i32 to index
    %swap3A_232 = arith.constant 208 : index
    %swap3A_233 = tpu.vector_load %arg7[%swap3A_230, %swap3A_231, %swap3A_232] {strides = array<i32>} : memref<2x1x400xi32, #tpu.memory_space<vmem>>, vector<16xi32>,
    tpu.vector_store %arg7[%swap3A_230, %swap3A_231, %swap3A_232], %broadcast_in_dim3A_227 {strides = array<i32>} : memref<2x1x400xi32, #tpu.memory_space<vmem>>, vector<16xi32>,
    %broadcast_in_dim3A_234 = arith.constant 0 : i32
    %broadcast_in_dim3A_235 = vector.broadcast %broadcast_in_dim3A_234 : i32 to vector<16xi32>
    %swap3A_236 = arith.constant 1 : i32
    %swap3A_237 = arith.constant 0 : i32
    %swap3A_238 = arith.index_cast %swap3A_236 : i32 to index
    %swap3A_239 = arith.index_cast %swap3A_237 : i32 to index
    %swap3A_240 = arith.constant 224 : index
    %swap3A_241 = tpu.vector_load %arg10[%swap3A_238, %swap3A_239, %swap3A_240] {strides = array<i32>} : memref<2x1x400xi32, #tpu.memory_space<vmem>>, vector<16xi32>,
    tpu.vector_store %arg10[%swap3A_238, %swap3A_239, %swap3A_240], %broadcast_in_dim3A_235 {strides = array<i32>} : memref<2x1x400xi32, #tpu.memory_space<vmem>>, vector<16xi32>,
    %broadcast_in_dim3A_242 = arith.constant 100000 : i32
    %broadcast_in_dim3A_243 = vector.broadcast %broadcast_in_dim3A_242 : i32 to vector<16xi32>
    %swap3A_244 = arith.constant 1 : i32
    %swap3A_245 = arith.constant 0 : i32
    %swap3A_246 = arith.index_cast %swap3A_244 : i32 to index
    %swap3A_247 = arith.index_cast %swap3A_245 : i32 to index
    %swap3A_248 = arith.constant 224 : index
    %swap3A_249 = tpu.vector_load %arg7[%swap3A_246, %swap3A_247, %swap3A_248] {strides = array<i32>} : memref<2x1x400xi32, #tpu.memory_space<vmem>>, vector<16xi32>,
    tpu.vector_store %arg7[%swap3A_246, %swap3A_247, %swap3A_248], %broadcast_in_dim3A_243 {strides = array<i32>} : memref<2x1x400xi32, #tpu.memory_space<vmem>>, vector<16xi32>,
    %broadcast_in_dim3A_250 = arith.constant 0 : i32
    %broadcast_in_dim3A_251 = vector.broadcast %broadcast_in_dim3A_250 : i32 to vector<16xi32>
    %swap3A_252 = arith.constant 1 : i32
    %swap3A_253 = arith.constant 0 : i32
    %swap3A_254 = arith.index_cast %swap3A_252 : i32 to index
    %swap3A_255 = arith.index_cast %swap3A_253 : i32 to index
    %swap3A_256 = arith.constant 240 : index
    %swap3A_257 = tpu.vector_load %arg10[%swap3A_254, %swap3A_255, %swap3A_256] {strides = array<i32>} : memref<2x1x400xi32, #tpu.memory_space<vmem>>, vector<16xi32>,
    tpu.vector_store %arg10[%swap3A_254, %swap3A_255, %swap3A_256], %broadcast_in_dim3A_251 {strides = array<i32>} : memref<2x1x400xi32, #tpu.memory_space<vmem>>, vector<16xi32>,
    %broadcast_in_dim3A_258 = arith.constant 100000 : i32
    %broadcast_in_dim3A_259 = vector.broadcast %broadcast_in_dim3A_258 : i32 to vector<16xi32>
    %swap3A_260 = arith.constant 1 : i32
    %swap3A_261 = arith.constant 0 : i32
    %swap3A_262 = arith.index_cast %swap3A_260 : i32 to index
    %swap3A_263 = arith.index_cast %swap3A_261 : i32 to index
    %swap3A_264 = arith.constant 240 : index
    %swap3A_265 = tpu.vector_load %arg7[%swap3A_262, %swap3A_263, %swap3A_264] {strides = array<i32>} : memref<2x1x400xi32, #tpu.memory_space<vmem>>, vector<16xi32>,
    tpu.vector_store %arg7[%swap3A_262, %swap3A_263, %swap3A_264], %broadcast_in_dim3A_259 {strides = array<i32>} : memref<2x1x400xi32, #tpu.memory_space<vmem>>, vector<16xi32>,
    %broadcast_in_dim3A_266 = arith.constant 0 : i32
    %broadcast_in_dim3A_267 = vector.broadcast %broadcast_in_dim3A_266 : i32 to vector<16xi32>
    %swap3A_268 = arith.constant 1 : i32
    %swap3A_269 = arith.constant 0 : i32
    %swap3A_270 = arith.index_cast %swap3A_268 : i32 to index
    %swap3A_271 = arith.index_cast %swap3A_269 : i32 to index
    %swap3A_272 = arith.constant 256 : index
    %swap3A_273 = tpu.vector_load %arg10[%swap3A_270, %swap3A_271, %swap3A_272] {strides = array<i32>} : memref<2x1x400xi32, #tpu.memory_space<vmem>>, vector<16xi32>,
    tpu.vector_store %arg10[%swap3A_270, %swap3A_271, %swap3A_272], %broadcast_in_dim3A_267 {strides = array<i32>} : memref<2x1x400xi32, #tpu.memory_space<vmem>>, vector<16xi32>,
    %broadcast_in_dim3A_274 = arith.constant 100000 : i32
    %broadcast_in_dim3A_275 = vector.broadcast %broadcast_in_dim3A_274 : i32 to vector<16xi32>
    %swap3A_276 = arith.constant 1 : i32
    %swap3A_277 = arith.constant 0 : i32
    %swap3A_278 = arith.index_cast %swap3A_276 : i32 to index
    %swap3A_279 = arith.index_cast %swap3A_277 : i32 to index
    %swap3A_280 = arith.constant 256 : index
    %swap3A_281 = tpu.vector_load %arg7[%swap3A_278, %swap3A_279, %swap3A_280] {strides = array<i32>} : memref<2x1x400xi32, #tpu.memory_space<vmem>>, vector<16xi32>,
    tpu.vector_store %arg7[%swap3A_278, %swap3A_279, %swap3A_280], %broadcast_in_dim3A_275 {strides = array<i32>} : memref<2x1x400xi32, #tpu.memory_space<vmem>>, vector<16xi32>,
    %broadcast_in_dim3A_282 = arith.constant 0 : i32
    %broadcast_in_dim3A_283 = vector.broadcast %broadcast_in_dim3A_282 : i32 to vector<16xi32>
    %swap3A_284 = arith.constant 1 : i32
    %swap3A_285 = arith.constant 0 : i32
    %swap3A_286 = arith.index_cast %swap3A_284 : i32 to index
    %swap3A_287 = arith.index_cast %swap3A_285 : i32 to index
    %swap3A_288 = arith.constant 272 : index
    %swap3A_289 = tpu.vector_load %arg10[%swap3A_286, %swap3A_287, %swap3A_288] {strides = array<i32>} : memref<2x1x400xi32, #tpu.memory_space<vmem>>, vector<16xi32>,
    tpu.vector_store %arg10[%swap3A_286, %swap3A_287, %swap3A_288], %broadcast_in_dim3A_283 {strides = array<i32>} : memref<2x1x400xi32, #tpu.memory_space<vmem>>, vector<16xi32>,
    %broadcast_in_dim3A_290 = arith.constant 100000 : i32
    %broadcast_in_dim3A_291 = vector.broadcast %broadcast_in_dim3A_290 : i32 to vector<16xi32>
    %swap3A_292 = arith.constant 1 : i32
    %swap3A_293 = arith.constant 0 : i32
    %swap3A_294 = arith.index_cast %swap3A_292 : i32 to index
    %swap3A_295 = arith.index_cast %swap3A_293 : i32 to index
    %swap3A_296 = arith.constant 272 : index
    %swap3A_297 = tpu.vector_load %arg7[%swap3A_294, %swap3A_295, %swap3A_296] {strides = array<i32>} : memref<2x1x400xi32, #tpu.memory_space<vmem>>, vector<16xi32>,
    tpu.vector_store %arg7[%swap3A_294, %swap3A_295, %swap3A_296], %broadcast_in_dim3A_291 {strides = array<i32>} : memref<2x1x400xi32, #tpu.memory_space<vmem>>, vector<16xi32>,
    %broadcast_in_dim3A_298 = arith.constant 0 : i32
    %broadcast_in_dim3A_299 = vector.broadcast %broadcast_in_dim3A_298 : i32 to vector<16xi32>
    %swap3A_300 = arith.constant 1 : i32
    %swap3A_301 = arith.constant 0 : i32
    %swap3A_302 = arith.index_cast %swap3A_300 : i32 to index
    %swap3A_303 = arith.index_cast %swap3A_301 : i32 to index
    %swap3A_304 = arith.constant 288 : index
    %swap3A_305 = tpu.vector_load %arg10[%swap3A_302, %swap3A_303, %swap3A_304] {strides = array<i32>} : memref<2x1x400xi32, #tpu.memory_space<vmem>>, vector<16xi32>,
    tpu.vector_store %arg10[%swap3A_302, %swap3A_303, %swap3A_304], %broadcast_in_dim3A_299 {strides = array<i32>} : memref<2x1x400xi32, #tpu.memory_space<vmem>>, vector<16xi32>,
    %broadcast_in_dim3A_306 = arith.constant 100000 : i32
    %broadcast_in_dim3A_307 = vector.broadcast %broadcast_in_dim3A_306 : i32 to vector<16xi32>
    %swap3A_308 = arith.constant 1 : i32
    %swap3A_309 = arith.constant 0 : i32
    %swap3A_310 = arith.index_cast %swap3A_308 : i32 to index
    %swap3A_311 = arith.index_cast %swap3A_309 : i32 to index
    %swap3A_312 = arith.constant 288 : index
    %swap3A_313 = tpu.vector_load %arg7[%swap3A_310, %swap3A_311, %swap3A_312] {strides = array<i32>} : memref<2x1x400xi32, #tpu.memory_space<vmem>>, vector<16xi32>,
    tpu.vector_store %arg7[%swap3A_310, %swap3A_311, %swap3A_312], %broadcast_in_dim3A_307 {strides = array<i32>} : memref<2x1x400xi32, #tpu.memory_space<vmem>>, vector<16xi32>,
    %broadcast_in_dim3A_314 = arith.constant 0 : i32
    %broadcast_in_dim3A_315 = vector.broadcast %broadcast_in_dim3A_314 : i32 to vector<16xi32>
    %swap3A_316 = arith.constant 1 : i32
    %swap3A_317 = arith.constant 0 : i32
    %swap3A_318 = arith.index_cast %swap3A_316 : i32 to index
    %swap3A_319 = arith.index_cast %swap3A_317 : i32 to index
    %swap3A_320 = arith.constant 304 : index
    %swap3A_321 = tpu.vector_load %arg10[%swap3A_318, %swap3A_319, %swap3A_320] {strides = array<i32>} : memref<2x1x400xi32, #tpu.memory_space<vmem>>, vector<16xi32>,
    tpu.vector_store %arg10[%swap3A_318, %swap3A_319, %swap3A_320], %broadcast_in_dim3A_315 {strides = array<i32>} : memref<2x1x400xi32, #tpu.memory_space<vmem>>, vector<16xi32>,
    %broadcast_in_dim3A_322 = arith.constant 100000 : i32
    %broadcast_in_dim3A_323 = vector.broadcast %broadcast_in_dim3A_322 : i32 to vector<16xi32>
    %swap3A_324 = arith.constant 1 : i32
    %swap3A_325 = arith.constant 0 : i32
    %swap3A_326 = arith.index_cast %swap3A_324 : i32 to index
    %swap3A_327 = arith.index_cast %swap3A_325 : i32 to index
    %swap3A_328 = arith.constant 304 : index
    %swap3A_329 = tpu.vector_load %arg7[%swap3A_326, %swap3A_327, %swap3A_328] {strides = array<i32>} : memref<2x1x400xi32, #tpu.memory_space<vmem>>, vector<16xi32>,
    tpu.vector_store %arg7[%swap3A_326, %swap3A_327, %swap3A_328], %broadcast_in_dim3A_323 {strides = array<i32>} : memref<2x1x400xi32, #tpu.memory_space<vmem>>, vector<16xi32>,
    %broadcast_in_dim3A_330 = arith.constant 0 : i32
    %broadcast_in_dim3A_331 = vector.broadcast %broadcast_in_dim3A_330 : i32 to vector<16xi32>
    %swap3A_332 = arith.constant 1 : i32
    %swap3A_333 = arith.constant 0 : i32
    %swap3A_334 = arith.index_cast %swap3A_332 : i32 to index
    %swap3A_335 = arith.index_cast %swap3A_333 : i32 to index
    %swap3A_336 = arith.constant 320 : index
    %swap3A_337 = tpu.vector_load %arg10[%swap3A_334, %swap3A_335, %swap3A_336] {strides = array<i32>} : memref<2x1x400xi32, #tpu.memory_space<vmem>>, vector<16xi32>,
    tpu.vector_store %arg10[%swap3A_334, %swap3A_335, %swap3A_336], %broadcast_in_dim3A_331 {strides = array<i32>} : memref<2x1x400xi32, #tpu.memory_space<vmem>>, vector<16xi32>,
    %broadcast_in_dim3A_338 = arith.constant 100000 : i32
    %broadcast_in_dim3A_339 = vector.broadcast %broadcast_in_dim3A_338 : i32 to vector<16xi32>
    %swap3A_340 = arith.constant 1 : i32
    %swap3A_341 = arith.constant 0 : i32
    %swap3A_342 = arith.index_cast %swap3A_340 : i32 to index
    %swap3A_343 = arith.index_cast %swap3A_341 : i32 to index
    %swap3A_344 = arith.constant 320 : index
    %swap3A_345 = tpu.vector_load %arg7[%swap3A_342, %swap3A_343, %swap3A_344] {strides = array<i32>} : memref<2x1x400xi32, #tpu.memory_space<vmem>>, vector<16xi32>,
    tpu.vector_store %arg7[%swap3A_342, %swap3A_343, %swap3A_344], %broadcast_in_dim3A_339 {strides = array<i32>} : memref<2x1x400xi32, #tpu.memory_space<vmem>>, vector<16xi32>,
    %broadcast_in_dim3A_346 = arith.constant 0 : i32
    %broadcast_in_dim3A_347 = vector.broadcast %broadcast_in_dim3A_346 : i32 to vector<16xi32>
    %swap3A_348 = arith.constant 1 : i32
    %swap3A_349 = arith.constant 0 : i32
    %swap3A_350 = arith.index_cast %swap3A_348 : i32 to index
    %swap3A_351 = arith.index_cast %swap3A_349 : i32 to index
    %swap3A_352 = arith.constant 336 : index
    %swap3A_353 = tpu.vector_load %arg10[%swap3A_350, %swap3A_351, %swap3A_352] {strides = array<i32>} : memref<2x1x400xi32, #tpu.memory_space<vmem>>, vector<16xi32>,
    tpu.vector_store %arg10[%swap3A_350, %swap3A_351, %swap3A_352], %broadcast_in_dim3A_347 {strides = array<i32>} : memref<2x1x400xi32, #tpu.memory_space<vmem>>, vector<16xi32>,
    %broadcast_in_dim3A_354 = arith.constant 100000 : i32
    %broadcast_in_dim3A_355 = vector.broadcast %broadcast_in_dim3A_354 : i32 to vector<16xi32>
    %swap3A_356 = arith.constant 1 : i32
    %swap3A_357 = arith.constant 0 : i32
    %swap3A_358 = arith.index_cast %swap3A_356 : i32 to index
    %swap3A_359 = arith.index_cast %swap3A_357 : i32 to index
    %swap3A_360 = arith.constant 336 : index
    %swap3A_361 = tpu.vector_load %arg7[%swap3A_358, %swap3A_359, %swap3A_360] {strides = array<i32>} : memref<2x1x400xi32, #tpu.memory_space<vmem>>, vector<16xi32>,
    tpu.vector_store %arg7[%swap3A_358, %swap3A_359, %swap3A_360], %broadcast_in_dim3A_355 {strides = array<i32>} : memref<2x1x400xi32, #tpu.memory_space<vmem>>, vector<16xi32>,
    %broadcast_in_dim3A_362 = arith.constant 0 : i32
    %broadcast_in_dim3A_363 = vector.broadcast %broadcast_in_dim3A_362 : i32 to vector<16xi32>
    %swap3A_364 = arith.constant 1 : i32
    %swap3A_365 = arith.constant 0 : i32
    %swap3A_366 = arith.index_cast %swap3A_364 : i32 to index
    %swap3A_367 = arith.index_cast %swap3A_365 : i32 to index
    %swap3A_368 = arith.constant 352 : index
    %swap3A_369 = tpu.vector_load %arg10[%swap3A_366, %swap3A_367, %swap3A_368] {strides = array<i32>} : memref<2x1x400xi32, #tpu.memory_space<vmem>>, vector<16xi32>,
    tpu.vector_store %arg10[%swap3A_366, %swap3A_367, %swap3A_368], %broadcast_in_dim3A_363 {strides = array<i32>} : memref<2x1x400xi32, #tpu.memory_space<vmem>>, vector<16xi32>,
    %broadcast_in_dim3A_370 = arith.constant 100000 : i32
    %broadcast_in_dim3A_371 = vector.broadcast %broadcast_in_dim3A_370 : i32 to vector<16xi32>
    %swap3A_372 = arith.constant 1 : i32
    %swap3A_373 = arith.constant 0 : i32
    %swap3A_374 = arith.index_cast %swap3A_372 : i32 to index
    %swap3A_375 = arith.index_cast %swap3A_373 : i32 to index
    %swap3A_376 = arith.constant 352 : index
    %swap3A_377 = tpu.vector_load %arg7[%swap3A_374, %swap3A_375, %swap3A_376] {strides = array<i32>} : memref<2x1x400xi32, #tpu.memory_space<vmem>>, vector<16xi32>,
    tpu.vector_store %arg7[%swap3A_374, %swap3A_375, %swap3A_376], %broadcast_in_dim3A_371 {strides = array<i32>} : memref<2x1x400xi32, #tpu.memory_space<vmem>>, vector<16xi32>,
    %broadcast_in_dim3A_378 = arith.constant 0 : i32
    %broadcast_in_dim3A_379 = vector.broadcast %broadcast_in_dim3A_378 : i32 to vector<16xi32>
    %swap3A_380 = arith.constant 1 : i32
    %swap3A_381 = arith.constant 0 : i32
    %swap3A_382 = arith.index_cast %swap3A_380 : i32 to index
    %swap3A_383 = arith.index_cast %swap3A_381 : i32 to index
    %swap3A_384 = arith.constant 368 : index
    %swap3A_385 = tpu.vector_load %arg10[%swap3A_382, %swap3A_383, %swap3A_384] {strides = array<i32>} : memref<2x1x400xi32, #tpu.memory_space<vmem>>, vector<16xi32>,
    tpu.vector_store %arg10[%swap3A_382, %swap3A_383, %swap3A_384], %broadcast_in_dim3A_379 {strides = array<i32>} : memref<2x1x400xi32, #tpu.memory_space<vmem>>, vector<16xi32>,
    %broadcast_in_dim3A_386 = arith.constant 100000 : i32
    %broadcast_in_dim3A_387 = vector.broadcast %broadcast_in_dim3A_386 : i32 to vector<16xi32>
    %swap3A_388 = arith.constant 1 : i32
    %swap3A_389 = arith.constant 0 : i32
    %swap3A_390 = arith.index_cast %swap3A_388 : i32 to index
    %swap3A_391 = arith.index_cast %swap3A_389 : i32 to index
    %swap3A_392 = arith.constant 368 : index
    %swap3A_393 = tpu.vector_load %arg7[%swap3A_390, %swap3A_391, %swap3A_392] {strides = array<i32>} : memref<2x1x400xi32, #tpu.memory_space<vmem>>, vector<16xi32>,
    tpu.vector_store %arg7[%swap3A_390, %swap3A_391, %swap3A_392], %broadcast_in_dim3A_387 {strides = array<i32>} : memref<2x1x400xi32, #tpu.memory_space<vmem>>, vector<16xi32>,
    %broadcast_in_dim3A_394 = arith.constant 0 : i32
    %broadcast_in_dim3A_395 = vector.broadcast %broadcast_in_dim3A_394 : i32 to vector<16xi32>
    %swap3A_396 = arith.constant 1 : i32
    %swap3A_397 = arith.constant 0 : i32
    %swap3A_398 = arith.index_cast %swap3A_396 : i32 to index
    %swap3A_399 = arith.index_cast %swap3A_397 : i32 to index
    %swap3A_400 = arith.constant 384 : index
    %swap3A_401 = tpu.vector_load %arg10[%swap3A_398, %swap3A_399, %swap3A_400] {strides = array<i32>} : memref<2x1x400xi32, #tpu.memory_space<vmem>>, vector<16xi32>,
    tpu.vector_store %arg10[%swap3A_398, %swap3A_399, %swap3A_400], %broadcast_in_dim3A_395 {strides = array<i32>} : memref<2x1x400xi32, #tpu.memory_space<vmem>>, vector<16xi32>,
    %broadcast_in_dim3A_402 = arith.constant 100000 : i32
    %broadcast_in_dim3A_403 = vector.broadcast %broadcast_in_dim3A_402 : i32 to vector<16xi32>
    %swap3A_404 = arith.constant 1 : i32
    %swap3A_405 = arith.constant 0 : i32
    %swap3A_406 = arith.index_cast %swap3A_404 : i32 to index
    %swap3A_407 = arith.index_cast %swap3A_405 : i32 to index
    %swap3A_408 = arith.constant 384 : index
    %swap3A_409 = tpu.vector_load %arg7[%swap3A_406, %swap3A_407, %swap3A_408] {strides = array<i32>} : memref<2x1x400xi32, #tpu.memory_space<vmem>>, vector<16xi32>,
    tpu.vector_store %arg7[%swap3A_406, %swap3A_407, %swap3A_408], %broadcast_in_dim3A_403 {strides = array<i32>} : memref<2x1x400xi32, #tpu.memory_space<vmem>>, vector<16xi32>,
    %dma_start3A = arith.constant 1 : i32
    %dma_start3A_410 = arith.constant 0 : i32
    %dma_start3A_411 = arith.constant 1 : i32
    %dma_start3A_412 = arith.constant 0 : i32
    %dma_start3A_413 = arith.constant 0 : i32
    %dma_start3A_414 = arith.constant 0 : i32
    %dma_start3A_415 = tpu.memref_slice %arg11[%dma_start3A_411, %dma_start3A_412, %dma_start3A_413, %dma_start3A_414] : memref<2x1x400x32xbf16, #tpu.memory_space<vmem>> -> memref<1x1x400x32xbf16, #tpu.memory_space<vmem>>
    %dma_start3A_416 = tpu.memref_squeeze %dma_start3A_415 : memref<1x1x400x32xbf16, #tpu.memory_space<vmem>> -> memref<400x32xbf16, #tpu.memory_space<vmem>>
    %dma_start3A_417 = arith.constant 0 : i32
    %dma_start3A_418 = tpu.memref_slice %arg10[%dma_start3A, %dma_start3A_410, %dma_start3A_417] : memref<2x1x400xi32, #tpu.memory_space<vmem>> -> memref<1x1x400xi32, #tpu.memory_space<vmem>>
    %dma_start3A_419 = tpu.memref_squeeze %dma_start3A_418 : memref<1x1x400xi32, #tpu.memory_space<vmem>> -> memref<400xi32, #tpu.memory_space<vmem>>
    %dma_start3A_420 = arith.constant 0 : i32
    %dma_start3A_421 = arith.constant 0 : i32
    %dma_start3A_422 = tpu.memref_slice %arg2[%dma_start3A_420, %dma_start3A_421] : memref<1400000x32xbf16, #tpu.memory_space<hbm>> -> memref<1400000x32xbf16, #tpu.memory_space<hbm>>
    tpu.enqueue_indirect_dma source(%dma_start3A_422 : memref<1400000x32xbf16, #tpu.memory_space<hbm>>) target(%dma_start3A_416 : memref<400x32xbf16, #tpu.memory_space<vmem>>) offsets(%dma_start3A_419 : memref<400xi32, #tpu.memory_space<vmem>>) semaphore(%arg17 : memref<!tpu.dma_semaphore, #tpu.memory_space<semaphore_mem>>)
    %dma_start3A_423 = arith.constant 0 : i32
    %dma_start3A_424 = arith.constant 0 : i32
    %dma_start3A_425 = arith.constant 0 : i32
    %dma_start3A_426 = tpu.memref_slice %arg7[%dma_start3A_423, %dma_start3A_424, %dma_start3A_425] : memref<2x1x400xi32, #tpu.memory_space<vmem>> -> memref<1x1x400xi32, #tpu.memory_space<vmem>>
    %dma_start3A_427 = tpu.memref_squeeze %dma_start3A_426 : memref<1x1x400xi32, #tpu.memory_space<vmem>> -> memref<400xi32, #tpu.memory_space<vmem>>
    %dma_start3A_428 = tpu.memref_slice %arg3[%mul3A_11] : memref<1600000xi32, #tpu.memory_space<hbm>> -> memref<400xi32, #tpu.memory_space<hbm>>
    %dma_start3A_429 = arith.constant 0 : i32
    %dma_start3A_430 = tpu.memref_slice %arg7[%dma_start3A_423, %dma_start3A_424, %dma_start3A_429] : memref<2x1x400xi32, #tpu.memory_space<vmem>> -> memref<1x1x400xi32, #tpu.memory_space<vmem>>
    %dma_start3A_431 = tpu.memref_squeeze %dma_start3A_430 : memref<1x1x400xi32, #tpu.memory_space<vmem>> -> memref<400xi32, #tpu.memory_space<vmem>>
    %dma_start3A_432 = tpu.memref_slice %arg3[%mul3A_11] : memref<1600000xi32, #tpu.memory_space<hbm>> -> memref<400xi32, #tpu.memory_space<hbm>>
    tpu.enqueue_dma source(%dma_start3A_432 : memref<400xi32, #tpu.memory_space<hbm>>) target(%dma_start3A_431 : memref<400xi32, #tpu.memory_space<vmem>>) target_semaphore(%arg16 : memref<!tpu.dma_semaphore, #tpu.memory_space<semaphore_mem>>)
    %dma_start3A_433 = arith.constant 0 : i32
    %dma_start3A_434 = arith.constant 0 : i32
    %dma_start3A_435 = arith.constant 0 : i32
    %dma_start3A_436 = tpu.memref_slice %arg8[%dma_start3A_433, %dma_start3A_434, %dma_start3A_435] : memref<2x1x400xi32, #tpu.memory_space<vmem>> -> memref<1x1x400xi32, #tpu.memory_space<vmem>>
    %dma_start3A_437 = tpu.memref_squeeze %dma_start3A_436 : memref<1x1x400xi32, #tpu.memory_space<vmem>> -> memref<400xi32, #tpu.memory_space<vmem>>
    %dma_start3A_438 = tpu.memref_slice %arg4[%mul3A_11] : memref<1600000xi32, #tpu.memory_space<hbm>> -> memref<400xi32, #tpu.memory_space<hbm>>
    %dma_start3A_439 = arith.constant 0 : i32
    %dma_start3A_440 = tpu.memref_slice %arg8[%dma_start3A_433, %dma_start3A_434, %dma_start3A_439] : memref<2x1x400xi32, #tpu.memory_space<vmem>> -> memref<1x1x400xi32, #tpu.memory_space<vmem>>
    %dma_start3A_441 = tpu.memref_squeeze %dma_start3A_440 : memref<1x1x400xi32, #tpu.memory_space<vmem>> -> memref<400xi32, #tpu.memory_space<vmem>>
    %dma_start3A_442 = tpu.memref_slice %arg4[%mul3A_11] : memref<1600000xi32, #tpu.memory_space<hbm>> -> memref<400xi32, #tpu.memory_space<hbm>>
    tpu.enqueue_dma source(%dma_start3A_442 : memref<400xi32, #tpu.memory_space<hbm>>) target(%dma_start3A_441 : memref<400xi32, #tpu.memory_space<vmem>>) target_semaphore(%arg16 : memref<!tpu.dma_semaphore, #tpu.memory_space<semaphore_mem>>)
    %dma_start3A_443 = arith.constant 0 : i32
    %dma_start3A_444 = arith.constant 0 : i32
    %dma_start3A_445 = arith.constant 0 : i32
    %dma_start3A_446 = tpu.memref_slice %arg9[%dma_start3A_443, %dma_start3A_444, %dma_start3A_445] : memref<2x1x400xi32, #tpu.memory_space<vmem>> -> memref<1x1x400xi32, #tpu.memory_space<vmem>>
    %dma_start3A_447 = tpu.memref_squeeze %dma_start3A_446 : memref<1x1x400xi32, #tpu.memory_space<vmem>> -> memref<400xi32, #tpu.memory_space<vmem>>
    %dma_start3A_448 = tpu.memref_slice %arg5[%mul3A_11] : memref<1600000xi32, #tpu.memory_space<hbm>> -> memref<400xi32, #tpu.memory_space<hbm>>
    %dma_start3A_449 = arith.constant 0 : i32
    %dma_start3A_450 = tpu.memref_slice %arg9[%dma_start3A_443, %dma_start3A_444, %dma_start3A_449] : memref<2x1x400xi32, #tpu.memory_space<vmem>> -> memref<1x1x400xi32, #tpu.memory_space<vmem>>
    %dma_start3A_451 = tpu.memref_squeeze %dma_start3A_450 : memref<1x1x400xi32, #tpu.memory_space<vmem>> -> memref<400xi32, #tpu.memory_space<vmem>>
    %dma_start3A_452 = tpu.memref_slice %arg5[%mul3A_11] : memref<1600000xi32, #tpu.memory_space<hbm>> -> memref<400xi32, #tpu.memory_space<hbm>>
    tpu.enqueue_dma source(%dma_start3A_452 : memref<400xi32, #tpu.memory_space<hbm>>) target(%dma_start3A_451 : memref<400xi32, #tpu.memory_space<vmem>>) target_semaphore(%arg16 : memref<!tpu.dma_semaphore, #tpu.memory_space<semaphore_mem>>)
    %scan3A_453 = arith.constant 0 : i32
    %scan3A_454 = arith.constant 0 : i32
    %scan3A_455 = arith.constant 125 : i32
    %scan3A_456 = arith.addi %scan3A_454, %scan3A_455 : i32
    %scan3A_457 = arith.constant 1 : i32
    scf.for %scan3A_482 = %scan3A_454 to %scan3A_456 step %scan3A_457  : i32 {
      %mul3A_483 = arith.constant 2 : i32
      %mul3A_484 = arith.muli %mul3A_483, %scan3A_482 : i32
      %mul3A_485 = arith.constant 400 : i32
      %mul3A_486 = arith.muli %mul3A_484, %mul3A_485 : i32
      %add3A = arith.addi %mul3A_11, %mul3A_486 : i32
      %dma_wait3A_487 = arith.constant 0 : i32
      %dma_wait3A_488 = arith.constant 0 : i32
      %dma_wait3A_489 = arith.constant 0 : i32
      %dma_wait3A_490 = tpu.memref_slice %arg7[%dma_wait3A_487, %dma_wait3A_488, %dma_wait3A_489] : memref<2x1x400xi32, #tpu.memory_space<vmem>> -> memref<1x1x400xi32, #tpu.memory_space<vmem>>
      %dma_wait3A_491 = tpu.memref_squeeze %dma_wait3A_490 : memref<1x1x400xi32, #tpu.memory_space<vmem>> -> memref<400xi32, #tpu.memory_space<vmem>>
      %dma_wait3A_492 = arith.constant 0 : i32
      %dma_wait3A_493 = tpu.memref_slice %arg3[%dma_wait3A_492] : memref<1600000xi32, #tpu.memory_space<hbm>> -> memref<400xi32, #tpu.memory_space<hbm>>
      %dma_wait3A_494 = arith.constant 0 : i32
      %dma_wait3A_495 = tpu.memref_slice %arg7[%dma_wait3A_487, %dma_wait3A_488, %dma_wait3A_494] : memref<2x1x400xi32, #tpu.memory_space<vmem>> -> memref<1x1x400xi32, #tpu.memory_space<vmem>>
      %dma_wait3A_496 = tpu.memref_squeeze %dma_wait3A_495 : memref<1x1x400xi32, #tpu.memory_space<vmem>> -> memref<400xi32, #tpu.memory_space<vmem>>
      %dma_wait3A_497 = arith.constant 0 : i32
      %dma_wait3A_498 = tpu.memref_slice %arg3[%dma_wait3A_497] : memref<1600000xi32, #tpu.memory_space<hbm>> -> memref<400xi32, #tpu.memory_space<hbm>>
      tpu.wait_dma2 semaphore(%arg16 : memref<!tpu.dma_semaphore, #tpu.memory_space<semaphore_mem>>) src(%dma_wait3A_498 : memref<400xi32, #tpu.memory_space<hbm>>) dst(%dma_wait3A_496 : memref<400xi32, #tpu.memory_space<vmem>>)
      %dma_wait3A_499 = arith.constant 0 : i32
      %dma_wait3A_500 = arith.constant 0 : i32
      %dma_wait3A_501 = arith.constant 0 : i32
      %dma_wait3A_502 = tpu.memref_slice %arg8[%dma_wait3A_499, %dma_wait3A_500, %dma_wait3A_501] : memref<2x1x400xi32, #tpu.memory_space<vmem>> -> memref<1x1x400xi32, #tpu.memory_space<vmem>>
      %dma_wait3A_503 = tpu.memref_squeeze %dma_wait3A_502 : memref<1x1x400xi32, #tpu.memory_space<vmem>> -> memref<400xi32, #tpu.memory_space<vmem>>
      %dma_wait3A_504 = arith.constant 0 : i32
      %dma_wait3A_505 = tpu.memref_slice %arg4[%dma_wait3A_504] : memref<1600000xi32, #tpu.memory_space<hbm>> -> memref<400xi32, #tpu.memory_space<hbm>>
      %dma_wait3A_506 = arith.constant 0 : i32
      %dma_wait3A_507 = tpu.memref_slice %arg8[%dma_wait3A_499, %dma_wait3A_500, %dma_wait3A_506] : memref<2x1x400xi32, #tpu.memory_space<vmem>> -> memref<1x1x400xi32, #tpu.memory_space<vmem>>
      %dma_wait3A_508 = tpu.memref_squeeze %dma_wait3A_507 : memref<1x1x400xi32, #tpu.memory_space<vmem>> -> memref<400xi32, #tpu.memory_space<vmem>>
      %dma_wait3A_509 = arith.constant 0 : i32
      %dma_wait3A_510 = tpu.memref_slice %arg4[%dma_wait3A_509] : memref<1600000xi32, #tpu.memory_space<hbm>> -> memref<400xi32, #tpu.memory_space<hbm>>
      tpu.wait_dma2 semaphore(%arg16 : memref<!tpu.dma_semaphore, #tpu.memory_space<semaphore_mem>>) src(%dma_wait3A_510 : memref<400xi32, #tpu.memory_space<hbm>>) dst(%dma_wait3A_508 : memref<400xi32, #tpu.memory_space<vmem>>)
      %dma_wait3A_511 = arith.constant 0 : i32
      %dma_wait3A_512 = arith.constant 0 : i32
      %dma_wait3A_513 = arith.constant 0 : i32
      %dma_wait3A_514 = tpu.memref_slice %arg9[%dma_wait3A_511, %dma_wait3A_512, %dma_wait3A_513] : memref<2x1x400xi32, #tpu.memory_space<vmem>> -> memref<1x1x400xi32, #tpu.memory_space<vmem>>
      %dma_wait3A_515 = tpu.memref_squeeze %dma_wait3A_514 : memref<1x1x400xi32, #tpu.memory_space<vmem>> -> memref<400xi32, #tpu.memory_space<vmem>>
      %dma_wait3A_516 = arith.constant 0 : i32
      %dma_wait3A_517 = tpu.memref_slice %arg5[%dma_wait3A_516] : memref<1600000xi32, #tpu.memory_space<hbm>> -> memref<400xi32, #tpu.memory_space<hbm>>
      %dma_wait3A_518 = arith.constant 0 : i32
      %dma_wait3A_519 = tpu.memref_slice %arg9[%dma_wait3A_511, %dma_wait3A_512, %dma_wait3A_518] : memref<2x1x400xi32, #tpu.memory_space<vmem>> -> memref<1x1x400xi32, #tpu.memory_space<vmem>>
      %dma_wait3A_520 = tpu.memref_squeeze %dma_wait3A_519 : memref<1x1x400xi32, #tpu.memory_space<vmem>> -> memref<400xi32, #tpu.memory_space<vmem>>
      %dma_wait3A_521 = arith.constant 0 : i32
      %dma_wait3A_522 = tpu.memref_slice %arg5[%dma_wait3A_521] : memref<1600000xi32, #tpu.memory_space<hbm>> -> memref<400xi32, #tpu.memory_space<hbm>>
      tpu.wait_dma2 semaphore(%arg16 : memref<!tpu.dma_semaphore, #tpu.memory_space<semaphore_mem>>) src(%dma_wait3A_522 : memref<400xi32, #tpu.memory_space<hbm>>) dst(%dma_wait3A_520 : memref<400xi32, #tpu.memory_space<vmem>>)
      %get3A = arith.constant 0 : i32
      %get3A_523 = arith.constant 0 : i32
      %get3A_524 = arith.index_cast %get3A : i32 to index
      %get3A_525 = arith.index_cast %get3A_523 : i32 to index
      %get3A_526 = arith.constant 0 : index
      %get3A_527 = tpu.vector_load %arg8[%get3A_524, %get3A_525, %get3A_526] {strides = array<i32>} : memref<2x1x400xi32, #tpu.memory_space<vmem>>, vector<16xi32>,
      %mul3A_528 = arith.constant 14 : i32
      %mul3A_529 = vector.broadcast %mul3A_528 : i32 to vector<16xi32>
      %mul3A_530 = arith.muli %get3A_527, %mul3A_529 : vector<16xi32>
      %get3A_531 = arith.constant 0 : i32
      %get3A_532 = arith.constant 0 : i32
      %get3A_533 = arith.index_cast %get3A_531 : i32 to index
      %get3A_534 = arith.index_cast %get3A_532 : i32 to index
      %get3A_535 = arith.constant 0 : index
      %get3A_536 = tpu.vector_load %arg9[%get3A_533, %get3A_534, %get3A_535] {strides = array<i32>} : memref<2x1x400xi32, #tpu.memory_space<vmem>>, vector<16xi32>,
      %mul3A_537 = arith.constant 2 : i32
      %mul3A_538 = vector.broadcast %mul3A_537 : i32 to vector<16xi32>
      %mul3A_539 = arith.muli %get3A_536, %mul3A_538 : vector<16xi32>
      %add3A_540 = arith.addi %mul3A_530, %mul3A_539 : vector<16xi32>
      %add3A_541 = vector.broadcast %arg0 : i32 to vector<16xi32>
      %add3A_542 = arith.addi %add3A_540, %add3A_541 : vector<16xi32>
      %swap3A_543 = arith.constant 0 : i32
      %swap3A_544 = arith.constant 0 : i32
      %swap3A_545 = arith.index_cast %swap3A_543 : i32 to index
      %swap3A_546 = arith.index_cast %swap3A_544 : i32 to index
      %swap3A_547 = arith.constant 0 : index
      %swap3A_548 = tpu.vector_load %arg10[%swap3A_545, %swap3A_546, %swap3A_547] {strides = array<i32>} : memref<2x1x400xi32, #tpu.memory_space<vmem>>, vector<16xi32>,
      tpu.vector_store %arg10[%swap3A_545, %swap3A_546, %swap3A_547], %add3A_542 {strides = array<i32>} : memref<2x1x400xi32, #tpu.memory_space<vmem>>, vector<16xi32>,
      %get3A_549 = arith.constant 0 : i32
      %get3A_550 = arith.constant 0 : i32
      %get3A_551 = arith.index_cast %get3A_549 : i32 to index
      %get3A_552 = arith.index_cast %get3A_550 : i32 to index
      %get3A_553 = arith.constant 16 : index
      %get3A_554 = tpu.vector_load %arg8[%get3A_551, %get3A_552, %get3A_553] {strides = array<i32>} : memref<2x1x400xi32, #tpu.memory_space<vmem>>, vector<16xi32>,
      %mul3A_555 = arith.constant 14 : i32
      %mul3A_556 = vector.broadcast %mul3A_555 : i32 to vector<16xi32>
      %mul3A_557 = arith.muli %get3A_554, %mul3A_556 : vector<16xi32>
      %get3A_558 = arith.constant 0 : i32
      %get3A_559 = arith.constant 0 : i32
      %get3A_560 = arith.index_cast %get3A_558 : i32 to index
      %get3A_561 = arith.index_cast %get3A_559 : i32 to index
      %get3A_562 = arith.constant 16 : index
      %get3A_563 = tpu.vector_load %arg9[%get3A_560, %get3A_561, %get3A_562] {strides = array<i32>} : memref<2x1x400xi32, #tpu.memory_space<vmem>>, vector<16xi32>,
      %mul3A_564 = arith.constant 2 : i32
      %mul3A_565 = vector.broadcast %mul3A_564 : i32 to vector<16xi32>
      %mul3A_566 = arith.muli %get3A_563, %mul3A_565 : vector<16xi32>
      %add3A_567 = arith.addi %mul3A_557, %mul3A_566 : vector<16xi32>
      %add3A_568 = vector.broadcast %arg0 : i32 to vector<16xi32>
      %add3A_569 = arith.addi %add3A_567, %add3A_568 : vector<16xi32>
      %swap3A_570 = arith.constant 0 : i32
      %swap3A_571 = arith.constant 0 : i32
      %swap3A_572 = arith.index_cast %swap3A_570 : i32 to index
      %swap3A_573 = arith.index_cast %swap3A_571 : i32 to index
      %swap3A_574 = arith.constant 16 : index
      %swap3A_575 = tpu.vector_load %arg10[%swap3A_572, %swap3A_573, %swap3A_574] {strides = array<i32>} : memref<2x1x400xi32, #tpu.memory_space<vmem>>, vector<16xi32>,
      tpu.vector_store %arg10[%swap3A_572, %swap3A_573, %swap3A_574], %add3A_569 {strides = array<i32>} : memref<2x1x400xi32, #tpu.memory_space<vmem>>, vector<16xi32>,
      %get3A_576 = arith.constant 0 : i32
      %get3A_577 = arith.constant 0 : i32
      %get3A_578 = arith.index_cast %get3A_576 : i32 to index
      %get3A_579 = arith.index_cast %get3A_577 : i32 to index
      %get3A_580 = arith.constant 32 : index
      %get3A_581 = tpu.vector_load %arg8[%get3A_578, %get3A_579, %get3A_580] {strides = array<i32>} : memref<2x1x400xi32, #tpu.memory_space<vmem>>, vector<16xi32>,
      %mul3A_582 = arith.constant 14 : i32
      %mul3A_583 = vector.broadcast %mul3A_582 : i32 to vector<16xi32>
      %mul3A_584 = arith.muli %get3A_581, %mul3A_583 : vector<16xi32>
      %get3A_585 = arith.constant 0 : i32
      %get3A_586 = arith.constant 0 : i32
      %get3A_587 = arith.index_cast %get3A_585 : i32 to index
      %get3A_588 = arith.index_cast %get3A_586 : i32 to index
      %get3A_589 = arith.constant 32 : index
      %get3A_590 = tpu.vector_load %arg9[%get3A_587, %get3A_588, %get3A_589] {strides = array<i32>} : memref<2x1x400xi32, #tpu.memory_space<vmem>>, vector<16xi32>,
      %mul3A_591 = arith.constant 2 : i32
      %mul3A_592 = vector.broadcast %mul3A_591 : i32 to vector<16xi32>
      %mul3A_593 = arith.muli %get3A_590, %mul3A_592 : vector<16xi32>
      %add3A_594 = arith.addi %mul3A_584, %mul3A_593 : vector<16xi32>
      %add3A_595 = vector.broadcast %arg0 : i32 to vector<16xi32>
      %add3A_596 = arith.addi %add3A_594, %add3A_595 : vector<16xi32>
      %swap3A_597 = arith.constant 0 : i32
      %swap3A_598 = arith.constant 0 : i32
      %swap3A_599 = arith.index_cast %swap3A_597 : i32 to index
      %swap3A_600 = arith.index_cast %swap3A_598 : i32 to index
      %swap3A_601 = arith.constant 32 : index
      %swap3A_602 = tpu.vector_load %arg10[%swap3A_599, %swap3A_600, %swap3A_601] {strides = array<i32>} : memref<2x1x400xi32, #tpu.memory_space<vmem>>, vector<16xi32>,
      tpu.vector_store %arg10[%swap3A_599, %swap3A_600, %swap3A_601], %add3A_596 {strides = array<i32>} : memref<2x1x400xi32, #tpu.memory_space<vmem>>, vector<16xi32>,
      %get3A_603 = arith.constant 0 : i32
      %get3A_604 = arith.constant 0 : i32
      %get3A_605 = arith.index_cast %get3A_603 : i32 to index
      %get3A_606 = arith.index_cast %get3A_604 : i32 to index
      %get3A_607 = arith.constant 48 : index
      %get3A_608 = tpu.vector_load %arg8[%get3A_605, %get3A_606, %get3A_607] {strides = array<i32>} : memref<2x1x400xi32, #tpu.memory_space<vmem>>, vector<16xi32>,
      %mul3A_609 = arith.constant 14 : i32
      %mul3A_610 = vector.broadcast %mul3A_609 : i32 to vector<16xi32>
      %mul3A_611 = arith.muli %get3A_608, %mul3A_610 : vector<16xi32>
      %get3A_612 = arith.constant 0 : i32
      %get3A_613 = arith.constant 0 : i32
      %get3A_614 = arith.index_cast %get3A_612 : i32 to index
      %get3A_615 = arith.index_cast %get3A_613 : i32 to index
      %get3A_616 = arith.constant 48 : index
      %get3A_617 = tpu.vector_load %arg9[%get3A_614, %get3A_615, %get3A_616] {strides = array<i32>} : memref<2x1x400xi32, #tpu.memory_space<vmem>>, vector<16xi32>,
      %mul3A_618 = arith.constant 2 : i32
      %mul3A_619 = vector.broadcast %mul3A_618 : i32 to vector<16xi32>
      %mul3A_620 = arith.muli %get3A_617, %mul3A_619 : vector<16xi32>
      %add3A_621 = arith.addi %mul3A_611, %mul3A_620 : vector<16xi32>
      %add3A_622 = vector.broadcast %arg0 : i32 to vector<16xi32>
      %add3A_623 = arith.addi %add3A_621, %add3A_622 : vector<16xi32>
      %swap3A_624 = arith.constant 0 : i32
      %swap3A_625 = arith.constant 0 : i32
      %swap3A_626 = arith.index_cast %swap3A_624 : i32 to index
      %swap3A_627 = arith.index_cast %swap3A_625 : i32 to index
      %swap3A_628 = arith.constant 48 : index
      %swap3A_629 = tpu.vector_load %arg10[%swap3A_626, %swap3A_627, %swap3A_628] {strides = array<i32>} : memref<2x1x400xi32, #tpu.memory_space<vmem>>, vector<16xi32>,
      tpu.vector_store %arg10[%swap3A_626, %swap3A_627, %swap3A_628], %add3A_623 {strides = array<i32>} : memref<2x1x400xi32, #tpu.memory_space<vmem>>, vector<16xi32>,
      %get3A_630 = arith.constant 0 : i32
      %get3A_631 = arith.constant 0 : i32
      %get3A_632 = arith.index_cast %get3A_630 : i32 to index
      %get3A_633 = arith.index_cast %get3A_631 : i32 to index
      %get3A_634 = arith.constant 64 : index
      %get3A_635 = tpu.vector_load %arg8[%get3A_632, %get3A_633, %get3A_634] {strides = array<i32>} : memref<2x1x400xi32, #tpu.memory_space<vmem>>, vector<16xi32>,
      %mul3A_636 = arith.constant 14 : i32
      %mul3A_637 = vector.broadcast %mul3A_636 : i32 to vector<16xi32>
      %mul3A_638 = arith.muli %get3A_635, %mul3A_637 : vector<16xi32>
      %get3A_639 = arith.constant 0 : i32
      %get3A_640 = arith.constant 0 : i32
      %get3A_641 = arith.index_cast %get3A_639 : i32 to index
      %get3A_642 = arith.index_cast %get3A_640 : i32 to index
      %get3A_643 = arith.constant 64 : index
      %get3A_644 = tpu.vector_load %arg9[%get3A_641, %get3A_642, %get3A_643] {strides = array<i32>} : memref<2x1x400xi32, #tpu.memory_space<vmem>>, vector<16xi32>,
      %mul3A_645 = arith.constant 2 : i32
      %mul3A_646 = vector.broadcast %mul3A_645 : i32 to vector<16xi32>
      %mul3A_647 = arith.muli %get3A_644, %mul3A_646 : vector<16xi32>
      %add3A_648 = arith.addi %mul3A_638, %mul3A_647 : vector<16xi32>
      %add3A_649 = vector.broadcast %arg0 : i32 to vector<16xi32>
      %add3A_650 = arith.addi %add3A_648, %add3A_649 : vector<16xi32>
      %swap3A_651 = arith.constant 0 : i32
      %swap3A_652 = arith.constant 0 : i32
      %swap3A_653 = arith.index_cast %swap3A_651 : i32 to index
      %swap3A_654 = arith.index_cast %swap3A_652 : i32 to index
      %swap3A_655 = arith.constant 64 : index
      %swap3A_656 = tpu.vector_load %arg10[%swap3A_653, %swap3A_654, %swap3A_655] {strides = array<i32>} : memref<2x1x400xi32, #tpu.memory_space<vmem>>, vector<16xi32>,
      tpu.vector_store %arg10[%swap3A_653, %swap3A_654, %swap3A_655], %add3A_650 {strides = array<i32>} : memref<2x1x400xi32, #tpu.memory_space<vmem>>, vector<16xi32>,
      %get3A_657 = arith.constant 0 : i32
      %get3A_658 = arith.constant 0 : i32
      %get3A_659 = arith.index_cast %get3A_657 : i32 to index
      %get3A_660 = arith.index_cast %get3A_658 : i32 to index
      %get3A_661 = arith.constant 80 : index
      %get3A_662 = tpu.vector_load %arg8[%get3A_659, %get3A_660, %get3A_661] {strides = array<i32>} : memref<2x1x400xi32, #tpu.memory_space<vmem>>, vector<16xi32>,
      %mul3A_663 = arith.constant 14 : i32
      %mul3A_664 = vector.broadcast %mul3A_663 : i32 to vector<16xi32>
      %mul3A_665 = arith.muli %get3A_662, %mul3A_664 : vector<16xi32>
      %get3A_666 = arith.constant 0 : i32
      %get3A_667 = arith.constant 0 : i32
      %get3A_668 = arith.index_cast %get3A_666 : i32 to index
      %get3A_669 = arith.index_cast %get3A_667 : i32 to index
      %get3A_670 = arith.constant 80 : index
      %get3A_671 = tpu.vector_load %arg9[%get3A_668, %get3A_669, %get3A_670] {strides = array<i32>} : memref<2x1x400xi32, #tpu.memory_space<vmem>>, vector<16xi32>,
      %mul3A_672 = arith.constant 2 : i32
      %mul3A_673 = vector.broadcast %mul3A_672 : i32 to vector<16xi32>
      %mul3A_674 = arith.muli %get3A_671, %mul3A_673 : vector<16xi32>
      %add3A_675 = arith.addi %mul3A_665, %mul3A_674 : vector<16xi32>
      %add3A_676 = vector.broadcast %arg0 : i32 to vector<16xi32>
      %add3A_677 = arith.addi %add3A_675, %add3A_676 : vector<16xi32>
      %swap3A_678 = arith.constant 0 : i32
      %swap3A_679 = arith.constant 0 : i32
      %swap3A_680 = arith.index_cast %swap3A_678 : i32 to index
      %swap3A_681 = arith.index_cast %swap3A_679 : i32 to index
      %swap3A_682 = arith.constant 80 : index
      %swap3A_683 = tpu.vector_load %arg10[%swap3A_680, %swap3A_681, %swap3A_682] {strides = array<i32>} : memref<2x1x400xi32, #tpu.memory_space<vmem>>, vector<16xi32>,
      tpu.vector_store %arg10[%swap3A_680, %swap3A_681, %swap3A_682], %add3A_677 {strides = array<i32>} : memref<2x1x400xi32, #tpu.memory_space<vmem>>, vector<16xi32>,
      %get3A_684 = arith.constant 0 : i32
      %get3A_685 = arith.constant 0 : i32
      %get3A_686 = arith.index_cast %get3A_684 : i32 to index
      %get3A_687 = arith.index_cast %get3A_685 : i32 to index
      %get3A_688 = arith.constant 96 : index
      %get3A_689 = tpu.vector_load %arg8[%get3A_686, %get3A_687, %get3A_688] {strides = array<i32>} : memref<2x1x400xi32, #tpu.memory_space<vmem>>, vector<16xi32>,
      %mul3A_690 = arith.constant 14 : i32
      %mul3A_691 = vector.broadcast %mul3A_690 : i32 to vector<16xi32>
      %mul3A_692 = arith.muli %get3A_689, %mul3A_691 : vector<16xi32>
      %get3A_693 = arith.constant 0 : i32
      %get3A_694 = arith.constant 0 : i32
      %get3A_695 = arith.index_cast %get3A_693 : i32 to index
      %get3A_696 = arith.index_cast %get3A_694 : i32 to index
      %get3A_697 = arith.constant 96 : index
      %get3A_698 = tpu.vector_load %arg9[%get3A_695, %get3A_696, %get3A_697] {strides = array<i32>} : memref<2x1x400xi32, #tpu.memory_space<vmem>>, vector<16xi32>,
      %mul3A_699 = arith.constant 2 : i32
      %mul3A_700 = vector.broadcast %mul3A_699 : i32 to vector<16xi32>
      %mul3A_701 = arith.muli %get3A_698, %mul3A_700 : vector<16xi32>
      %add3A_702 = arith.addi %mul3A_692, %mul3A_701 : vector<16xi32>
      %add3A_703 = vector.broadcast %arg0 : i32 to vector<16xi32>
      %add3A_704 = arith.addi %add3A_702, %add3A_703 : vector<16xi32>
      %swap3A_705 = arith.constant 0 : i32
      %swap3A_706 = arith.constant 0 : i32
      %swap3A_707 = arith.index_cast %swap3A_705 : i32 to index
      %swap3A_708 = arith.index_cast %swap3A_706 : i32 to index
      %swap3A_709 = arith.constant 96 : index
      %swap3A_710 = tpu.vector_load %arg10[%swap3A_707, %swap3A_708, %swap3A_709] {strides = array<i32>} : memref<2x1x400xi32, #tpu.memory_space<vmem>>, vector<16xi32>,
      tpu.vector_store %arg10[%swap3A_707, %swap3A_708, %swap3A_709], %add3A_704 {strides = array<i32>} : memref<2x1x400xi32, #tpu.memory_space<vmem>>, vector<16xi32>,
      %get3A_711 = arith.constant 0 : i32
      %get3A_712 = arith.constant 0 : i32
      %get3A_713 = arith.index_cast %get3A_711 : i32 to index
      %get3A_714 = arith.index_cast %get3A_712 : i32 to index
      %get3A_715 = arith.constant 112 : index
      %get3A_716 = tpu.vector_load %arg8[%get3A_713, %get3A_714, %get3A_715] {strides = array<i32>} : memref<2x1x400xi32, #tpu.memory_space<vmem>>, vector<16xi32>,
      %mul3A_717 = arith.constant 14 : i32
      %mul3A_718 = vector.broadcast %mul3A_717 : i32 to vector<16xi32>
      %mul3A_719 = arith.muli %get3A_716, %mul3A_718 : vector<16xi32>
      %get3A_720 = arith.constant 0 : i32
      %get3A_721 = arith.constant 0 : i32
      %get3A_722 = arith.index_cast %get3A_720 : i32 to index
      %get3A_723 = arith.index_cast %get3A_721 : i32 to index
      %get3A_724 = arith.constant 112 : index
      %get3A_725 = tpu.vector_load %arg9[%get3A_722, %get3A_723, %get3A_724] {strides = array<i32>} : memref<2x1x400xi32, #tpu.memory_space<vmem>>, vector<16xi32>,
      %mul3A_726 = arith.constant 2 : i32
      %mul3A_727 = vector.broadcast %mul3A_726 : i32 to vector<16xi32>
      %mul3A_728 = arith.muli %get3A_725, %mul3A_727 : vector<16xi32>
      %add3A_729 = arith.addi %mul3A_719, %mul3A_728 : vector<16xi32>
      %add3A_730 = vector.broadcast %arg0 : i32 to vector<16xi32>
      %add3A_731 = arith.addi %add3A_729, %add3A_730 : vector<16xi32>
      %swap3A_732 = arith.constant 0 : i32
      %swap3A_733 = arith.constant 0 : i32
      %swap3A_734 = arith.index_cast %swap3A_732 : i32 to index
      %swap3A_735 = arith.index_cast %swap3A_733 : i32 to index
      %swap3A_736 = arith.constant 112 : index
      %swap3A_737 = tpu.vector_load %arg10[%swap3A_734, %swap3A_735, %swap3A_736] {strides = array<i32>} : memref<2x1x400xi32, #tpu.memory_space<vmem>>, vector<16xi32>,
      tpu.vector_store %arg10[%swap3A_734, %swap3A_735, %swap3A_736], %add3A_731 {strides = array<i32>} : memref<2x1x400xi32, #tpu.memory_space<vmem>>, vector<16xi32>,
      %get3A_738 = arith.constant 0 : i32
      %get3A_739 = arith.constant 0 : i32
      %get3A_740 = arith.index_cast %get3A_738 : i32 to index
      %get3A_741 = arith.index_cast %get3A_739 : i32 to index
      %get3A_742 = arith.constant 128 : index
      %get3A_743 = tpu.vector_load %arg8[%get3A_740, %get3A_741, %get3A_742] {strides = array<i32>} : memref<2x1x400xi32, #tpu.memory_space<vmem>>, vector<16xi32>,
      %mul3A_744 = arith.constant 14 : i32
      %mul3A_745 = vector.broadcast %mul3A_744 : i32 to vector<16xi32>
      %mul3A_746 = arith.muli %get3A_743, %mul3A_745 : vector<16xi32>
      %get3A_747 = arith.constant 0 : i32
      %get3A_748 = arith.constant 0 : i32
      %get3A_749 = arith.index_cast %get3A_747 : i32 to index
      %get3A_750 = arith.index_cast %get3A_748 : i32 to index
      %get3A_751 = arith.constant 128 : index
      %get3A_752 = tpu.vector_load %arg9[%get3A_749, %get3A_750, %get3A_751] {strides = array<i32>} : memref<2x1x400xi32, #tpu.memory_space<vmem>>, vector<16xi32>,
      %mul3A_753 = arith.constant 2 : i32
      %mul3A_754 = vector.broadcast %mul3A_753 : i32 to vector<16xi32>
      %mul3A_755 = arith.muli %get3A_752, %mul3A_754 : vector<16xi32>
      %add3A_756 = arith.addi %mul3A_746, %mul3A_755 : vector<16xi32>
      %add3A_757 = vector.broadcast %arg0 : i32 to vector<16xi32>
      %add3A_758 = arith.addi %add3A_756, %add3A_757 : vector<16xi32>
      %swap3A_759 = arith.constant 0 : i32
      %swap3A_760 = arith.constant 0 : i32
      %swap3A_761 = arith.index_cast %swap3A_759 : i32 to index
      %swap3A_762 = arith.index_cast %swap3A_760 : i32 to index
      %swap3A_763 = arith.constant 128 : index
      %swap3A_764 = tpu.vector_load %arg10[%swap3A_761, %swap3A_762, %swap3A_763] {strides = array<i32>} : memref<2x1x400xi32, #tpu.memory_space<vmem>>, vector<16xi32>,
      tpu.vector_store %arg10[%swap3A_761, %swap3A_762, %swap3A_763], %add3A_758 {strides = array<i32>} : memref<2x1x400xi32, #tpu.memory_space<vmem>>, vector<16xi32>,
      %get3A_765 = arith.constant 0 : i32
      %get3A_766 = arith.constant 0 : i32
      %get3A_767 = arith.index_cast %get3A_765 : i32 to index
      %get3A_768 = arith.index_cast %get3A_766 : i32 to index
      %get3A_769 = arith.constant 144 : index
      %get3A_770 = tpu.vector_load %arg8[%get3A_767, %get3A_768, %get3A_769] {strides = array<i32>} : memref<2x1x400xi32, #tpu.memory_space<vmem>>, vector<16xi32>,
      %mul3A_771 = arith.constant 14 : i32
      %mul3A_772 = vector.broadcast %mul3A_771 : i32 to vector<16xi32>
      %mul3A_773 = arith.muli %get3A_770, %mul3A_772 : vector<16xi32>
      %get3A_774 = arith.constant 0 : i32
      %get3A_775 = arith.constant 0 : i32
      %get3A_776 = arith.index_cast %get3A_774 : i32 to index
      %get3A_777 = arith.index_cast %get3A_775 : i32 to index
      %get3A_778 = arith.constant 144 : index
      %get3A_779 = tpu.vector_load %arg9[%get3A_776, %get3A_777, %get3A_778] {strides = array<i32>} : memref<2x1x400xi32, #tpu.memory_space<vmem>>, vector<16xi32>,
      %mul3A_780 = arith.constant 2 : i32
      %mul3A_781 = vector.broadcast %mul3A_780 : i32 to vector<16xi32>
      %mul3A_782 = arith.muli %get3A_779, %mul3A_781 : vector<16xi32>
      %add3A_783 = arith.addi %mul3A_773, %mul3A_782 : vector<16xi32>
      %add3A_784 = vector.broadcast %arg0 : i32 to vector<16xi32>
      %add3A_785 = arith.addi %add3A_783, %add3A_784 : vector<16xi32>
      %swap3A_786 = arith.constant 0 : i32
      %swap3A_787 = arith.constant 0 : i32
      %swap3A_788 = arith.index_cast %swap3A_786 : i32 to index
      %swap3A_789 = arith.index_cast %swap3A_787 : i32 to index
      %swap3A_790 = arith.constant 144 : index
      %swap3A_791 = tpu.vector_load %arg10[%swap3A_788, %swap3A_789, %swap3A_790] {strides = array<i32>} : memref<2x1x400xi32, #tpu.memory_space<vmem>>, vector<16xi32>,
      tpu.vector_store %arg10[%swap3A_788, %swap3A_789, %swap3A_790], %add3A_785 {strides = array<i32>} : memref<2x1x400xi32, #tpu.memory_space<vmem>>, vector<16xi32>,
      %get3A_792 = arith.constant 0 : i32
      %get3A_793 = arith.constant 0 : i32
      %get3A_794 = arith.index_cast %get3A_792 : i32 to index
      %get3A_795 = arith.index_cast %get3A_793 : i32 to index
      %get3A_796 = arith.constant 160 : index
      %get3A_797 = tpu.vector_load %arg8[%get3A_794, %get3A_795, %get3A_796] {strides = array<i32>} : memref<2x1x400xi32, #tpu.memory_space<vmem>>, vector<16xi32>,
      %mul3A_798 = arith.constant 14 : i32
      %mul3A_799 = vector.broadcast %mul3A_798 : i32 to vector<16xi32>
      %mul3A_800 = arith.muli %get3A_797, %mul3A_799 : vector<16xi32>
      %get3A_801 = arith.constant 0 : i32
      %get3A_802 = arith.constant 0 : i32
      %get3A_803 = arith.index_cast %get3A_801 : i32 to index
      %get3A_804 = arith.index_cast %get3A_802 : i32 to index
      %get3A_805 = arith.constant 160 : index
      %get3A_806 = tpu.vector_load %arg9[%get3A_803, %get3A_804, %get3A_805] {strides = array<i32>} : memref<2x1x400xi32, #tpu.memory_space<vmem>>, vector<16xi32>,
      %mul3A_807 = arith.constant 2 : i32
      %mul3A_808 = vector.broadcast %mul3A_807 : i32 to vector<16xi32>
      %mul3A_809 = arith.muli %get3A_806, %mul3A_808 : vector<16xi32>
      %add3A_810 = arith.addi %mul3A_800, %mul3A_809 : vector<16xi32>
      %add3A_811 = vector.broadcast %arg0 : i32 to vector<16xi32>
      %add3A_812 = arith.addi %add3A_810, %add3A_811 : vector<16xi32>
      %swap3A_813 = arith.constant 0 : i32
      %swap3A_814 = arith.constant 0 : i32
      %swap3A_815 = arith.index_cast %swap3A_813 : i32 to index
      %swap3A_816 = arith.index_cast %swap3A_814 : i32 to index
      %swap3A_817 = arith.constant 160 : index
      %swap3A_818 = tpu.vector_load %arg10[%swap3A_815, %swap3A_816, %swap3A_817] {strides = array<i32>} : memref<2x1x400xi32, #tpu.memory_space<vmem>>, vector<16xi32>,
      tpu.vector_store %arg10[%swap3A_815, %swap3A_816, %swap3A_817], %add3A_812 {strides = array<i32>} : memref<2x1x400xi32, #tpu.memory_space<vmem>>, vector<16xi32>,
      %get3A_819 = arith.constant 0 : i32
      %get3A_820 = arith.constant 0 : i32
      %get3A_821 = arith.index_cast %get3A_819 : i32 to index
      %get3A_822 = arith.index_cast %get3A_820 : i32 to index
      %get3A_823 = arith.constant 176 : index
      %get3A_824 = tpu.vector_load %arg8[%get3A_821, %get3A_822, %get3A_823] {strides = array<i32>} : memref<2x1x400xi32, #tpu.memory_space<vmem>>, vector<16xi32>,
      %mul3A_825 = arith.constant 14 : i32
      %mul3A_826 = vector.broadcast %mul3A_825 : i32 to vector<16xi32>
      %mul3A_827 = arith.muli %get3A_824, %mul3A_826 : vector<16xi32>
      %get3A_828 = arith.constant 0 : i32
      %get3A_829 = arith.constant 0 : i32
      %get3A_830 = arith.index_cast %get3A_828 : i32 to index
      %get3A_831 = arith.index_cast %get3A_829 : i32 to index
      %get3A_832 = arith.constant 176 : index
      %get3A_833 = tpu.vector_load %arg9[%get3A_830, %get3A_831, %get3A_832] {strides = array<i32>} : memref<2x1x400xi32, #tpu.memory_space<vmem>>, vector<16xi32>,
      %mul3A_834 = arith.constant 2 : i32
      %mul3A_835 = vector.broadcast %mul3A_834 : i32 to vector<16xi32>
      %mul3A_836 = arith.muli %get3A_833, %mul3A_835 : vector<16xi32>
      %add3A_837 = arith.addi %mul3A_827, %mul3A_836 : vector<16xi32>
      %add3A_838 = vector.broadcast %arg0 : i32 to vector<16xi32>
      %add3A_839 = arith.addi %add3A_837, %add3A_838 : vector<16xi32>
      %swap3A_840 = arith.constant 0 : i32
      %swap3A_841 = arith.constant 0 : i32
      %swap3A_842 = arith.index_cast %swap3A_840 : i32 to index
      %swap3A_843 = arith.index_cast %swap3A_841 : i32 to index
      %swap3A_844 = arith.constant 176 : index
      %swap3A_845 = tpu.vector_load %arg10[%swap3A_842, %swap3A_843, %swap3A_844] {strides = array<i32>} : memref<2x1x400xi32, #tpu.memory_space<vmem>>, vector<16xi32>,
      tpu.vector_store %arg10[%swap3A_842, %swap3A_843, %swap3A_844], %add3A_839 {strides = array<i32>} : memref<2x1x400xi32, #tpu.memory_space<vmem>>, vector<16xi32>,
      %get3A_846 = arith.constant 0 : i32
      %get3A_847 = arith.constant 0 : i32
      %get3A_848 = arith.index_cast %get3A_846 : i32 to index
      %get3A_849 = arith.index_cast %get3A_847 : i32 to index
      %get3A_850 = arith.constant 192 : index
      %get3A_851 = tpu.vector_load %arg8[%get3A_848, %get3A_849, %get3A_850] {strides = array<i32>} : memref<2x1x400xi32, #tpu.memory_space<vmem>>, vector<16xi32>,
      %mul3A_852 = arith.constant 14 : i32
      %mul3A_853 = vector.broadcast %mul3A_852 : i32 to vector<16xi32>
      %mul3A_854 = arith.muli %get3A_851, %mul3A_853 : vector<16xi32>
      %get3A_855 = arith.constant 0 : i32
      %get3A_856 = arith.constant 0 : i32
      %get3A_857 = arith.index_cast %get3A_855 : i32 to index
      %get3A_858 = arith.index_cast %get3A_856 : i32 to index
      %get3A_859 = arith.constant 192 : index
      %get3A_860 = tpu.vector_load %arg9[%get3A_857, %get3A_858, %get3A_859] {strides = array<i32>} : memref<2x1x400xi32, #tpu.memory_space<vmem>>, vector<16xi32>,
      %mul3A_861 = arith.constant 2 : i32
      %mul3A_862 = vector.broadcast %mul3A_861 : i32 to vector<16xi32>
      %mul3A_863 = arith.muli %get3A_860, %mul3A_862 : vector<16xi32>
      %add3A_864 = arith.addi %mul3A_854, %mul3A_863 : vector<16xi32>
      %add3A_865 = vector.broadcast %arg0 : i32 to vector<16xi32>
      %add3A_866 = arith.addi %add3A_864, %add3A_865 : vector<16xi32>
      %swap3A_867 = arith.constant 0 : i32
      %swap3A_868 = arith.constant 0 : i32
      %swap3A_869 = arith.index_cast %swap3A_867 : i32 to index
      %swap3A_870 = arith.index_cast %swap3A_868 : i32 to index
      %swap3A_871 = arith.constant 192 : index
      %swap3A_872 = tpu.vector_load %arg10[%swap3A_869, %swap3A_870, %swap3A_871] {strides = array<i32>} : memref<2x1x400xi32, #tpu.memory_space<vmem>>, vector<16xi32>,
      tpu.vector_store %arg10[%swap3A_869, %swap3A_870, %swap3A_871], %add3A_866 {strides = array<i32>} : memref<2x1x400xi32, #tpu.memory_space<vmem>>, vector<16xi32>,
      %get3A_873 = arith.constant 0 : i32
      %get3A_874 = arith.constant 0 : i32
      %get3A_875 = arith.index_cast %get3A_873 : i32 to index
      %get3A_876 = arith.index_cast %get3A_874 : i32 to index
      %get3A_877 = arith.constant 208 : index
      %get3A_878 = tpu.vector_load %arg8[%get3A_875, %get3A_876, %get3A_877] {strides = array<i32>} : memref<2x1x400xi32, #tpu.memory_space<vmem>>, vector<16xi32>,
      %mul3A_879 = arith.constant 14 : i32
      %mul3A_880 = vector.broadcast %mul3A_879 : i32 to vector<16xi32>
      %mul3A_881 = arith.muli %get3A_878, %mul3A_880 : vector<16xi32>
      %get3A_882 = arith.constant 0 : i32
      %get3A_883 = arith.constant 0 : i32
      %get3A_884 = arith.index_cast %get3A_882 : i32 to index
      %get3A_885 = arith.index_cast %get3A_883 : i32 to index
      %get3A_886 = arith.constant 208 : index
      %get3A_887 = tpu.vector_load %arg9[%get3A_884, %get3A_885, %get3A_886] {strides = array<i32>} : memref<2x1x400xi32, #tpu.memory_space<vmem>>, vector<16xi32>,
      %mul3A_888 = arith.constant 2 : i32
      %mul3A_889 = vector.broadcast %mul3A_888 : i32 to vector<16xi32>
      %mul3A_890 = arith.muli %get3A_887, %mul3A_889 : vector<16xi32>
      %add3A_891 = arith.addi %mul3A_881, %mul3A_890 : vector<16xi32>
      %add3A_892 = vector.broadcast %arg0 : i32 to vector<16xi32>
      %add3A_893 = arith.addi %add3A_891, %add3A_892 : vector<16xi32>
      %swap3A_894 = arith.constant 0 : i32
      %swap3A_895 = arith.constant 0 : i32
      %swap3A_896 = arith.index_cast %swap3A_894 : i32 to index
      %swap3A_897 = arith.index_cast %swap3A_895 : i32 to index
      %swap3A_898 = arith.constant 208 : index
      %swap3A_899 = tpu.vector_load %arg10[%swap3A_896, %swap3A_897, %swap3A_898] {strides = array<i32>} : memref<2x1x400xi32, #tpu.memory_space<vmem>>, vector<16xi32>,
      tpu.vector_store %arg10[%swap3A_896, %swap3A_897, %swap3A_898], %add3A_893 {strides = array<i32>} : memref<2x1x400xi32, #tpu.memory_space<vmem>>, vector<16xi32>,
      %get3A_900 = arith.constant 0 : i32
      %get3A_901 = arith.constant 0 : i32
      %get3A_902 = arith.index_cast %get3A_900 : i32 to index
      %get3A_903 = arith.index_cast %get3A_901 : i32 to index
      %get3A_904 = arith.constant 224 : index
      %get3A_905 = tpu.vector_load %arg8[%get3A_902, %get3A_903, %get3A_904] {strides = array<i32>} : memref<2x1x400xi32, #tpu.memory_space<vmem>>, vector<16xi32>,
      %mul3A_906 = arith.constant 14 : i32
      %mul3A_907 = vector.broadcast %mul3A_906 : i32 to vector<16xi32>
      %mul3A_908 = arith.muli %get3A_905, %mul3A_907 : vector<16xi32>
      %get3A_909 = arith.constant 0 : i32
      %get3A_910 = arith.constant 0 : i32
      %get3A_911 = arith.index_cast %get3A_909 : i32 to index
      %get3A_912 = arith.index_cast %get3A_910 : i32 to index
      %get3A_913 = arith.constant 224 : index
      %get3A_914 = tpu.vector_load %arg9[%get3A_911, %get3A_912, %get3A_913] {strides = array<i32>} : memref<2x1x400xi32, #tpu.memory_space<vmem>>, vector<16xi32>,
      %mul3A_915 = arith.constant 2 : i32
      %mul3A_916 = vector.broadcast %mul3A_915 : i32 to vector<16xi32>
      %mul3A_917 = arith.muli %get3A_914, %mul3A_916 : vector<16xi32>
      %add3A_918 = arith.addi %mul3A_908, %mul3A_917 : vector<16xi32>
      %add3A_919 = vector.broadcast %arg0 : i32 to vector<16xi32>
      %add3A_920 = arith.addi %add3A_918, %add3A_919 : vector<16xi32>
      %swap3A_921 = arith.constant 0 : i32
      %swap3A_922 = arith.constant 0 : i32
      %swap3A_923 = arith.index_cast %swap3A_921 : i32 to index
      %swap3A_924 = arith.index_cast %swap3A_922 : i32 to index
      %swap3A_925 = arith.constant 224 : index
      %swap3A_926 = tpu.vector_load %arg10[%swap3A_923, %swap3A_924, %swap3A_925] {strides = array<i32>} : memref<2x1x400xi32, #tpu.memory_space<vmem>>, vector<16xi32>,
      tpu.vector_store %arg10[%swap3A_923, %swap3A_924, %swap3A_925], %add3A_920 {strides = array<i32>} : memref<2x1x400xi32, #tpu.memory_space<vmem>>, vector<16xi32>,
      %get3A_927 = arith.constant 0 : i32
      %get3A_928 = arith.constant 0 : i32
      %get3A_929 = arith.index_cast %get3A_927 : i32 to index
      %get3A_930 = arith.index_cast %get3A_928 : i32 to index
      %get3A_931 = arith.constant 240 : index
      %get3A_932 = tpu.vector_load %arg8[%get3A_929, %get3A_930, %get3A_931] {strides = array<i32>} : memref<2x1x400xi32, #tpu.memory_space<vmem>>, vector<16xi32>,
      %mul3A_933 = arith.constant 14 : i32
      %mul3A_934 = vector.broadcast %mul3A_933 : i32 to vector<16xi32>
      %mul3A_935 = arith.muli %get3A_932, %mul3A_934 : vector<16xi32>
      %get3A_936 = arith.constant 0 : i32
      %get3A_937 = arith.constant 0 : i32
      %get3A_938 = arith.index_cast %get3A_936 : i32 to index
      %get3A_939 = arith.index_cast %get3A_937 : i32 to index
      %get3A_940 = arith.constant 240 : index
      %get3A_941 = tpu.vector_load %arg9[%get3A_938, %get3A_939, %get3A_940] {strides = array<i32>} : memref<2x1x400xi32, #tpu.memory_space<vmem>>, vector<16xi32>,
      %mul3A_942 = arith.constant 2 : i32
      %mul3A_943 = vector.broadcast %mul3A_942 : i32 to vector<16xi32>
      %mul3A_944 = arith.muli %get3A_941, %mul3A_943 : vector<16xi32>
      %add3A_945 = arith.addi %mul3A_935, %mul3A_944 : vector<16xi32>
      %add3A_946 = vector.broadcast %arg0 : i32 to vector<16xi32>
      %add3A_947 = arith.addi %add3A_945, %add3A_946 : vector<16xi32>
      %swap3A_948 = arith.constant 0 : i32
      %swap3A_949 = arith.constant 0 : i32
      %swap3A_950 = arith.index_cast %swap3A_948 : i32 to index
      %swap3A_951 = arith.index_cast %swap3A_949 : i32 to index
      %swap3A_952 = arith.constant 240 : index
      %swap3A_953 = tpu.vector_load %arg10[%swap3A_950, %swap3A_951, %swap3A_952] {strides = array<i32>} : memref<2x1x400xi32, #tpu.memory_space<vmem>>, vector<16xi32>,
      tpu.vector_store %arg10[%swap3A_950, %swap3A_951, %swap3A_952], %add3A_947 {strides = array<i32>} : memref<2x1x400xi32, #tpu.memory_space<vmem>>, vector<16xi32>,
      %get3A_954 = arith.constant 0 : i32
      %get3A_955 = arith.constant 0 : i32
      %get3A_956 = arith.index_cast %get3A_954 : i32 to index
      %get3A_957 = arith.index_cast %get3A_955 : i32 to index
      %get3A_958 = arith.constant 256 : index
      %get3A_959 = tpu.vector_load %arg8[%get3A_956, %get3A_957, %get3A_958] {strides = array<i32>} : memref<2x1x400xi32, #tpu.memory_space<vmem>>, vector<16xi32>,
      %mul3A_960 = arith.constant 14 : i32
      %mul3A_961 = vector.broadcast %mul3A_960 : i32 to vector<16xi32>
      %mul3A_962 = arith.muli %get3A_959, %mul3A_961 : vector<16xi32>
      %get3A_963 = arith.constant 0 : i32
      %get3A_964 = arith.constant 0 : i32
      %get3A_965 = arith.index_cast %get3A_963 : i32 to index
      %get3A_966 = arith.index_cast %get3A_964 : i32 to index
      %get3A_967 = arith.constant 256 : index
      %get3A_968 = tpu.vector_load %arg9[%get3A_965, %get3A_966, %get3A_967] {strides = array<i32>} : memref<2x1x400xi32, #tpu.memory_space<vmem>>, vector<16xi32>,
      %mul3A_969 = arith.constant 2 : i32
      %mul3A_970 = vector.broadcast %mul3A_969 : i32 to vector<16xi32>
      %mul3A_971 = arith.muli %get3A_968, %mul3A_970 : vector<16xi32>
      %add3A_972 = arith.addi %mul3A_962, %mul3A_971 : vector<16xi32>
      %add3A_973 = vector.broadcast %arg0 : i32 to vector<16xi32>
      %add3A_974 = arith.addi %add3A_972, %add3A_973 : vector<16xi32>
      %swap3A_975 = arith.constant 0 : i32
      %swap3A_976 = arith.constant 0 : i32
      %swap3A_977 = arith.index_cast %swap3A_975 : i32 to index
      %swap3A_978 = arith.index_cast %swap3A_976 : i32 to index
      %swap3A_979 = arith.constant 256 : index
      %swap3A_980 = tpu.vector_load %arg10[%swap3A_977, %swap3A_978, %swap3A_979] {strides = array<i32>} : memref<2x1x400xi32, #tpu.memory_space<vmem>>, vector<16xi32>,
      tpu.vector_store %arg10[%swap3A_977, %swap3A_978, %swap3A_979], %add3A_974 {strides = array<i32>} : memref<2x1x400xi32, #tpu.memory_space<vmem>>, vector<16xi32>,
      %get3A_981 = arith.constant 0 : i32
      %get3A_982 = arith.constant 0 : i32
      %get3A_983 = arith.index_cast %get3A_981 : i32 to index
      %get3A_984 = arith.index_cast %get3A_982 : i32 to index
      %get3A_985 = arith.constant 272 : index
      %get3A_986 = tpu.vector_load %arg8[%get3A_983, %get3A_984, %get3A_985] {strides = array<i32>} : memref<2x1x400xi32, #tpu.memory_space<vmem>>, vector<16xi32>,
      %mul3A_987 = arith.constant 14 : i32
      %mul3A_988 = vector.broadcast %mul3A_987 : i32 to vector<16xi32>
      %mul3A_989 = arith.muli %get3A_986, %mul3A_988 : vector<16xi32>
      %get3A_990 = arith.constant 0 : i32
      %get3A_991 = arith.constant 0 : i32
      %get3A_992 = arith.index_cast %get3A_990 : i32 to index
      %get3A_993 = arith.index_cast %get3A_991 : i32 to index
      %get3A_994 = arith.constant 272 : index
      %get3A_995 = tpu.vector_load %arg9[%get3A_992, %get3A_993, %get3A_994] {strides = array<i32>} : memref<2x1x400xi32, #tpu.memory_space<vmem>>, vector<16xi32>,
      %mul3A_996 = arith.constant 2 : i32
      %mul3A_997 = vector.broadcast %mul3A_996 : i32 to vector<16xi32>
      %mul3A_998 = arith.muli %get3A_995, %mul3A_997 : vector<16xi32>
      %add3A_999 = arith.addi %mul3A_989, %mul3A_998 : vector<16xi32>
      %add3A_1000 = vector.broadcast %arg0 : i32 to vector<16xi32>
      %add3A_1001 = arith.addi %add3A_999, %add3A_1000 : vector<16xi32>
      %swap3A_1002 = arith.constant 0 : i32
      %swap3A_1003 = arith.constant 0 : i32
      %swap3A_1004 = arith.index_cast %swap3A_1002 : i32 to index
      %swap3A_1005 = arith.index_cast %swap3A_1003 : i32 to index
      %swap3A_1006 = arith.constant 272 : index
      %swap3A_1007 = tpu.vector_load %arg10[%swap3A_1004, %swap3A_1005, %swap3A_1006] {strides = array<i32>} : memref<2x1x400xi32, #tpu.memory_space<vmem>>, vector<16xi32>,
      tpu.vector_store %arg10[%swap3A_1004, %swap3A_1005, %swap3A_1006], %add3A_1001 {strides = array<i32>} : memref<2x1x400xi32, #tpu.memory_space<vmem>>, vector<16xi32>,
      %get3A_1008 = arith.constant 0 : i32
      %get3A_1009 = arith.constant 0 : i32
      %get3A_1010 = arith.index_cast %get3A_1008 : i32 to index
      %get3A_1011 = arith.index_cast %get3A_1009 : i32 to index
      %get3A_1012 = arith.constant 288 : index
      %get3A_1013 = tpu.vector_load %arg8[%get3A_1010, %get3A_1011, %get3A_1012] {strides = array<i32>} : memref<2x1x400xi32, #tpu.memory_space<vmem>>, vector<16xi32>,
      %mul3A_1014 = arith.constant 14 : i32
      %mul3A_1015 = vector.broadcast %mul3A_1014 : i32 to vector<16xi32>
      %mul3A_1016 = arith.muli %get3A_1013, %mul3A_1015 : vector<16xi32>
      %get3A_1017 = arith.constant 0 : i32
      %get3A_1018 = arith.constant 0 : i32
      %get3A_1019 = arith.index_cast %get3A_1017 : i32 to index
      %get3A_1020 = arith.index_cast %get3A_1018 : i32 to index
      %get3A_1021 = arith.constant 288 : index
      %get3A_1022 = tpu.vector_load %arg9[%get3A_1019, %get3A_1020, %get3A_1021] {strides = array<i32>} : memref<2x1x400xi32, #tpu.memory_space<vmem>>, vector<16xi32>,
      %mul3A_1023 = arith.constant 2 : i32
      %mul3A_1024 = vector.broadcast %mul3A_1023 : i32 to vector<16xi32>
      %mul3A_1025 = arith.muli %get3A_1022, %mul3A_1024 : vector<16xi32>
      %add3A_1026 = arith.addi %mul3A_1016, %mul3A_1025 : vector<16xi32>
      %add3A_1027 = vector.broadcast %arg0 : i32 to vector<16xi32>
      %add3A_1028 = arith.addi %add3A_1026, %add3A_1027 : vector<16xi32>
      %swap3A_1029 = arith.constant 0 : i32
      %swap3A_1030 = arith.constant 0 : i32
      %swap3A_1031 = arith.index_cast %swap3A_1029 : i32 to index
      %swap3A_1032 = arith.index_cast %swap3A_1030 : i32 to index
      %swap3A_1033 = arith.constant 288 : index
      %swap3A_1034 = tpu.vector_load %arg10[%swap3A_1031, %swap3A_1032, %swap3A_1033] {strides = array<i32>} : memref<2x1x400xi32, #tpu.memory_space<vmem>>, vector<16xi32>,
      tpu.vector_store %arg10[%swap3A_1031, %swap3A_1032, %swap3A_1033], %add3A_1028 {strides = array<i32>} : memref<2x1x400xi32, #tpu.memory_space<vmem>>, vector<16xi32>,
      %get3A_1035 = arith.constant 0 : i32
      %get3A_1036 = arith.constant 0 : i32
      %get3A_1037 = arith.index_cast %get3A_1035 : i32 to index
      %get3A_1038 = arith.index_cast %get3A_1036 : i32 to index
      %get3A_1039 = arith.constant 304 : index
      %get3A_1040 = tpu.vector_load %arg8[%get3A_1037, %get3A_1038, %get3A_1039] {strides = array<i32>} : memref<2x1x400xi32, #tpu.memory_space<vmem>>, vector<16xi32>,
      %mul3A_1041 = arith.constant 14 : i32
      %mul3A_1042 = vector.broadcast %mul3A_1041 : i32 to vector<16xi32>
      %mul3A_1043 = arith.muli %get3A_1040, %mul3A_1042 : vector<16xi32>
      %get3A_1044 = arith.constant 0 : i32
      %get3A_1045 = arith.constant 0 : i32
      %get3A_1046 = arith.index_cast %get3A_1044 : i32 to index
      %get3A_1047 = arith.index_cast %get3A_1045 : i32 to index
      %get3A_1048 = arith.constant 304 : index
      %get3A_1049 = tpu.vector_load %arg9[%get3A_1046, %get3A_1047, %get3A_1048] {strides = array<i32>} : memref<2x1x400xi32, #tpu.memory_space<vmem>>, vector<16xi32>,
      %mul3A_1050 = arith.constant 2 : i32
      %mul3A_1051 = vector.broadcast %mul3A_1050 : i32 to vector<16xi32>
      %mul3A_1052 = arith.muli %get3A_1049, %mul3A_1051 : vector<16xi32>
      %add3A_1053 = arith.addi %mul3A_1043, %mul3A_1052 : vector<16xi32>
      %add3A_1054 = vector.broadcast %arg0 : i32 to vector<16xi32>
      %add3A_1055 = arith.addi %add3A_1053, %add3A_1054 : vector<16xi32>
      %swap3A_1056 = arith.constant 0 : i32
      %swap3A_1057 = arith.constant 0 : i32
      %swap3A_1058 = arith.index_cast %swap3A_1056 : i32 to index
      %swap3A_1059 = arith.index_cast %swap3A_1057 : i32 to index
      %swap3A_1060 = arith.constant 304 : index
      %swap3A_1061 = tpu.vector_load %arg10[%swap3A_1058, %swap3A_1059, %swap3A_1060] {strides = array<i32>} : memref<2x1x400xi32, #tpu.memory_space<vmem>>, vector<16xi32>,
      tpu.vector_store %arg10[%swap3A_1058, %swap3A_1059, %swap3A_1060], %add3A_1055 {strides = array<i32>} : memref<2x1x400xi32, #tpu.memory_space<vmem>>, vector<16xi32>,
      %get3A_1062 = arith.constant 0 : i32
      %get3A_1063 = arith.constant 0 : i32
      %get3A_1064 = arith.index_cast %get3A_1062 : i32 to index
      %get3A_1065 = arith.index_cast %get3A_1063 : i32 to index
      %get3A_1066 = arith.constant 320 : index
      %get3A_1067 = tpu.vector_load %arg8[%get3A_1064, %get3A_1065, %get3A_1066] {strides = array<i32>} : memref<2x1x400xi32, #tpu.memory_space<vmem>>, vector<16xi32>,
      %mul3A_1068 = arith.constant 14 : i32
      %mul3A_1069 = vector.broadcast %mul3A_1068 : i32 to vector<16xi32>
      %mul3A_1070 = arith.muli %get3A_1067, %mul3A_1069 : vector<16xi32>
      %get3A_1071 = arith.constant 0 : i32
      %get3A_1072 = arith.constant 0 : i32
      %get3A_1073 = arith.index_cast %get3A_1071 : i32 to index
      %get3A_1074 = arith.index_cast %get3A_1072 : i32 to index
      %get3A_1075 = arith.constant 320 : index
      %get3A_1076 = tpu.vector_load %arg9[%get3A_1073, %get3A_1074, %get3A_1075] {strides = array<i32>} : memref<2x1x400xi32, #tpu.memory_space<vmem>>, vector<16xi32>,
      %mul3A_1077 = arith.constant 2 : i32
      %mul3A_1078 = vector.broadcast %mul3A_1077 : i32 to vector<16xi32>
      %mul3A_1079 = arith.muli %get3A_1076, %mul3A_1078 : vector<16xi32>
      %add3A_1080 = arith.addi %mul3A_1070, %mul3A_1079 : vector<16xi32>
      %add3A_1081 = vector.broadcast %arg0 : i32 to vector<16xi32>
      %add3A_1082 = arith.addi %add3A_1080, %add3A_1081 : vector<16xi32>
      %swap3A_1083 = arith.constant 0 : i32
      %swap3A_1084 = arith.constant 0 : i32
      %swap3A_1085 = arith.index_cast %swap3A_1083 : i32 to index
      %swap3A_1086 = arith.index_cast %swap3A_1084 : i32 to index
      %swap3A_1087 = arith.constant 320 : index
      %swap3A_1088 = tpu.vector_load %arg10[%swap3A_1085, %swap3A_1086, %swap3A_1087] {strides = array<i32>} : memref<2x1x400xi32, #tpu.memory_space<vmem>>, vector<16xi32>,
      tpu.vector_store %arg10[%swap3A_1085, %swap3A_1086, %swap3A_1087], %add3A_1082 {strides = array<i32>} : memref<2x1x400xi32, #tpu.memory_space<vmem>>, vector<16xi32>,
      %get3A_1089 = arith.constant 0 : i32
      %get3A_1090 = arith.constant 0 : i32
      %get3A_1091 = arith.index_cast %get3A_1089 : i32 to index
      %get3A_1092 = arith.index_cast %get3A_1090 : i32 to index
      %get3A_1093 = arith.constant 336 : index
      %get3A_1094 = tpu.vector_load %arg8[%get3A_1091, %get3A_1092, %get3A_1093] {strides = array<i32>} : memref<2x1x400xi32, #tpu.memory_space<vmem>>, vector<16xi32>,
      %mul3A_1095 = arith.constant 14 : i32
      %mul3A_1096 = vector.broadcast %mul3A_1095 : i32 to vector<16xi32>
      %mul3A_1097 = arith.muli %get3A_1094, %mul3A_1096 : vector<16xi32>
      %get3A_1098 = arith.constant 0 : i32
      %get3A_1099 = arith.constant 0 : i32
      %get3A_1100 = arith.index_cast %get3A_1098 : i32 to index
      %get3A_1101 = arith.index_cast %get3A_1099 : i32 to index
      %get3A_1102 = arith.constant 336 : index
      %get3A_1103 = tpu.vector_load %arg9[%get3A_1100, %get3A_1101, %get3A_1102] {strides = array<i32>} : memref<2x1x400xi32, #tpu.memory_space<vmem>>, vector<16xi32>,
      %mul3A_1104 = arith.constant 2 : i32
      %mul3A_1105 = vector.broadcast %mul3A_1104 : i32 to vector<16xi32>
      %mul3A_1106 = arith.muli %get3A_1103, %mul3A_1105 : vector<16xi32>
      %add3A_1107 = arith.addi %mul3A_1097, %mul3A_1106 : vector<16xi32>
      %add3A_1108 = vector.broadcast %arg0 : i32 to vector<16xi32>
      %add3A_1109 = arith.addi %add3A_1107, %add3A_1108 : vector<16xi32>
      %swap3A_1110 = arith.constant 0 : i32
      %swap3A_1111 = arith.constant 0 : i32
      %swap3A_1112 = arith.index_cast %swap3A_1110 : i32 to index
      %swap3A_1113 = arith.index_cast %swap3A_1111 : i32 to index
      %swap3A_1114 = arith.constant 336 : index
      %swap3A_1115 = tpu.vector_load %arg10[%swap3A_1112, %swap3A_1113, %swap3A_1114] {strides = array<i32>} : memref<2x1x400xi32, #tpu.memory_space<vmem>>, vector<16xi32>,
      tpu.vector_store %arg10[%swap3A_1112, %swap3A_1113, %swap3A_1114], %add3A_1109 {strides = array<i32>} : memref<2x1x400xi32, #tpu.memory_space<vmem>>, vector<16xi32>,
      %get3A_1116 = arith.constant 0 : i32
      %get3A_1117 = arith.constant 0 : i32
      %get3A_1118 = arith.index_cast %get3A_1116 : i32 to index
      %get3A_1119 = arith.index_cast %get3A_1117 : i32 to index
      %get3A_1120 = arith.constant 352 : index
      %get3A_1121 = tpu.vector_load %arg8[%get3A_1118, %get3A_1119, %get3A_1120] {strides = array<i32>} : memref<2x1x400xi32, #tpu.memory_space<vmem>>, vector<16xi32>,
      %mul3A_1122 = arith.constant 14 : i32
      %mul3A_1123 = vector.broadcast %mul3A_1122 : i32 to vector<16xi32>
      %mul3A_1124 = arith.muli %get3A_1121, %mul3A_1123 : vector<16xi32>
      %get3A_1125 = arith.constant 0 : i32
      %get3A_1126 = arith.constant 0 : i32
      %get3A_1127 = arith.index_cast %get3A_1125 : i32 to index
      %get3A_1128 = arith.index_cast %get3A_1126 : i32 to index
      %get3A_1129 = arith.constant 352 : index
      %get3A_1130 = tpu.vector_load %arg9[%get3A_1127, %get3A_1128, %get3A_1129] {strides = array<i32>} : memref<2x1x400xi32, #tpu.memory_space<vmem>>, vector<16xi32>,
      %mul3A_1131 = arith.constant 2 : i32
      %mul3A_1132 = vector.broadcast %mul3A_1131 : i32 to vector<16xi32>
      %mul3A_1133 = arith.muli %get3A_1130, %mul3A_1132 : vector<16xi32>
      %add3A_1134 = arith.addi %mul3A_1124, %mul3A_1133 : vector<16xi32>
      %add3A_1135 = vector.broadcast %arg0 : i32 to vector<16xi32>
      %add3A_1136 = arith.addi %add3A_1134, %add3A_1135 : vector<16xi32>
      %swap3A_1137 = arith.constant 0 : i32
      %swap3A_1138 = arith.constant 0 : i32
      %swap3A_1139 = arith.index_cast %swap3A_1137 : i32 to index
      %swap3A_1140 = arith.index_cast %swap3A_1138 : i32 to index
      %swap3A_1141 = arith.constant 352 : index
      %swap3A_1142 = tpu.vector_load %arg10[%swap3A_1139, %swap3A_1140, %swap3A_1141] {strides = array<i32>} : memref<2x1x400xi32, #tpu.memory_space<vmem>>, vector<16xi32>,
      tpu.vector_store %arg10[%swap3A_1139, %swap3A_1140, %swap3A_1141], %add3A_1136 {strides = array<i32>} : memref<2x1x400xi32, #tpu.memory_space<vmem>>, vector<16xi32>,
      %get3A_1143 = arith.constant 0 : i32
      %get3A_1144 = arith.constant 0 : i32
      %get3A_1145 = arith.index_cast %get3A_1143 : i32 to index
      %get3A_1146 = arith.index_cast %get3A_1144 : i32 to index
      %get3A_1147 = arith.constant 368 : index
      %get3A_1148 = tpu.vector_load %arg8[%get3A_1145, %get3A_1146, %get3A_1147] {strides = array<i32>} : memref<2x1x400xi32, #tpu.memory_space<vmem>>, vector<16xi32>,
      %mul3A_1149 = arith.constant 14 : i32
      %mul3A_1150 = vector.broadcast %mul3A_1149 : i32 to vector<16xi32>
      %mul3A_1151 = arith.muli %get3A_1148, %mul3A_1150 : vector<16xi32>
      %get3A_1152 = arith.constant 0 : i32
      %get3A_1153 = arith.constant 0 : i32
      %get3A_1154 = arith.index_cast %get3A_1152 : i32 to index
      %get3A_1155 = arith.index_cast %get3A_1153 : i32 to index
      %get3A_1156 = arith.constant 368 : index
      %get3A_1157 = tpu.vector_load %arg9[%get3A_1154, %get3A_1155, %get3A_1156] {strides = array<i32>} : memref<2x1x400xi32, #tpu.memory_space<vmem>>, vector<16xi32>,
      %mul3A_1158 = arith.constant 2 : i32
      %mul3A_1159 = vector.broadcast %mul3A_1158 : i32 to vector<16xi32>
      %mul3A_1160 = arith.muli %get3A_1157, %mul3A_1159 : vector<16xi32>
      %add3A_1161 = arith.addi %mul3A_1151, %mul3A_1160 : vector<16xi32>
      %add3A_1162 = vector.broadcast %arg0 : i32 to vector<16xi32>
      %add3A_1163 = arith.addi %add3A_1161, %add3A_1162 : vector<16xi32>
      %swap3A_1164 = arith.constant 0 : i32
      %swap3A_1165 = arith.constant 0 : i32
      %swap3A_1166 = arith.index_cast %swap3A_1164 : i32 to index
      %swap3A_1167 = arith.index_cast %swap3A_1165 : i32 to index
      %swap3A_1168 = arith.constant 368 : index
      %swap3A_1169 = tpu.vector_load %arg10[%swap3A_1166, %swap3A_1167, %swap3A_1168] {strides = array<i32>} : memref<2x1x400xi32, #tpu.memory_space<vmem>>, vector<16xi32>,
      tpu.vector_store %arg10[%swap3A_1166, %swap3A_1167, %swap3A_1168], %add3A_1163 {strides = array<i32>} : memref<2x1x400xi32, #tpu.memory_space<vmem>>, vector<16xi32>,
      %get3A_1170 = arith.constant 0 : i32
      %get3A_1171 = arith.constant 0 : i32
      %get3A_1172 = arith.index_cast %get3A_1170 : i32 to index
      %get3A_1173 = arith.index_cast %get3A_1171 : i32 to index
      %get3A_1174 = arith.constant 384 : index
      %get3A_1175 = tpu.vector_load %arg8[%get3A_1172, %get3A_1173, %get3A_1174] {strides = array<i32>} : memref<2x1x400xi32, #tpu.memory_space<vmem>>, vector<16xi32>,
      %mul3A_1176 = arith.constant 14 : i32
      %mul3A_1177 = vector.broadcast %mul3A_1176 : i32 to vector<16xi32>
      %mul3A_1178 = arith.muli %get3A_1175, %mul3A_1177 : vector<16xi32>
      %get3A_1179 = arith.constant 0 : i32
      %get3A_1180 = arith.constant 0 : i32
      %get3A_1181 = arith.index_cast %get3A_1179 : i32 to index
      %get3A_1182 = arith.index_cast %get3A_1180 : i32 to index
      %get3A_1183 = arith.constant 384 : index
      %get3A_1184 = tpu.vector_load %arg9[%get3A_1181, %get3A_1182, %get3A_1183] {strides = array<i32>} : memref<2x1x400xi32, #tpu.memory_space<vmem>>, vector<16xi32>,
      %mul3A_1185 = arith.constant 2 : i32
      %mul3A_1186 = vector.broadcast %mul3A_1185 : i32 to vector<16xi32>
      %mul3A_1187 = arith.muli %get3A_1184, %mul3A_1186 : vector<16xi32>
      %add3A_1188 = arith.addi %mul3A_1178, %mul3A_1187 : vector<16xi32>
      %add3A_1189 = vector.broadcast %arg0 : i32 to vector<16xi32>
      %add3A_1190 = arith.addi %add3A_1188, %add3A_1189 : vector<16xi32>
      %swap3A_1191 = arith.constant 0 : i32
      %swap3A_1192 = arith.constant 0 : i32
      %swap3A_1193 = arith.index_cast %swap3A_1191 : i32 to index
      %swap3A_1194 = arith.index_cast %swap3A_1192 : i32 to index
      %swap3A_1195 = arith.constant 384 : index
      %swap3A_1196 = tpu.vector_load %arg10[%swap3A_1193, %swap3A_1194, %swap3A_1195] {strides = array<i32>} : memref<2x1x400xi32, #tpu.memory_space<vmem>>, vector<16xi32>,
      tpu.vector_store %arg10[%swap3A_1193, %swap3A_1194, %swap3A_1195], %add3A_1190 {strides = array<i32>} : memref<2x1x400xi32, #tpu.memory_space<vmem>>, vector<16xi32>,
      %dma_wait3A_1197 = arith.constant 1 : i32
      %dma_wait3A_1198 = arith.constant 0 : i32
      %dma_wait3A_1199 = arith.constant 1 : i32
      %dma_wait3A_1200 = arith.constant 0 : i32
      %dma_wait3A_1201 = arith.constant 0 : i32
      %dma_wait3A_1202 = arith.constant 0 : i32
      %dma_wait3A_1203 = tpu.memref_slice %arg11[%dma_wait3A_1199, %dma_wait3A_1200, %dma_wait3A_1201, %dma_wait3A_1202] : memref<2x1x400x32xbf16, #tpu.memory_space<vmem>> -> memref<1x1x400x32xbf16, #tpu.memory_space<vmem>>
      %dma_wait3A_1204 = tpu.memref_squeeze %dma_wait3A_1203 : memref<1x1x400x32xbf16, #tpu.memory_space<vmem>> -> memref<400x32xbf16, #tpu.memory_space<vmem>>
      %dma_wait3A_1205 = arith.constant 0 : i32
      %dma_wait3A_1206 = tpu.memref_slice %arg10[%dma_wait3A_1197, %dma_wait3A_1198, %dma_wait3A_1205] : memref<2x1x400xi32, #tpu.memory_space<vmem>> -> memref<1x1x400xi32, #tpu.memory_space<vmem>>
      %dma_wait3A_1207 = tpu.memref_squeeze %dma_wait3A_1206 : memref<1x1x400xi32, #tpu.memory_space<vmem>> -> memref<400xi32, #tpu.memory_space<vmem>>
      %dma_wait3A_1208 = arith.constant 0 : i32
      %dma_wait3A_1209 = arith.constant 0 : i32
      %dma_wait3A_1210 = tpu.memref_slice %arg2[%dma_wait3A_1208, %dma_wait3A_1209] : memref<1400000x32xbf16, #tpu.memory_space<hbm>> -> memref<1400000x32xbf16, #tpu.memory_space<hbm>>
      tpu.wait_indirect_dma semaphore(%arg17 : memref<!tpu.dma_semaphore, #tpu.memory_space<semaphore_mem>>) src(%dma_wait3A_1210 : memref<1400000x32xbf16, #tpu.memory_space<hbm>>) dst(%dma_wait3A_1204 : memref<400x32xbf16, #tpu.memory_space<vmem>>)
      %dma_start3A_1211 = arith.constant 0 : i32
      %dma_start3A_1212 = arith.constant 0 : i32
      %dma_start3A_1213 = arith.constant 0 : i32
      %dma_start3A_1214 = arith.constant 0 : i32
      %dma_start3A_1215 = arith.constant 0 : i32
      %dma_start3A_1216 = arith.constant 0 : i32
      %dma_start3A_1217 = tpu.memref_slice %arg11[%dma_start3A_1213, %dma_start3A_1214, %dma_start3A_1215, %dma_start3A_1216] : memref<2x1x400x32xbf16, #tpu.memory_space<vmem>> -> memref<1x1x400x32xbf16, #tpu.memory_space<vmem>>
      %dma_start3A_1218 = tpu.memref_squeeze %dma_start3A_1217 : memref<1x1x400x32xbf16, #tpu.memory_space<vmem>> -> memref<400x32xbf16, #tpu.memory_space<vmem>>
      %dma_start3A_1219 = arith.constant 0 : i32
      %dma_start3A_1220 = tpu.memref_slice %arg10[%dma_start3A_1211, %dma_start3A_1212, %dma_start3A_1219] : memref<2x1x400xi32, #tpu.memory_space<vmem>> -> memref<1x1x400xi32, #tpu.memory_space<vmem>>
      %dma_start3A_1221 = tpu.memref_squeeze %dma_start3A_1220 : memref<1x1x400xi32, #tpu.memory_space<vmem>> -> memref<400xi32, #tpu.memory_space<vmem>>
      %dma_start3A_1222 = arith.constant 0 : i32
      %dma_start3A_1223 = arith.constant 0 : i32
      %dma_start3A_1224 = tpu.memref_slice %arg2[%dma_start3A_1222, %dma_start3A_1223] : memref<1400000x32xbf16, #tpu.memory_space<hbm>> -> memref<1400000x32xbf16, #tpu.memory_space<hbm>>
      tpu.enqueue_indirect_dma source(%dma_start3A_1224 : memref<1400000x32xbf16, #tpu.memory_space<hbm>>) target(%dma_start3A_1218 : memref<400x32xbf16, #tpu.memory_space<vmem>>) offsets(%dma_start3A_1221 : memref<400xi32, #tpu.memory_space<vmem>>) semaphore(%arg17 : memref<!tpu.dma_semaphore, #tpu.memory_space<semaphore_mem>>)
      %run_scoped3A_1225 = arith.constant 1 : i32
      %run_scoped3A_1226 = arith.constant 0 : i32
      %run_scoped3A_1227 = arith.constant 1 : i32
      %run_scoped3A_1228 = arith.constant 0 : i32
      "tpu.region"() ({
        %run_scoped3A_2006 = tpu.sem_alloc : memref<!tpu.dma_semaphore, #tpu.memory_space<semaphore_mem>>
        %dma_start3A_2007 = arith.constant 0 : i32
        %dma_start3A_2008 = arith.constant 0 : i32
        %dma_start3A_2009 = tpu.memref_slice %arg11[%run_scoped3A_1225, %run_scoped3A_1226, %dma_start3A_2007, %dma_start3A_2008] : memref<2x1x400x32xbf16, #tpu.memory_space<vmem>> -> memref<1x1x400x32xbf16, #tpu.memory_space<vmem>>
        %dma_start3A_2010 = tpu.memref_squeeze %dma_start3A_2009 : memref<1x1x400x32xbf16, #tpu.memory_space<vmem>> -> memref<400x32xbf16, #tpu.memory_space<vmem>>
        %dma_start3A_2011 = arith.constant 0 : i32
        %dma_start3A_2012 = tpu.memref_slice %arg7[%run_scoped3A_1227, %run_scoped3A_1228, %dma_start3A_2011] : memref<2x1x400xi32, #tpu.memory_space<vmem>> -> memref<1x1x400xi32, #tpu.memory_space<vmem>>
        %dma_start3A_2013 = tpu.memref_squeeze %dma_start3A_2012 : memref<1x1x400xi32, #tpu.memory_space<vmem>> -> memref<400xi32, #tpu.memory_space<vmem>>
        %dma_start3A_2014 = arith.constant 0 : i32
        %dma_start3A_2015 = arith.constant 0 : i32
        %dma_start3A_2016 = tpu.memref_slice %arg15[%dma_start3A_2014, %dma_start3A_2015] : memref<100008x32xbf16, #tpu.memory_space<vmem_shared>> -> memref<100008x32xbf16, #tpu.memory_space<vmem_shared>>
        tpu.enqueue_indirect_dma source(%dma_start3A_2010 : memref<400x32xbf16, #tpu.memory_space<vmem>>) target(%dma_start3A_2016 : memref<100008x32xbf16, #tpu.memory_space<vmem_shared>>) offsets(%dma_start3A_2013 : memref<400xi32, #tpu.memory_space<vmem>>) semaphore(%run_scoped3A_2006 : memref<!tpu.dma_semaphore, #tpu.memory_space<semaphore_mem>>) {add = true}
        %dma_wait3A_2017 = arith.constant 0 : i32
        %dma_wait3A_2018 = arith.constant 0 : i32
        %dma_wait3A_2019 = tpu.memref_slice %arg11[%run_scoped3A_1225, %run_scoped3A_1226, %dma_wait3A_2017, %dma_wait3A_2018] : memref<2x1x400x32xbf16, #tpu.memory_space<vmem>> -> memref<1x1x400x32xbf16, #tpu.memory_space<vmem>>
        %dma_wait3A_2020 = tpu.memref_squeeze %dma_wait3A_2019 : memref<1x1x400x32xbf16, #tpu.memory_space<vmem>> -> memref<400x32xbf16, #tpu.memory_space<vmem>>
        %dma_wait3A_2021 = arith.constant 0 : i32
        %dma_wait3A_2022 = tpu.memref_slice %arg7[%run_scoped3A_1227, %run_scoped3A_1228, %dma_wait3A_2021] : memref<2x1x400xi32, #tpu.memory_space<vmem>> -> memref<1x1x400xi32, #tpu.memory_space<vmem>>
        %dma_wait3A_2023 = tpu.memref_squeeze %dma_wait3A_2022 : memref<1x1x400xi32, #tpu.memory_space<vmem>> -> memref<400xi32, #tpu.memory_space<vmem>>
        %dma_wait3A_2024 = arith.constant 0 : i32
        %dma_wait3A_2025 = arith.constant 0 : i32
        %dma_wait3A_2026 = tpu.memref_slice %arg15[%dma_wait3A_2024, %dma_wait3A_2025] : memref<100008x32xbf16, #tpu.memory_space<vmem_shared>> -> memref<100008x32xbf16, #tpu.memory_space<vmem_shared>>
        tpu.wait_indirect_dma semaphore(%run_scoped3A_2006 : memref<!tpu.dma_semaphore, #tpu.memory_space<semaphore_mem>>) src(%dma_wait3A_2020 : memref<400x32xbf16, #tpu.memory_space<vmem>>) dst(%dma_wait3A_2026 : memref<100008x32xbf16, #tpu.memory_space<vmem_shared>>)
        tpu.yield
      }) : () -> ()
      %add3A_1229 = arith.constant 400 : i32
      %add3A_1230 = arith.addi %add3A, %add3A_1229 : i32
      %dma_start3A_1231 = arith.constant 1 : i32
      %dma_start3A_1232 = arith.constant 0 : i32
      %dma_start3A_1233 = arith.constant 0 : i32
      %dma_start3A_1234 = tpu.memref_slice %arg7[%dma_start3A_1231, %dma_start3A_1232, %dma_start3A_1233] : memref<2x1x400xi32, #tpu.memory_space<vmem>> -> memref<1x1x400xi32, #tpu.memory_space<vmem>>
      %dma_start3A_1235 = tpu.memref_squeeze %dma_start3A_1234 : memref<1x1x400xi32, #tpu.memory_space<vmem>> -> memref<400xi32, #tpu.memory_space<vmem>>
      %dma_start3A_1236 = tpu.memref_slice %arg3[%add3A_1230] : memref<1600000xi32, #tpu.memory_space<hbm>> -> memref<400xi32, #tpu.memory_space<hbm>>
      %dma_start3A_1237 = arith.constant 0 : i32
      %dma_start3A_1238 = tpu.memref_slice %arg7[%dma_start3A_1231, %dma_start3A_1232, %dma_start3A_1237] : memref<2x1x400xi32, #tpu.memory_space<vmem>> -> memref<1x1x400xi32, #tpu.memory_space<vmem>>
      %dma_start3A_1239 = tpu.memref_squeeze %dma_start3A_1238 : memref<1x1x400xi32, #tpu.memory_space<vmem>> -> memref<400xi32, #tpu.memory_space<vmem>>
      %dma_start3A_1240 = tpu.memref_slice %arg3[%add3A_1230] : memref<1600000xi32, #tpu.memory_space<hbm>> -> memref<400xi32, #tpu.memory_space<hbm>>
      tpu.enqueue_dma source(%dma_start3A_1240 : memref<400xi32, #tpu.memory_space<hbm>>) target(%dma_start3A_1239 : memref<400xi32, #tpu.memory_space<vmem>>) target_semaphore(%arg16 : memref<!tpu.dma_semaphore, #tpu.memory_space<semaphore_mem>>)
      %dma_start3A_1241 = arith.constant 1 : i32
      %dma_start3A_1242 = arith.constant 0 : i32
      %dma_start3A_1243 = arith.constant 0 : i32
      %dma_start3A_1244 = tpu.memref_slice %arg8[%dma_start3A_1241, %dma_start3A_1242, %dma_start3A_1243] : memref<2x1x400xi32, #tpu.memory_space<vmem>> -> memref<1x1x400xi32, #tpu.memory_space<vmem>>
      %dma_start3A_1245 = tpu.memref_squeeze %dma_start3A_1244 : memref<1x1x400xi32, #tpu.memory_space<vmem>> -> memref<400xi32, #tpu.memory_space<vmem>>
      %dma_start3A_1246 = tpu.memref_slice %arg4[%add3A_1230] : memref<1600000xi32, #tpu.memory_space<hbm>> -> memref<400xi32, #tpu.memory_space<hbm>>
      %dma_start3A_1247 = arith.constant 0 : i32
      %dma_start3A_1248 = tpu.memref_slice %arg8[%dma_start3A_1241, %dma_start3A_1242, %dma_start3A_1247] : memref<2x1x400xi32, #tpu.memory_space<vmem>> -> memref<1x1x400xi32, #tpu.memory_space<vmem>>
      %dma_start3A_1249 = tpu.memref_squeeze %dma_start3A_1248 : memref<1x1x400xi32, #tpu.memory_space<vmem>> -> memref<400xi32, #tpu.memory_space<vmem>>
      %dma_start3A_1250 = tpu.memref_slice %arg4[%add3A_1230] : memref<1600000xi32, #tpu.memory_space<hbm>> -> memref<400xi32, #tpu.memory_space<hbm>>
      tpu.enqueue_dma source(%dma_start3A_1250 : memref<400xi32, #tpu.memory_space<hbm>>) target(%dma_start3A_1249 : memref<400xi32, #tpu.memory_space<vmem>>) target_semaphore(%arg16 : memref<!tpu.dma_semaphore, #tpu.memory_space<semaphore_mem>>)
      %dma_start3A_1251 = arith.constant 1 : i32
      %dma_start3A_1252 = arith.constant 0 : i32
      %dma_start3A_1253 = arith.constant 0 : i32
      %dma_start3A_1254 = tpu.memref_slice %arg9[%dma_start3A_1251, %dma_start3A_1252, %dma_start3A_1253] : memref<2x1x400xi32, #tpu.memory_space<vmem>> -> memref<1x1x400xi32, #tpu.memory_space<vmem>>
      %dma_start3A_1255 = tpu.memref_squeeze %dma_start3A_1254 : memref<1x1x400xi32, #tpu.memory_space<vmem>> -> memref<400xi32, #tpu.memory_space<vmem>>
      %dma_start3A_1256 = tpu.memref_slice %arg5[%add3A_1230] : memref<1600000xi32, #tpu.memory_space<hbm>> -> memref<400xi32, #tpu.memory_space<hbm>>
      %dma_start3A_1257 = arith.constant 0 : i32
      %dma_start3A_1258 = tpu.memref_slice %arg9[%dma_start3A_1251, %dma_start3A_1252, %dma_start3A_1257] : memref<2x1x400xi32, #tpu.memory_space<vmem>> -> memref<1x1x400xi32, #tpu.memory_space<vmem>>
      %dma_start3A_1259 = tpu.memref_squeeze %dma_start3A_1258 : memref<1x1x400xi32, #tpu.memory_space<vmem>> -> memref<400xi32, #tpu.memory_space<vmem>>
      %dma_start3A_1260 = tpu.memref_slice %arg5[%add3A_1230] : memref<1600000xi32, #tpu.memory_space<hbm>> -> memref<400xi32, #tpu.memory_space<hbm>>
      tpu.enqueue_dma source(%dma_start3A_1260 : memref<400xi32, #tpu.memory_space<hbm>>) target(%dma_start3A_1259 : memref<400xi32, #tpu.memory_space<vmem>>) target_semaphore(%arg16 : memref<!tpu.dma_semaphore, #tpu.memory_space<semaphore_mem>>)
      %dma_wait3A_1261 = arith.constant 1 : i32
      %dma_wait3A_1262 = arith.constant 0 : i32
      %dma_wait3A_1263 = arith.constant 0 : i32
      %dma_wait3A_1264 = tpu.memref_slice %arg7[%dma_wait3A_1261, %dma_wait3A_1262, %dma_wait3A_1263] : memref<2x1x400xi32, #tpu.memory_space<vmem>> -> memref<1x1x400xi32, #tpu.memory_space<vmem>>
      %dma_wait3A_1265 = tpu.memref_squeeze %dma_wait3A_1264 : memref<1x1x400xi32, #tpu.memory_space<vmem>> -> memref<400xi32, #tpu.memory_space<vmem>>
      %dma_wait3A_1266 = arith.constant 0 : i32
      %dma_wait3A_1267 = tpu.memref_slice %arg3[%dma_wait3A_1266] : memref<1600000xi32, #tpu.memory_space<hbm>> -> memref<400xi32, #tpu.memory_space<hbm>>
      %dma_wait3A_1268 = arith.constant 0 : i32
      %dma_wait3A_1269 = tpu.memref_slice %arg7[%dma_wait3A_1261, %dma_wait3A_1262, %dma_wait3A_1268] : memref<2x1x400xi32, #tpu.memory_space<vmem>> -> memref<1x1x400xi32, #tpu.memory_space<vmem>>
      %dma_wait3A_1270 = tpu.memref_squeeze %dma_wait3A_1269 : memref<1x1x400xi32, #tpu.memory_space<vmem>> -> memref<400xi32, #tpu.memory_space<vmem>>
      %dma_wait3A_1271 = arith.constant 0 : i32
      %dma_wait3A_1272 = tpu.memref_slice %arg3[%dma_wait3A_1271] : memref<1600000xi32, #tpu.memory_space<hbm>> -> memref<400xi32, #tpu.memory_space<hbm>>
      tpu.wait_dma2 semaphore(%arg16 : memref<!tpu.dma_semaphore, #tpu.memory_space<semaphore_mem>>) src(%dma_wait3A_1272 : memref<400xi32, #tpu.memory_space<hbm>>) dst(%dma_wait3A_1270 : memref<400xi32, #tpu.memory_space<vmem>>)
      %dma_wait3A_1273 = arith.constant 1 : i32
      %dma_wait3A_1274 = arith.constant 0 : i32
      %dma_wait3A_1275 = arith.constant 0 : i32
      %dma_wait3A_1276 = tpu.memref_slice %arg8[%dma_wait3A_1273, %dma_wait3A_1274, %dma_wait3A_1275] : memref<2x1x400xi32, #tpu.memory_space<vmem>> -> memref<1x1x400xi32, #tpu.memory_space<vmem>>
      %dma_wait3A_1277 = tpu.memref_squeeze %dma_wait3A_1276 : memref<1x1x400xi32, #tpu.memory_space<vmem>> -> memref<400xi32, #tpu.memory_space<vmem>>
      %dma_wait3A_1278 = arith.constant 0 : i32
      %dma_wait3A_1279 = tpu.memref_slice %arg4[%dma_wait3A_1278] : memref<1600000xi32, #tpu.memory_space<hbm>> -> memref<400xi32, #tpu.memory_space<hbm>>
      %dma_wait3A_1280 = arith.constant 0 : i32
      %dma_wait3A_1281 = tpu.memref_slice %arg8[%dma_wait3A_1273, %dma_wait3A_1274, %dma_wait3A_1280] : memref<2x1x400xi32, #tpu.memory_space<vmem>> -> memref<1x1x400xi32, #tpu.memory_space<vmem>>
      %dma_wait3A_1282 = tpu.memref_squeeze %dma_wait3A_1281 : memref<1x1x400xi32, #tpu.memory_space<vmem>> -> memref<400xi32, #tpu.memory_space<vmem>>
      %dma_wait3A_1283 = arith.constant 0 : i32
      %dma_wait3A_1284 = tpu.memref_slice %arg4[%dma_wait3A_1283] : memref<1600000xi32, #tpu.memory_space<hbm>> -> memref<400xi32, #tpu.memory_space<hbm>>
      tpu.wait_dma2 semaphore(%arg16 : memref<!tpu.dma_semaphore, #tpu.memory_space<semaphore_mem>>) src(%dma_wait3A_1284 : memref<400xi32, #tpu.memory_space<hbm>>) dst(%dma_wait3A_1282 : memref<400xi32, #tpu.memory_space<vmem>>)
      %dma_wait3A_1285 = arith.constant 1 : i32
      %dma_wait3A_1286 = arith.constant 0 : i32
      %dma_wait3A_1287 = arith.constant 0 : i32
      %dma_wait3A_1288 = tpu.memref_slice %arg9[%dma_wait3A_1285, %dma_wait3A_1286, %dma_wait3A_1287] : memref<2x1x400xi32, #tpu.memory_space<vmem>> -> memref<1x1x400xi32, #tpu.memory_space<vmem>>
      %dma_wait3A_1289 = tpu.memref_squeeze %dma_wait3A_1288 : memref<1x1x400xi32, #tpu.memory_space<vmem>> -> memref<400xi32, #tpu.memory_space<vmem>>
      %dma_wait3A_1290 = arith.constant 0 : i32
      %dma_wait3A_1291 = tpu.memref_slice %arg5[%dma_wait3A_1290] : memref<1600000xi32, #tpu.memory_space<hbm>> -> memref<400xi32, #tpu.memory_space<hbm>>
      %dma_wait3A_1292 = arith.constant 0 : i32
      %dma_wait3A_1293 = tpu.memref_slice %arg9[%dma_wait3A_1285, %dma_wait3A_1286, %dma_wait3A_1292] : memref<2x1x400xi32, #tpu.memory_space<vmem>> -> memref<1x1x400xi32, #tpu.memory_space<vmem>>
      %dma_wait3A_1294 = tpu.memref_squeeze %dma_wait3A_1293 : memref<1x1x400xi32, #tpu.memory_space<vmem>> -> memref<400xi32, #tpu.memory_space<vmem>>
      %dma_wait3A_1295 = arith.constant 0 : i32
      %dma_wait3A_1296 = tpu.memref_slice %arg5[%dma_wait3A_1295] : memref<1600000xi32, #tpu.memory_space<hbm>> -> memref<400xi32, #tpu.memory_space<hbm>>
      tpu.wait_dma2 semaphore(%arg16 : memref<!tpu.dma_semaphore, #tpu.memory_space<semaphore_mem>>) src(%dma_wait3A_1296 : memref<400xi32, #tpu.memory_space<hbm>>) dst(%dma_wait3A_1294 : memref<400xi32, #tpu.memory_space<vmem>>)
      %get3A_1297 = arith.constant 1 : i32
      %get3A_1298 = arith.constant 0 : i32
      %get3A_1299 = arith.index_cast %get3A_1297 : i32 to index
      %get3A_1300 = arith.index_cast %get3A_1298 : i32 to index
      %get3A_1301 = arith.constant 0 : index
      %get3A_1302 = tpu.vector_load %arg8[%get3A_1299, %get3A_1300, %get3A_1301] {strides = array<i32>} : memref<2x1x400xi32, #tpu.memory_space<vmem>>, vector<16xi32>,
      %mul3A_1303 = arith.constant 14 : i32
      %mul3A_1304 = vector.broadcast %mul3A_1303 : i32 to vector<16xi32>
      %mul3A_1305 = arith.muli %get3A_1302, %mul3A_1304 : vector<16xi32>
      %get3A_1306 = arith.constant 1 : i32
      %get3A_1307 = arith.constant 0 : i32
      %get3A_1308 = arith.index_cast %get3A_1306 : i32 to index
      %get3A_1309 = arith.index_cast %get3A_1307 : i32 to index
      %get3A_1310 = arith.constant 0 : index
      %get3A_1311 = tpu.vector_load %arg9[%get3A_1308, %get3A_1309, %get3A_1310] {strides = array<i32>} : memref<2x1x400xi32, #tpu.memory_space<vmem>>, vector<16xi32>,
      %mul3A_1312 = arith.constant 2 : i32
      %mul3A_1313 = vector.broadcast %mul3A_1312 : i32 to vector<16xi32>
      %mul3A_1314 = arith.muli %get3A_1311, %mul3A_1313 : vector<16xi32>
      %add3A_1315 = arith.addi %mul3A_1305, %mul3A_1314 : vector<16xi32>
      %add3A_1316 = vector.broadcast %arg0 : i32 to vector<16xi32>
      %add3A_1317 = arith.addi %add3A_1315, %add3A_1316 : vector<16xi32>
      %swap3A_1318 = arith.constant 1 : i32
      %swap3A_1319 = arith.constant 0 : i32
      %swap3A_1320 = arith.index_cast %swap3A_1318 : i32 to index
      %swap3A_1321 = arith.index_cast %swap3A_1319 : i32 to index
      %swap3A_1322 = arith.constant 0 : index
      %swap3A_1323 = tpu.vector_load %arg10[%swap3A_1320, %swap3A_1321, %swap3A_1322] {strides = array<i32>} : memref<2x1x400xi32, #tpu.memory_space<vmem>>, vector<16xi32>,
      tpu.vector_store %arg10[%swap3A_1320, %swap3A_1321, %swap3A_1322], %add3A_1317 {strides = array<i32>} : memref<2x1x400xi32, #tpu.memory_space<vmem>>, vector<16xi32>,
      %get3A_1324 = arith.constant 1 : i32
      %get3A_1325 = arith.constant 0 : i32
      %get3A_1326 = arith.index_cast %get3A_1324 : i32 to index
      %get3A_1327 = arith.index_cast %get3A_1325 : i32 to index
      %get3A_1328 = arith.constant 16 : index
      %get3A_1329 = tpu.vector_load %arg8[%get3A_1326, %get3A_1327, %get3A_1328] {strides = array<i32>} : memref<2x1x400xi32, #tpu.memory_space<vmem>>, vector<16xi32>,
      %mul3A_1330 = arith.constant 14 : i32
      %mul3A_1331 = vector.broadcast %mul3A_1330 : i32 to vector<16xi32>
      %mul3A_1332 = arith.muli %get3A_1329, %mul3A_1331 : vector<16xi32>
      %get3A_1333 = arith.constant 1 : i32
      %get3A_1334 = arith.constant 0 : i32
      %get3A_1335 = arith.index_cast %get3A_1333 : i32 to index
      %get3A_1336 = arith.index_cast %get3A_1334 : i32 to index
      %get3A_1337 = arith.constant 16 : index
      %get3A_1338 = tpu.vector_load %arg9[%get3A_1335, %get3A_1336, %get3A_1337] {strides = array<i32>} : memref<2x1x400xi32, #tpu.memory_space<vmem>>, vector<16xi32>,
      %mul3A_1339 = arith.constant 2 : i32
      %mul3A_1340 = vector.broadcast %mul3A_1339 : i32 to vector<16xi32>
      %mul3A_1341 = arith.muli %get3A_1338, %mul3A_1340 : vector<16xi32>
      %add3A_1342 = arith.addi %mul3A_1332, %mul3A_1341 : vector<16xi32>
      %add3A_1343 = vector.broadcast %arg0 : i32 to vector<16xi32>
      %add3A_1344 = arith.addi %add3A_1342, %add3A_1343 : vector<16xi32>
      %swap3A_1345 = arith.constant 1 : i32
      %swap3A_1346 = arith.constant 0 : i32
      %swap3A_1347 = arith.index_cast %swap3A_1345 : i32 to index
      %swap3A_1348 = arith.index_cast %swap3A_1346 : i32 to index
      %swap3A_1349 = arith.constant 16 : index
      %swap3A_1350 = tpu.vector_load %arg10[%swap3A_1347, %swap3A_1348, %swap3A_1349] {strides = array<i32>} : memref<2x1x400xi32, #tpu.memory_space<vmem>>, vector<16xi32>,
      tpu.vector_store %arg10[%swap3A_1347, %swap3A_1348, %swap3A_1349], %add3A_1344 {strides = array<i32>} : memref<2x1x400xi32, #tpu.memory_space<vmem>>, vector<16xi32>,
      %get3A_1351 = arith.constant 1 : i32
      %get3A_1352 = arith.constant 0 : i32
      %get3A_1353 = arith.index_cast %get3A_1351 : i32 to index
      %get3A_1354 = arith.index_cast %get3A_1352 : i32 to index
      %get3A_1355 = arith.constant 32 : index
      %get3A_1356 = tpu.vector_load %arg8[%get3A_1353, %get3A_1354, %get3A_1355] {strides = array<i32>} : memref<2x1x400xi32, #tpu.memory_space<vmem>>, vector<16xi32>,
      %mul3A_1357 = arith.constant 14 : i32
      %mul3A_1358 = vector.broadcast %mul3A_1357 : i32 to vector<16xi32>
      %mul3A_1359 = arith.muli %get3A_1356, %mul3A_1358 : vector<16xi32>
      %get3A_1360 = arith.constant 1 : i32
      %get3A_1361 = arith.constant 0 : i32
      %get3A_1362 = arith.index_cast %get3A_1360 : i32 to index
      %get3A_1363 = arith.index_cast %get3A_1361 : i32 to index
      %get3A_1364 = arith.constant 32 : index
      %get3A_1365 = tpu.vector_load %arg9[%get3A_1362, %get3A_1363, %get3A_1364] {strides = array<i32>} : memref<2x1x400xi32, #tpu.memory_space<vmem>>, vector<16xi32>,
      %mul3A_1366 = arith.constant 2 : i32
      %mul3A_1367 = vector.broadcast %mul3A_1366 : i32 to vector<16xi32>
      %mul3A_1368 = arith.muli %get3A_1365, %mul3A_1367 : vector<16xi32>
      %add3A_1369 = arith.addi %mul3A_1359, %mul3A_1368 : vector<16xi32>
      %add3A_1370 = vector.broadcast %arg0 : i32 to vector<16xi32>
      %add3A_1371 = arith.addi %add3A_1369, %add3A_1370 : vector<16xi32>
      %swap3A_1372 = arith.constant 1 : i32
      %swap3A_1373 = arith.constant 0 : i32
      %swap3A_1374 = arith.index_cast %swap3A_1372 : i32 to index
      %swap3A_1375 = arith.index_cast %swap3A_1373 : i32 to index
      %swap3A_1376 = arith.constant 32 : index
      %swap3A_1377 = tpu.vector_load %arg10[%swap3A_1374, %swap3A_1375, %swap3A_1376] {strides = array<i32>} : memref<2x1x400xi32, #tpu.memory_space<vmem>>, vector<16xi32>,
      tpu.vector_store %arg10[%swap3A_1374, %swap3A_1375, %swap3A_1376], %add3A_1371 {strides = array<i32>} : memref<2x1x400xi32, #tpu.memory_space<vmem>>, vector<16xi32>,
      %get3A_1378 = arith.constant 1 : i32
      %get3A_1379 = arith.constant 0 : i32
      %get3A_1380 = arith.index_cast %get3A_1378 : i32 to index
      %get3A_1381 = arith.index_cast %get3A_1379 : i32 to index
      %get3A_1382 = arith.constant 48 : index
      %get3A_1383 = tpu.vector_load %arg8[%get3A_1380, %get3A_1381, %get3A_1382] {strides = array<i32>} : memref<2x1x400xi32, #tpu.memory_space<vmem>>, vector<16xi32>,
      %mul3A_1384 = arith.constant 14 : i32
      %mul3A_1385 = vector.broadcast %mul3A_1384 : i32 to vector<16xi32>
      %mul3A_1386 = arith.muli %get3A_1383, %mul3A_1385 : vector<16xi32>
      %get3A_1387 = arith.constant 1 : i32
      %get3A_1388 = arith.constant 0 : i32
      %get3A_1389 = arith.index_cast %get3A_1387 : i32 to index
      %get3A_1390 = arith.index_cast %get3A_1388 : i32 to index
      %get3A_1391 = arith.constant 48 : index
      %get3A_1392 = tpu.vector_load %arg9[%get3A_1389, %get3A_1390, %get3A_1391] {strides = array<i32>} : memref<2x1x400xi32, #tpu.memory_space<vmem>>, vector<16xi32>,
      %mul3A_1393 = arith.constant 2 : i32
      %mul3A_1394 = vector.broadcast %mul3A_1393 : i32 to vector<16xi32>
      %mul3A_1395 = arith.muli %get3A_1392, %mul3A_1394 : vector<16xi32>
      %add3A_1396 = arith.addi %mul3A_1386, %mul3A_1395 : vector<16xi32>
      %add3A_1397 = vector.broadcast %arg0 : i32 to vector<16xi32>
      %add3A_1398 = arith.addi %add3A_1396, %add3A_1397 : vector<16xi32>
      %swap3A_1399 = arith.constant 1 : i32
      %swap3A_1400 = arith.constant 0 : i32
      %swap3A_1401 = arith.index_cast %swap3A_1399 : i32 to index
      %swap3A_1402 = arith.index_cast %swap3A_1400 : i32 to index
      %swap3A_1403 = arith.constant 48 : index
      %swap3A_1404 = tpu.vector_load %arg10[%swap3A_1401, %swap3A_1402, %swap3A_1403] {strides = array<i32>} : memref<2x1x400xi32, #tpu.memory_space<vmem>>, vector<16xi32>,
      tpu.vector_store %arg10[%swap3A_1401, %swap3A_1402, %swap3A_1403], %add3A_1398 {strides = array<i32>} : memref<2x1x400xi32, #tpu.memory_space<vmem>>, vector<16xi32>,
      %get3A_1405 = arith.constant 1 : i32
      %get3A_1406 = arith.constant 0 : i32
      %get3A_1407 = arith.index_cast %get3A_1405 : i32 to index
      %get3A_1408 = arith.index_cast %get3A_1406 : i32 to index
      %get3A_1409 = arith.constant 64 : index
      %get3A_1410 = tpu.vector_load %arg8[%get3A_1407, %get3A_1408, %get3A_1409] {strides = array<i32>} : memref<2x1x400xi32, #tpu.memory_space<vmem>>, vector<16xi32>,
      %mul3A_1411 = arith.constant 14 : i32
      %mul3A_1412 = vector.broadcast %mul3A_1411 : i32 to vector<16xi32>
      %mul3A_1413 = arith.muli %get3A_1410, %mul3A_1412 : vector<16xi32>
      %get3A_1414 = arith.constant 1 : i32
      %get3A_1415 = arith.constant 0 : i32
      %get3A_1416 = arith.index_cast %get3A_1414 : i32 to index
      %get3A_1417 = arith.index_cast %get3A_1415 : i32 to index
      %get3A_1418 = arith.constant 64 : index
      %get3A_1419 = tpu.vector_load %arg9[%get3A_1416, %get3A_1417, %get3A_1418] {strides = array<i32>} : memref<2x1x400xi32, #tpu.memory_space<vmem>>, vector<16xi32>,
      %mul3A_1420 = arith.constant 2 : i32
      %mul3A_1421 = vector.broadcast %mul3A_1420 : i32 to vector<16xi32>
      %mul3A_1422 = arith.muli %get3A_1419, %mul3A_1421 : vector<16xi32>
      %add3A_1423 = arith.addi %mul3A_1413, %mul3A_1422 : vector<16xi32>
      %add3A_1424 = vector.broadcast %arg0 : i32 to vector<16xi32>
      %add3A_1425 = arith.addi %add3A_1423, %add3A_1424 : vector<16xi32>
      %swap3A_1426 = arith.constant 1 : i32
      %swap3A_1427 = arith.constant 0 : i32
      %swap3A_1428 = arith.index_cast %swap3A_1426 : i32 to index
      %swap3A_1429 = arith.index_cast %swap3A_1427 : i32 to index
      %swap3A_1430 = arith.constant 64 : index
      %swap3A_1431 = tpu.vector_load %arg10[%swap3A_1428, %swap3A_1429, %swap3A_1430] {strides = array<i32>} : memref<2x1x400xi32, #tpu.memory_space<vmem>>, vector<16xi32>,
      tpu.vector_store %arg10[%swap3A_1428, %swap3A_1429, %swap3A_1430], %add3A_1425 {strides = array<i32>} : memref<2x1x400xi32, #tpu.memory_space<vmem>>, vector<16xi32>,
      %get3A_1432 = arith.constant 1 : i32
      %get3A_1433 = arith.constant 0 : i32
      %get3A_1434 = arith.index_cast %get3A_1432 : i32 to index
      %get3A_1435 = arith.index_cast %get3A_1433 : i32 to index
      %get3A_1436 = arith.constant 80 : index
      %get3A_1437 = tpu.vector_load %arg8[%get3A_1434, %get3A_1435, %get3A_1436] {strides = array<i32>} : memref<2x1x400xi32, #tpu.memory_space<vmem>>, vector<16xi32>,
      %mul3A_1438 = arith.constant 14 : i32
      %mul3A_1439 = vector.broadcast %mul3A_1438 : i32 to vector<16xi32>
      %mul3A_1440 = arith.muli %get3A_1437, %mul3A_1439 : vector<16xi32>
      %get3A_1441 = arith.constant 1 : i32
      %get3A_1442 = arith.constant 0 : i32
      %get3A_1443 = arith.index_cast %get3A_1441 : i32 to index
      %get3A_1444 = arith.index_cast %get3A_1442 : i32 to index
      %get3A_1445 = arith.constant 80 : index
      %get3A_1446 = tpu.vector_load %arg9[%get3A_1443, %get3A_1444, %get3A_1445] {strides = array<i32>} : memref<2x1x400xi32, #tpu.memory_space<vmem>>, vector<16xi32>,
      %mul3A_1447 = arith.constant 2 : i32
      %mul3A_1448 = vector.broadcast %mul3A_1447 : i32 to vector<16xi32>
      %mul3A_1449 = arith.muli %get3A_1446, %mul3A_1448 : vector<16xi32>
      %add3A_1450 = arith.addi %mul3A_1440, %mul3A_1449 : vector<16xi32>
      %add3A_1451 = vector.broadcast %arg0 : i32 to vector<16xi32>
      %add3A_1452 = arith.addi %add3A_1450, %add3A_1451 : vector<16xi32>
      %swap3A_1453 = arith.constant 1 : i32
      %swap3A_1454 = arith.constant 0 : i32
      %swap3A_1455 = arith.index_cast %swap3A_1453 : i32 to index
      %swap3A_1456 = arith.index_cast %swap3A_1454 : i32 to index
      %swap3A_1457 = arith.constant 80 : index
      %swap3A_1458 = tpu.vector_load %arg10[%swap3A_1455, %swap3A_1456, %swap3A_1457] {strides = array<i32>} : memref<2x1x400xi32, #tpu.memory_space<vmem>>, vector<16xi32>,
      tpu.vector_store %arg10[%swap3A_1455, %swap3A_1456, %swap3A_1457], %add3A_1452 {strides = array<i32>} : memref<2x1x400xi32, #tpu.memory_space<vmem>>, vector<16xi32>,
      %get3A_1459 = arith.constant 1 : i32
      %get3A_1460 = arith.constant 0 : i32
      %get3A_1461 = arith.index_cast %get3A_1459 : i32 to index
      %get3A_1462 = arith.index_cast %get3A_1460 : i32 to index
      %get3A_1463 = arith.constant 96 : index
      %get3A_1464 = tpu.vector_load %arg8[%get3A_1461, %get3A_1462, %get3A_1463] {strides = array<i32>} : memref<2x1x400xi32, #tpu.memory_space<vmem>>, vector<16xi32>,
      %mul3A_1465 = arith.constant 14 : i32
      %mul3A_1466 = vector.broadcast %mul3A_1465 : i32 to vector<16xi32>
      %mul3A_1467 = arith.muli %get3A_1464, %mul3A_1466 : vector<16xi32>
      %get3A_1468 = arith.constant 1 : i32
      %get3A_1469 = arith.constant 0 : i32
      %get3A_1470 = arith.index_cast %get3A_1468 : i32 to index
      %get3A_1471 = arith.index_cast %get3A_1469 : i32 to index
      %get3A_1472 = arith.constant 96 : index
      %get3A_1473 = tpu.vector_load %arg9[%get3A_1470, %get3A_1471, %get3A_1472] {strides = array<i32>} : memref<2x1x400xi32, #tpu.memory_space<vmem>>, vector<16xi32>,
      %mul3A_1474 = arith.constant 2 : i32
      %mul3A_1475 = vector.broadcast %mul3A_1474 : i32 to vector<16xi32>
      %mul3A_1476 = arith.muli %get3A_1473, %mul3A_1475 : vector<16xi32>
      %add3A_1477 = arith.addi %mul3A_1467, %mul3A_1476 : vector<16xi32>
      %add3A_1478 = vector.broadcast %arg0 : i32 to vector<16xi32>
      %add3A_1479 = arith.addi %add3A_1477, %add3A_1478 : vector<16xi32>
      %swap3A_1480 = arith.constant 1 : i32
      %swap3A_1481 = arith.constant 0 : i32
      %swap3A_1482 = arith.index_cast %swap3A_1480 : i32 to index
      %swap3A_1483 = arith.index_cast %swap3A_1481 : i32 to index
      %swap3A_1484 = arith.constant 96 : index
      %swap3A_1485 = tpu.vector_load %arg10[%swap3A_1482, %swap3A_1483, %swap3A_1484] {strides = array<i32>} : memref<2x1x400xi32, #tpu.memory_space<vmem>>, vector<16xi32>,
      tpu.vector_store %arg10[%swap3A_1482, %swap3A_1483, %swap3A_1484], %add3A_1479 {strides = array<i32>} : memref<2x1x400xi32, #tpu.memory_space<vmem>>, vector<16xi32>,
      %get3A_1486 = arith.constant 1 : i32
      %get3A_1487 = arith.constant 0 : i32
      %get3A_1488 = arith.index_cast %get3A_1486 : i32 to index
      %get3A_1489 = arith.index_cast %get3A_1487 : i32 to index
      %get3A_1490 = arith.constant 112 : index
      %get3A_1491 = tpu.vector_load %arg8[%get3A_1488, %get3A_1489, %get3A_1490] {strides = array<i32>} : memref<2x1x400xi32, #tpu.memory_space<vmem>>, vector<16xi32>,
      %mul3A_1492 = arith.constant 14 : i32
      %mul3A_1493 = vector.broadcast %mul3A_1492 : i32 to vector<16xi32>
      %mul3A_1494 = arith.muli %get3A_1491, %mul3A_1493 : vector<16xi32>
      %get3A_1495 = arith.constant 1 : i32
      %get3A_1496 = arith.constant 0 : i32
      %get3A_1497 = arith.index_cast %get3A_1495 : i32 to index
      %get3A_1498 = arith.index_cast %get3A_1496 : i32 to index
      %get3A_1499 = arith.constant 112 : index
      %get3A_1500 = tpu.vector_load %arg9[%get3A_1497, %get3A_1498, %get3A_1499] {strides = array<i32>} : memref<2x1x400xi32, #tpu.memory_space<vmem>>, vector<16xi32>,
      %mul3A_1501 = arith.constant 2 : i32
      %mul3A_1502 = vector.broadcast %mul3A_1501 : i32 to vector<16xi32>
      %mul3A_1503 = arith.muli %get3A_1500, %mul3A_1502 : vector<16xi32>
      %add3A_1504 = arith.addi %mul3A_1494, %mul3A_1503 : vector<16xi32>
      %add3A_1505 = vector.broadcast %arg0 : i32 to vector<16xi32>
      %add3A_1506 = arith.addi %add3A_1504, %add3A_1505 : vector<16xi32>
      %swap3A_1507 = arith.constant 1 : i32
      %swap3A_1508 = arith.constant 0 : i32
      %swap3A_1509 = arith.index_cast %swap3A_1507 : i32 to index
      %swap3A_1510 = arith.index_cast %swap3A_1508 : i32 to index
      %swap3A_1511 = arith.constant 112 : index
      %swap3A_1512 = tpu.vector_load %arg10[%swap3A_1509, %swap3A_1510, %swap3A_1511] {strides = array<i32>} : memref<2x1x400xi32, #tpu.memory_space<vmem>>, vector<16xi32>,
      tpu.vector_store %arg10[%swap3A_1509, %swap3A_1510, %swap3A_1511], %add3A_1506 {strides = array<i32>} : memref<2x1x400xi32, #tpu.memory_space<vmem>>, vector<16xi32>,
      %get3A_1513 = arith.constant 1 : i32
      %get3A_1514 = arith.constant 0 : i32
      %get3A_1515 = arith.index_cast %get3A_1513 : i32 to index
      %get3A_1516 = arith.index_cast %get3A_1514 : i32 to index
      %get3A_1517 = arith.constant 128 : index
      %get3A_1518 = tpu.vector_load %arg8[%get3A_1515, %get3A_1516, %get3A_1517] {strides = array<i32>} : memref<2x1x400xi32, #tpu.memory_space<vmem>>, vector<16xi32>,
      %mul3A_1519 = arith.constant 14 : i32
      %mul3A_1520 = vector.broadcast %mul3A_1519 : i32 to vector<16xi32>
      %mul3A_1521 = arith.muli %get3A_1518, %mul3A_1520 : vector<16xi32>
      %get3A_1522 = arith.constant 1 : i32
      %get3A_1523 = arith.constant 0 : i32
      %get3A_1524 = arith.index_cast %get3A_1522 : i32 to index
      %get3A_1525 = arith.index_cast %get3A_1523 : i32 to index
      %get3A_1526 = arith.constant 128 : index
      %get3A_1527 = tpu.vector_load %arg9[%get3A_1524, %get3A_1525, %get3A_1526] {strides = array<i32>} : memref<2x1x400xi32, #tpu.memory_space<vmem>>, vector<16xi32>,
      %mul3A_1528 = arith.constant 2 : i32
      %mul3A_1529 = vector.broadcast %mul3A_1528 : i32 to vector<16xi32>
      %mul3A_1530 = arith.muli %get3A_1527, %mul3A_1529 : vector<16xi32>
      %add3A_1531 = arith.addi %mul3A_1521, %mul3A_1530 : vector<16xi32>
      %add3A_1532 = vector.broadcast %arg0 : i32 to vector<16xi32>
      %add3A_1533 = arith.addi %add3A_1531, %add3A_1532 : vector<16xi32>
      %swap3A_1534 = arith.constant 1 : i32
      %swap3A_1535 = arith.constant 0 : i32
      %swap3A_1536 = arith.index_cast %swap3A_1534 : i32 to index
      %swap3A_1537 = arith.index_cast %swap3A_1535 : i32 to index
      %swap3A_1538 = arith.constant 128 : index
      %swap3A_1539 = tpu.vector_load %arg10[%swap3A_1536, %swap3A_1537, %swap3A_1538] {strides = array<i32>} : memref<2x1x400xi32, #tpu.memory_space<vmem>>, vector<16xi32>,
      tpu.vector_store %arg10[%swap3A_1536, %swap3A_1537, %swap3A_1538], %add3A_1533 {strides = array<i32>} : memref<2x1x400xi32, #tpu.memory_space<vmem>>, vector<16xi32>,
      %get3A_1540 = arith.constant 1 : i32
      %get3A_1541 = arith.constant 0 : i32
      %get3A_1542 = arith.index_cast %get3A_1540 : i32 to index
      %get3A_1543 = arith.index_cast %get3A_1541 : i32 to index
      %get3A_1544 = arith.constant 144 : index
      %get3A_1545 = tpu.vector_load %arg8[%get3A_1542, %get3A_1543, %get3A_1544] {strides = array<i32>} : memref<2x1x400xi32, #tpu.memory_space<vmem>>, vector<16xi32>,
      %mul3A_1546 = arith.constant 14 : i32
      %mul3A_1547 = vector.broadcast %mul3A_1546 : i32 to vector<16xi32>
      %mul3A_1548 = arith.muli %get3A_1545, %mul3A_1547 : vector<16xi32>
      %get3A_1549 = arith.constant 1 : i32
      %get3A_1550 = arith.constant 0 : i32
      %get3A_1551 = arith.index_cast %get3A_1549 : i32 to index
      %get3A_1552 = arith.index_cast %get3A_1550 : i32 to index
      %get3A_1553 = arith.constant 144 : index
      %get3A_1554 = tpu.vector_load %arg9[%get3A_1551, %get3A_1552, %get3A_1553] {strides = array<i32>} : memref<2x1x400xi32, #tpu.memory_space<vmem>>, vector<16xi32>,
      %mul3A_1555 = arith.constant 2 : i32
      %mul3A_1556 = vector.broadcast %mul3A_1555 : i32 to vector<16xi32>
      %mul3A_1557 = arith.muli %get3A_1554, %mul3A_1556 : vector<16xi32>
      %add3A_1558 = arith.addi %mul3A_1548, %mul3A_1557 : vector<16xi32>
      %add3A_1559 = vector.broadcast %arg0 : i32 to vector<16xi32>
      %add3A_1560 = arith.addi %add3A_1558, %add3A_1559 : vector<16xi32>
      %swap3A_1561 = arith.constant 1 : i32
      %swap3A_1562 = arith.constant 0 : i32
      %swap3A_1563 = arith.index_cast %swap3A_1561 : i32 to index
      %swap3A_1564 = arith.index_cast %swap3A_1562 : i32 to index
      %swap3A_1565 = arith.constant 144 : index
      %swap3A_1566 = tpu.vector_load %arg10[%swap3A_1563, %swap3A_1564, %swap3A_1565] {strides = array<i32>} : memref<2x1x400xi32, #tpu.memory_space<vmem>>, vector<16xi32>,
      tpu.vector_store %arg10[%swap3A_1563, %swap3A_1564, %swap3A_1565], %add3A_1560 {strides = array<i32>} : memref<2x1x400xi32, #tpu.memory_space<vmem>>, vector<16xi32>,
      %get3A_1567 = arith.constant 1 : i32
      %get3A_1568 = arith.constant 0 : i32
      %get3A_1569 = arith.index_cast %get3A_1567 : i32 to index
      %get3A_1570 = arith.index_cast %get3A_1568 : i32 to index
      %get3A_1571 = arith.constant 160 : index
      %get3A_1572 = tpu.vector_load %arg8[%get3A_1569, %get3A_1570, %get3A_1571] {strides = array<i32>} : memref<2x1x400xi32, #tpu.memory_space<vmem>>, vector<16xi32>,
      %mul3A_1573 = arith.constant 14 : i32
      %mul3A_1574 = vector.broadcast %mul3A_1573 : i32 to vector<16xi32>
      %mul3A_1575 = arith.muli %get3A_1572, %mul3A_1574 : vector<16xi32>
      %get3A_1576 = arith.constant 1 : i32
      %get3A_1577 = arith.constant 0 : i32
      %get3A_1578 = arith.index_cast %get3A_1576 : i32 to index
      %get3A_1579 = arith.index_cast %get3A_1577 : i32 to index
      %get3A_1580 = arith.constant 160 : index
      %get3A_1581 = tpu.vector_load %arg9[%get3A_1578, %get3A_1579, %get3A_1580] {strides = array<i32>} : memref<2x1x400xi32, #tpu.memory_space<vmem>>, vector<16xi32>,
      %mul3A_1582 = arith.constant 2 : i32
      %mul3A_1583 = vector.broadcast %mul3A_1582 : i32 to vector<16xi32>
      %mul3A_1584 = arith.muli %get3A_1581, %mul3A_1583 : vector<16xi32>
      %add3A_1585 = arith.addi %mul3A_1575, %mul3A_1584 : vector<16xi32>
      %add3A_1586 = vector.broadcast %arg0 : i32 to vector<16xi32>
      %add3A_1587 = arith.addi %add3A_1585, %add3A_1586 : vector<16xi32>
      %swap3A_1588 = arith.constant 1 : i32
      %swap3A_1589 = arith.constant 0 : i32
      %swap3A_1590 = arith.index_cast %swap3A_1588 : i32 to index
      %swap3A_1591 = arith.index_cast %swap3A_1589 : i32 to index
      %swap3A_1592 = arith.constant 160 : index
      %swap3A_1593 = tpu.vector_load %arg10[%swap3A_1590, %swap3A_1591, %swap3A_1592] {strides = array<i32>} : memref<2x1x400xi32, #tpu.memory_space<vmem>>, vector<16xi32>,
      tpu.vector_store %arg10[%swap3A_1590, %swap3A_1591, %swap3A_1592], %add3A_1587 {strides = array<i32>} : memref<2x1x400xi32, #tpu.memory_space<vmem>>, vector<16xi32>,
      %get3A_1594 = arith.constant 1 : i32
      %get3A_1595 = arith.constant 0 : i32
      %get3A_1596 = arith.index_cast %get3A_1594 : i32 to index
      %get3A_1597 = arith.index_cast %get3A_1595 : i32 to index
      %get3A_1598 = arith.constant 176 : index
      %get3A_1599 = tpu.vector_load %arg8[%get3A_1596, %get3A_1597, %get3A_1598] {strides = array<i32>} : memref<2x1x400xi32, #tpu.memory_space<vmem>>, vector<16xi32>,
      %mul3A_1600 = arith.constant 14 : i32
      %mul3A_1601 = vector.broadcast %mul3A_1600 : i32 to vector<16xi32>
      %mul3A_1602 = arith.muli %get3A_1599, %mul3A_1601 : vector<16xi32>
      %get3A_1603 = arith.constant 1 : i32
      %get3A_1604 = arith.constant 0 : i32
      %get3A_1605 = arith.index_cast %get3A_1603 : i32 to index
      %get3A_1606 = arith.index_cast %get3A_1604 : i32 to index
      %get3A_1607 = arith.constant 176 : index
      %get3A_1608 = tpu.vector_load %arg9[%get3A_1605, %get3A_1606, %get3A_1607] {strides = array<i32>} : memref<2x1x400xi32, #tpu.memory_space<vmem>>, vector<16xi32>,
      %mul3A_1609 = arith.constant 2 : i32
      %mul3A_1610 = vector.broadcast %mul3A_1609 : i32 to vector<16xi32>
      %mul3A_1611 = arith.muli %get3A_1608, %mul3A_1610 : vector<16xi32>
      %add3A_1612 = arith.addi %mul3A_1602, %mul3A_1611 : vector<16xi32>
      %add3A_1613 = vector.broadcast %arg0 : i32 to vector<16xi32>
      %add3A_1614 = arith.addi %add3A_1612, %add3A_1613 : vector<16xi32>
      %swap3A_1615 = arith.constant 1 : i32
      %swap3A_1616 = arith.constant 0 : i32
      %swap3A_1617 = arith.index_cast %swap3A_1615 : i32 to index
      %swap3A_1618 = arith.index_cast %swap3A_1616 : i32 to index
      %swap3A_1619 = arith.constant 176 : index
      %swap3A_1620 = tpu.vector_load %arg10[%swap3A_1617, %swap3A_1618, %swap3A_1619] {strides = array<i32>} : memref<2x1x400xi32, #tpu.memory_space<vmem>>, vector<16xi32>,
      tpu.vector_store %arg10[%swap3A_1617, %swap3A_1618, %swap3A_1619], %add3A_1614 {strides = array<i32>} : memref<2x1x400xi32, #tpu.memory_space<vmem>>, vector<16xi32>,
      %get3A_1621 = arith.constant 1 : i32
      %get3A_1622 = arith.constant 0 : i32
      %get3A_1623 = arith.index_cast %get3A_1621 : i32 to index
      %get3A_1624 = arith.index_cast %get3A_1622 : i32 to index
      %get3A_1625 = arith.constant 192 : index
      %get3A_1626 = tpu.vector_load %arg8[%get3A_1623, %get3A_1624, %get3A_1625] {strides = array<i32>} : memref<2x1x400xi32, #tpu.memory_space<vmem>>, vector<16xi32>,
      %mul3A_1627 = arith.constant 14 : i32
      %mul3A_1628 = vector.broadcast %mul3A_1627 : i32 to vector<16xi32>
      %mul3A_1629 = arith.muli %get3A_1626, %mul3A_1628 : vector<16xi32>
      %get3A_1630 = arith.constant 1 : i32
      %get3A_1631 = arith.constant 0 : i32
      %get3A_1632 = arith.index_cast %get3A_1630 : i32 to index
      %get3A_1633 = arith.index_cast %get3A_1631 : i32 to index
      %get3A_1634 = arith.constant 192 : index
      %get3A_1635 = tpu.vector_load %arg9[%get3A_1632, %get3A_1633, %get3A_1634] {strides = array<i32>} : memref<2x1x400xi32, #tpu.memory_space<vmem>>, vector<16xi32>,
      %mul3A_1636 = arith.constant 2 : i32
      %mul3A_1637 = vector.broadcast %mul3A_1636 : i32 to vector<16xi32>
      %mul3A_1638 = arith.muli %get3A_1635, %mul3A_1637 : vector<16xi32>
      %add3A_1639 = arith.addi %mul3A_1629, %mul3A_1638 : vector<16xi32>
      %add3A_1640 = vector.broadcast %arg0 : i32 to vector<16xi32>
      %add3A_1641 = arith.addi %add3A_1639, %add3A_1640 : vector<16xi32>
      %swap3A_1642 = arith.constant 1 : i32
      %swap3A_1643 = arith.constant 0 : i32
      %swap3A_1644 = arith.index_cast %swap3A_1642 : i32 to index
      %swap3A_1645 = arith.index_cast %swap3A_1643 : i32 to index
      %swap3A_1646 = arith.constant 192 : index
      %swap3A_1647 = tpu.vector_load %arg10[%swap3A_1644, %swap3A_1645, %swap3A_1646] {strides = array<i32>} : memref<2x1x400xi32, #tpu.memory_space<vmem>>, vector<16xi32>,
      tpu.vector_store %arg10[%swap3A_1644, %swap3A_1645, %swap3A_1646], %add3A_1641 {strides = array<i32>} : memref<2x1x400xi32, #tpu.memory_space<vmem>>, vector<16xi32>,
      %get3A_1648 = arith.constant 1 : i32
      %get3A_1649 = arith.constant 0 : i32
      %get3A_1650 = arith.index_cast %get3A_1648 : i32 to index
      %get3A_1651 = arith.index_cast %get3A_1649 : i32 to index
      %get3A_1652 = arith.constant 208 : index
      %get3A_1653 = tpu.vector_load %arg8[%get3A_1650, %get3A_1651, %get3A_1652] {strides = array<i32>} : memref<2x1x400xi32, #tpu.memory_space<vmem>>, vector<16xi32>,
      %mul3A_1654 = arith.constant 14 : i32
      %mul3A_1655 = vector.broadcast %mul3A_1654 : i32 to vector<16xi32>
      %mul3A_1656 = arith.muli %get3A_1653, %mul3A_1655 : vector<16xi32>
      %get3A_1657 = arith.constant 1 : i32
      %get3A_1658 = arith.constant 0 : i32
      %get3A_1659 = arith.index_cast %get3A_1657 : i32 to index
      %get3A_1660 = arith.index_cast %get3A_1658 : i32 to index
      %get3A_1661 = arith.constant 208 : index
      %get3A_1662 = tpu.vector_load %arg9[%get3A_1659, %get3A_1660, %get3A_1661] {strides = array<i32>} : memref<2x1x400xi32, #tpu.memory_space<vmem>>, vector<16xi32>,
      %mul3A_1663 = arith.constant 2 : i32
      %mul3A_1664 = vector.broadcast %mul3A_1663 : i32 to vector<16xi32>
      %mul3A_1665 = arith.muli %get3A_1662, %mul3A_1664 : vector<16xi32>
      %add3A_1666 = arith.addi %mul3A_1656, %mul3A_1665 : vector<16xi32>
      %add3A_1667 = vector.broadcast %arg0 : i32 to vector<16xi32>
      %add3A_1668 = arith.addi %add3A_1666, %add3A_1667 : vector<16xi32>
      %swap3A_1669 = arith.constant 1 : i32
      %swap3A_1670 = arith.constant 0 : i32
      %swap3A_1671 = arith.index_cast %swap3A_1669 : i32 to index
      %swap3A_1672 = arith.index_cast %swap3A_1670 : i32 to index
      %swap3A_1673 = arith.constant 208 : index
      %swap3A_1674 = tpu.vector_load %arg10[%swap3A_1671, %swap3A_1672, %swap3A_1673] {strides = array<i32>} : memref<2x1x400xi32, #tpu.memory_space<vmem>>, vector<16xi32>,
      tpu.vector_store %arg10[%swap3A_1671, %swap3A_1672, %swap3A_1673], %add3A_1668 {strides = array<i32>} : memref<2x1x400xi32, #tpu.memory_space<vmem>>, vector<16xi32>,
      %get3A_1675 = arith.constant 1 : i32
      %get3A_1676 = arith.constant 0 : i32
      %get3A_1677 = arith.index_cast %get3A_1675 : i32 to index
      %get3A_1678 = arith.index_cast %get3A_1676 : i32 to index
      %get3A_1679 = arith.constant 224 : index
      %get3A_1680 = tpu.vector_load %arg8[%get3A_1677, %get3A_1678, %get3A_1679] {strides = array<i32>} : memref<2x1x400xi32, #tpu.memory_space<vmem>>, vector<16xi32>,
      %mul3A_1681 = arith.constant 14 : i32
      %mul3A_1682 = vector.broadcast %mul3A_1681 : i32 to vector<16xi32>
      %mul3A_1683 = arith.muli %get3A_1680, %mul3A_1682 : vector<16xi32>
      %get3A_1684 = arith.constant 1 : i32
      %get3A_1685 = arith.constant 0 : i32
      %get3A_1686 = arith.index_cast %get3A_1684 : i32 to index
      %get3A_1687 = arith.index_cast %get3A_1685 : i32 to index
      %get3A_1688 = arith.constant 224 : index
      %get3A_1689 = tpu.vector_load %arg9[%get3A_1686, %get3A_1687, %get3A_1688] {strides = array<i32>} : memref<2x1x400xi32, #tpu.memory_space<vmem>>, vector<16xi32>,
      %mul3A_1690 = arith.constant 2 : i32
      %mul3A_1691 = vector.broadcast %mul3A_1690 : i32 to vector<16xi32>
      %mul3A_1692 = arith.muli %get3A_1689, %mul3A_1691 : vector<16xi32>
      %add3A_1693 = arith.addi %mul3A_1683, %mul3A_1692 : vector<16xi32>
      %add3A_1694 = vector.broadcast %arg0 : i32 to vector<16xi32>
      %add3A_1695 = arith.addi %add3A_1693, %add3A_1694 : vector<16xi32>
      %swap3A_1696 = arith.constant 1 : i32
      %swap3A_1697 = arith.constant 0 : i32
      %swap3A_1698 = arith.index_cast %swap3A_1696 : i32 to index
      %swap3A_1699 = arith.index_cast %swap3A_1697 : i32 to index
      %swap3A_1700 = arith.constant 224 : index
      %swap3A_1701 = tpu.vector_load %arg10[%swap3A_1698, %swap3A_1699, %swap3A_1700] {strides = array<i32>} : memref<2x1x400xi32, #tpu.memory_space<vmem>>, vector<16xi32>,
      tpu.vector_store %arg10[%swap3A_1698, %swap3A_1699, %swap3A_1700], %add3A_1695 {strides = array<i32>} : memref<2x1x400xi32, #tpu.memory_space<vmem>>, vector<16xi32>,
      %get3A_1702 = arith.constant 1 : i32
      %get3A_1703 = arith.constant 0 : i32
      %get3A_1704 = arith.index_cast %get3A_1702 : i32 to index
      %get3A_1705 = arith.index_cast %get3A_1703 : i32 to index
      %get3A_1706 = arith.constant 240 : index
      %get3A_1707 = tpu.vector_load %arg8[%get3A_1704, %get3A_1705, %get3A_1706] {strides = array<i32>} : memref<2x1x400xi32, #tpu.memory_space<vmem>>, vector<16xi32>,
      %mul3A_1708 = arith.constant 14 : i32
      %mul3A_1709 = vector.broadcast %mul3A_1708 : i32 to vector<16xi32>
      %mul3A_1710 = arith.muli %get3A_1707, %mul3A_1709 : vector<16xi32>
      %get3A_1711 = arith.constant 1 : i32
      %get3A_1712 = arith.constant 0 : i32
      %get3A_1713 = arith.index_cast %get3A_1711 : i32 to index
      %get3A_1714 = arith.index_cast %get3A_1712 : i32 to index
      %get3A_1715 = arith.constant 240 : index
      %get3A_1716 = tpu.vector_load %arg9[%get3A_1713, %get3A_1714, %get3A_1715] {strides = array<i32>} : memref<2x1x400xi32, #tpu.memory_space<vmem>>, vector<16xi32>,
      %mul3A_1717 = arith.constant 2 : i32
      %mul3A_1718 = vector.broadcast %mul3A_1717 : i32 to vector<16xi32>
      %mul3A_1719 = arith.muli %get3A_1716, %mul3A_1718 : vector<16xi32>
      %add3A_1720 = arith.addi %mul3A_1710, %mul3A_1719 : vector<16xi32>
      %add3A_1721 = vector.broadcast %arg0 : i32 to vector<16xi32>
      %add3A_1722 = arith.addi %add3A_1720, %add3A_1721 : vector<16xi32>
      %swap3A_1723 = arith.constant 1 : i32
      %swap3A_1724 = arith.constant 0 : i32
      %swap3A_1725 = arith.index_cast %swap3A_1723 : i32 to index
      %swap3A_1726 = arith.index_cast %swap3A_1724 : i32 to index
      %swap3A_1727 = arith.constant 240 : index
      %swap3A_1728 = tpu.vector_load %arg10[%swap3A_1725, %swap3A_1726, %swap3A_1727] {strides = array<i32>} : memref<2x1x400xi32, #tpu.memory_space<vmem>>, vector<16xi32>,
      tpu.vector_store %arg10[%swap3A_1725, %swap3A_1726, %swap3A_1727], %add3A_1722 {strides = array<i32>} : memref<2x1x400xi32, #tpu.memory_space<vmem>>, vector<16xi32>,
      %get3A_1729 = arith.constant 1 : i32
      %get3A_1730 = arith.constant 0 : i32
      %get3A_1731 = arith.index_cast %get3A_1729 : i32 to index
      %get3A_1732 = arith.index_cast %get3A_1730 : i32 to index
      %get3A_1733 = arith.constant 256 : index
      %get3A_1734 = tpu.vector_load %arg8[%get3A_1731, %get3A_1732, %get3A_1733] {strides = array<i32>} : memref<2x1x400xi32, #tpu.memory_space<vmem>>, vector<16xi32>,
      %mul3A_1735 = arith.constant 14 : i32
      %mul3A_1736 = vector.broadcast %mul3A_1735 : i32 to vector<16xi32>
      %mul3A_1737 = arith.muli %get3A_1734, %mul3A_1736 : vector<16xi32>
      %get3A_1738 = arith.constant 1 : i32
      %get3A_1739 = arith.constant 0 : i32
      %get3A_1740 = arith.index_cast %get3A_1738 : i32 to index
      %get3A_1741 = arith.index_cast %get3A_1739 : i32 to index
      %get3A_1742 = arith.constant 256 : index
      %get3A_1743 = tpu.vector_load %arg9[%get3A_1740, %get3A_1741, %get3A_1742] {strides = array<i32>} : memref<2x1x400xi32, #tpu.memory_space<vmem>>, vector<16xi32>,
      %mul3A_1744 = arith.constant 2 : i32
      %mul3A_1745 = vector.broadcast %mul3A_1744 : i32 to vector<16xi32>
      %mul3A_1746 = arith.muli %get3A_1743, %mul3A_1745 : vector<16xi32>
      %add3A_1747 = arith.addi %mul3A_1737, %mul3A_1746 : vector<16xi32>
      %add3A_1748 = vector.broadcast %arg0 : i32 to vector<16xi32>
      %add3A_1749 = arith.addi %add3A_1747, %add3A_1748 : vector<16xi32>
      %swap3A_1750 = arith.constant 1 : i32
      %swap3A_1751 = arith.constant 0 : i32
      %swap3A_1752 = arith.index_cast %swap3A_1750 : i32 to index
      %swap3A_1753 = arith.index_cast %swap3A_1751 : i32 to index
      %swap3A_1754 = arith.constant 256 : index
      %swap3A_1755 = tpu.vector_load %arg10[%swap3A_1752, %swap3A_1753, %swap3A_1754] {strides = array<i32>} : memref<2x1x400xi32, #tpu.memory_space<vmem>>, vector<16xi32>,
      tpu.vector_store %arg10[%swap3A_1752, %swap3A_1753, %swap3A_1754], %add3A_1749 {strides = array<i32>} : memref<2x1x400xi32, #tpu.memory_space<vmem>>, vector<16xi32>,
      %get3A_1756 = arith.constant 1 : i32
      %get3A_1757 = arith.constant 0 : i32
      %get3A_1758 = arith.index_cast %get3A_1756 : i32 to index
      %get3A_1759 = arith.index_cast %get3A_1757 : i32 to index
      %get3A_1760 = arith.constant 272 : index
      %get3A_1761 = tpu.vector_load %arg8[%get3A_1758, %get3A_1759, %get3A_1760] {strides = array<i32>} : memref<2x1x400xi32, #tpu.memory_space<vmem>>, vector<16xi32>,
      %mul3A_1762 = arith.constant 14 : i32
      %mul3A_1763 = vector.broadcast %mul3A_1762 : i32 to vector<16xi32>
      %mul3A_1764 = arith.muli %get3A_1761, %mul3A_1763 : vector<16xi32>
      %get3A_1765 = arith.constant 1 : i32
      %get3A_1766 = arith.constant 0 : i32
      %get3A_1767 = arith.index_cast %get3A_1765 : i32 to index
      %get3A_1768 = arith.index_cast %get3A_1766 : i32 to index
      %get3A_1769 = arith.constant 272 : index
      %get3A_1770 = tpu.vector_load %arg9[%get3A_1767, %get3A_1768, %get3A_1769] {strides = array<i32>} : memref<2x1x400xi32, #tpu.memory_space<vmem>>, vector<16xi32>,
      %mul3A_1771 = arith.constant 2 : i32
      %mul3A_1772 = vector.broadcast %mul3A_1771 : i32 to vector<16xi32>
      %mul3A_1773 = arith.muli %get3A_1770, %mul3A_1772 : vector<16xi32>
      %add3A_1774 = arith.addi %mul3A_1764, %mul3A_1773 : vector<16xi32>
      %add3A_1775 = vector.broadcast %arg0 : i32 to vector<16xi32>
      %add3A_1776 = arith.addi %add3A_1774, %add3A_1775 : vector<16xi32>
      %swap3A_1777 = arith.constant 1 : i32
      %swap3A_1778 = arith.constant 0 : i32
      %swap3A_1779 = arith.index_cast %swap3A_1777 : i32 to index
      %swap3A_1780 = arith.index_cast %swap3A_1778 : i32 to index
      %swap3A_1781 = arith.constant 272 : index
      %swap3A_1782 = tpu.vector_load %arg10[%swap3A_1779, %swap3A_1780, %swap3A_1781] {strides = array<i32>} : memref<2x1x400xi32, #tpu.memory_space<vmem>>, vector<16xi32>,
      tpu.vector_store %arg10[%swap3A_1779, %swap3A_1780, %swap3A_1781], %add3A_1776 {strides = array<i32>} : memref<2x1x400xi32, #tpu.memory_space<vmem>>, vector<16xi32>,
      %get3A_1783 = arith.constant 1 : i32
      %get3A_1784 = arith.constant 0 : i32
      %get3A_1785 = arith.index_cast %get3A_1783 : i32 to index
      %get3A_1786 = arith.index_cast %get3A_1784 : i32 to index
      %get3A_1787 = arith.constant 288 : index
      %get3A_1788 = tpu.vector_load %arg8[%get3A_1785, %get3A_1786, %get3A_1787] {strides = array<i32>} : memref<2x1x400xi32, #tpu.memory_space<vmem>>, vector<16xi32>,
      %mul3A_1789 = arith.constant 14 : i32
      %mul3A_1790 = vector.broadcast %mul3A_1789 : i32 to vector<16xi32>
      %mul3A_1791 = arith.muli %get3A_1788, %mul3A_1790 : vector<16xi32>
      %get3A_1792 = arith.constant 1 : i32
      %get3A_1793 = arith.constant 0 : i32
      %get3A_1794 = arith.index_cast %get3A_1792 : i32 to index
      %get3A_1795 = arith.index_cast %get3A_1793 : i32 to index
      %get3A_1796 = arith.constant 288 : index
      %get3A_1797 = tpu.vector_load %arg9[%get3A_1794, %get3A_1795, %get3A_1796] {strides = array<i32>} : memref<2x1x400xi32, #tpu.memory_space<vmem>>, vector<16xi32>,
      %mul3A_1798 = arith.constant 2 : i32
      %mul3A_1799 = vector.broadcast %mul3A_1798 : i32 to vector<16xi32>
      %mul3A_1800 = arith.muli %get3A_1797, %mul3A_1799 : vector<16xi32>
      %add3A_1801 = arith.addi %mul3A_1791, %mul3A_1800 : vector<16xi32>
      %add3A_1802 = vector.broadcast %arg0 : i32 to vector<16xi32>
      %add3A_1803 = arith.addi %add3A_1801, %add3A_1802 : vector<16xi32>
      %swap3A_1804 = arith.constant 1 : i32
      %swap3A_1805 = arith.constant 0 : i32
      %swap3A_1806 = arith.index_cast %swap3A_1804 : i32 to index
      %swap3A_1807 = arith.index_cast %swap3A_1805 : i32 to index
      %swap3A_1808 = arith.constant 288 : index
      %swap3A_1809 = tpu.vector_load %arg10[%swap3A_1806, %swap3A_1807, %swap3A_1808] {strides = array<i32>} : memref<2x1x400xi32, #tpu.memory_space<vmem>>, vector<16xi32>,
      tpu.vector_store %arg10[%swap3A_1806, %swap3A_1807, %swap3A_1808], %add3A_1803 {strides = array<i32>} : memref<2x1x400xi32, #tpu.memory_space<vmem>>, vector<16xi32>,
      %get3A_1810 = arith.constant 1 : i32
      %get3A_1811 = arith.constant 0 : i32
      %get3A_1812 = arith.index_cast %get3A_1810 : i32 to index
      %get3A_1813 = arith.index_cast %get3A_1811 : i32 to index
      %get3A_1814 = arith.constant 304 : index
      %get3A_1815 = tpu.vector_load %arg8[%get3A_1812, %get3A_1813, %get3A_1814] {strides = array<i32>} : memref<2x1x400xi32, #tpu.memory_space<vmem>>, vector<16xi32>,
      %mul3A_1816 = arith.constant 14 : i32
      %mul3A_1817 = vector.broadcast %mul3A_1816 : i32 to vector<16xi32>
      %mul3A_1818 = arith.muli %get3A_1815, %mul3A_1817 : vector<16xi32>
      %get3A_1819 = arith.constant 1 : i32
      %get3A_1820 = arith.constant 0 : i32
      %get3A_1821 = arith.index_cast %get3A_1819 : i32 to index
      %get3A_1822 = arith.index_cast %get3A_1820 : i32 to index
      %get3A_1823 = arith.constant 304 : index
      %get3A_1824 = tpu.vector_load %arg9[%get3A_1821, %get3A_1822, %get3A_1823] {strides = array<i32>} : memref<2x1x400xi32, #tpu.memory_space<vmem>>, vector<16xi32>,
      %mul3A_1825 = arith.constant 2 : i32
      %mul3A_1826 = vector.broadcast %mul3A_1825 : i32 to vector<16xi32>
      %mul3A_1827 = arith.muli %get3A_1824, %mul3A_1826 : vector<16xi32>
      %add3A_1828 = arith.addi %mul3A_1818, %mul3A_1827 : vector<16xi32>
      %add3A_1829 = vector.broadcast %arg0 : i32 to vector<16xi32>
      %add3A_1830 = arith.addi %add3A_1828, %add3A_1829 : vector<16xi32>
      %swap3A_1831 = arith.constant 1 : i32
      %swap3A_1832 = arith.constant 0 : i32
      %swap3A_1833 = arith.index_cast %swap3A_1831 : i32 to index
      %swap3A_1834 = arith.index_cast %swap3A_1832 : i32 to index
      %swap3A_1835 = arith.constant 304 : index
      %swap3A_1836 = tpu.vector_load %arg10[%swap3A_1833, %swap3A_1834, %swap3A_1835] {strides = array<i32>} : memref<2x1x400xi32, #tpu.memory_space<vmem>>, vector<16xi32>,
      tpu.vector_store %arg10[%swap3A_1833, %swap3A_1834, %swap3A_1835], %add3A_1830 {strides = array<i32>} : memref<2x1x400xi32, #tpu.memory_space<vmem>>, vector<16xi32>,
      %get3A_1837 = arith.constant 1 : i32
      %get3A_1838 = arith.constant 0 : i32
      %get3A_1839 = arith.index_cast %get3A_1837 : i32 to index
      %get3A_1840 = arith.index_cast %get3A_1838 : i32 to index
      %get3A_1841 = arith.constant 320 : index
      %get3A_1842 = tpu.vector_load %arg8[%get3A_1839, %get3A_1840, %get3A_1841] {strides = array<i32>} : memref<2x1x400xi32, #tpu.memory_space<vmem>>, vector<16xi32>,
      %mul3A_1843 = arith.constant 14 : i32
      %mul3A_1844 = vector.broadcast %mul3A_1843 : i32 to vector<16xi32>
      %mul3A_1845 = arith.muli %get3A_1842, %mul3A_1844 : vector<16xi32>
      %get3A_1846 = arith.constant 1 : i32
      %get3A_1847 = arith.constant 0 : i32
      %get3A_1848 = arith.index_cast %get3A_1846 : i32 to index
      %get3A_1849 = arith.index_cast %get3A_1847 : i32 to index
      %get3A_1850 = arith.constant 320 : index
      %get3A_1851 = tpu.vector_load %arg9[%get3A_1848, %get3A_1849, %get3A_1850] {strides = array<i32>} : memref<2x1x400xi32, #tpu.memory_space<vmem>>, vector<16xi32>,
      %mul3A_1852 = arith.constant 2 : i32
      %mul3A_1853 = vector.broadcast %mul3A_1852 : i32 to vector<16xi32>
      %mul3A_1854 = arith.muli %get3A_1851, %mul3A_1853 : vector<16xi32>
      %add3A_1855 = arith.addi %mul3A_1845, %mul3A_1854 : vector<16xi32>
      %add3A_1856 = vector.broadcast %arg0 : i32 to vector<16xi32>
      %add3A_1857 = arith.addi %add3A_1855, %add3A_1856 : vector<16xi32>
      %swap3A_1858 = arith.constant 1 : i32
      %swap3A_1859 = arith.constant 0 : i32
      %swap3A_1860 = arith.index_cast %swap3A_1858 : i32 to index
      %swap3A_1861 = arith.index_cast %swap3A_1859 : i32 to index
      %swap3A_1862 = arith.constant 320 : index
      %swap3A_1863 = tpu.vector_load %arg10[%swap3A_1860, %swap3A_1861, %swap3A_1862] {strides = array<i32>} : memref<2x1x400xi32, #tpu.memory_space<vmem>>, vector<16xi32>,
      tpu.vector_store %arg10[%swap3A_1860, %swap3A_1861, %swap3A_1862], %add3A_1857 {strides = array<i32>} : memref<2x1x400xi32, #tpu.memory_space<vmem>>, vector<16xi32>,
      %get3A_1864 = arith.constant 1 : i32
      %get3A_1865 = arith.constant 0 : i32
      %get3A_1866 = arith.index_cast %get3A_1864 : i32 to index
      %get3A_1867 = arith.index_cast %get3A_1865 : i32 to index
      %get3A_1868 = arith.constant 336 : index
      %get3A_1869 = tpu.vector_load %arg8[%get3A_1866, %get3A_1867, %get3A_1868] {strides = array<i32>} : memref<2x1x400xi32, #tpu.memory_space<vmem>>, vector<16xi32>,
      %mul3A_1870 = arith.constant 14 : i32
      %mul3A_1871 = vector.broadcast %mul3A_1870 : i32 to vector<16xi32>
      %mul3A_1872 = arith.muli %get3A_1869, %mul3A_1871 : vector<16xi32>
      %get3A_1873 = arith.constant 1 : i32
      %get3A_1874 = arith.constant 0 : i32
      %get3A_1875 = arith.index_cast %get3A_1873 : i32 to index
      %get3A_1876 = arith.index_cast %get3A_1874 : i32 to index
      %get3A_1877 = arith.constant 336 : index
      %get3A_1878 = tpu.vector_load %arg9[%get3A_1875, %get3A_1876, %get3A_1877] {strides = array<i32>} : memref<2x1x400xi32, #tpu.memory_space<vmem>>, vector<16xi32>,
      %mul3A_1879 = arith.constant 2 : i32
      %mul3A_1880 = vector.broadcast %mul3A_1879 : i32 to vector<16xi32>
      %mul3A_1881 = arith.muli %get3A_1878, %mul3A_1880 : vector<16xi32>
      %add3A_1882 = arith.addi %mul3A_1872, %mul3A_1881 : vector<16xi32>
      %add3A_1883 = vector.broadcast %arg0 : i32 to vector<16xi32>
      %add3A_1884 = arith.addi %add3A_1882, %add3A_1883 : vector<16xi32>
      %swap3A_1885 = arith.constant 1 : i32
      %swap3A_1886 = arith.constant 0 : i32
      %swap3A_1887 = arith.index_cast %swap3A_1885 : i32 to index
      %swap3A_1888 = arith.index_cast %swap3A_1886 : i32 to index
      %swap3A_1889 = arith.constant 336 : index
      %swap3A_1890 = tpu.vector_load %arg10[%swap3A_1887, %swap3A_1888, %swap3A_1889] {strides = array<i32>} : memref<2x1x400xi32, #tpu.memory_space<vmem>>, vector<16xi32>,
      tpu.vector_store %arg10[%swap3A_1887, %swap3A_1888, %swap3A_1889], %add3A_1884 {strides = array<i32>} : memref<2x1x400xi32, #tpu.memory_space<vmem>>, vector<16xi32>,
      %get3A_1891 = arith.constant 1 : i32
      %get3A_1892 = arith.constant 0 : i32
      %get3A_1893 = arith.index_cast %get3A_1891 : i32 to index
      %get3A_1894 = arith.index_cast %get3A_1892 : i32 to index
      %get3A_1895 = arith.constant 352 : index
      %get3A_1896 = tpu.vector_load %arg8[%get3A_1893, %get3A_1894, %get3A_1895] {strides = array<i32>} : memref<2x1x400xi32, #tpu.memory_space<vmem>>, vector<16xi32>,
      %mul3A_1897 = arith.constant 14 : i32
      %mul3A_1898 = vector.broadcast %mul3A_1897 : i32 to vector<16xi32>
      %mul3A_1899 = arith.muli %get3A_1896, %mul3A_1898 : vector<16xi32>
      %get3A_1900 = arith.constant 1 : i32
      %get3A_1901 = arith.constant 0 : i32
      %get3A_1902 = arith.index_cast %get3A_1900 : i32 to index
      %get3A_1903 = arith.index_cast %get3A_1901 : i32 to index
      %get3A_1904 = arith.constant 352 : index
      %get3A_1905 = tpu.vector_load %arg9[%get3A_1902, %get3A_1903, %get3A_1904] {strides = array<i32>} : memref<2x1x400xi32, #tpu.memory_space<vmem>>, vector<16xi32>,
      %mul3A_1906 = arith.constant 2 : i32
      %mul3A_1907 = vector.broadcast %mul3A_1906 : i32 to vector<16xi32>
      %mul3A_1908 = arith.muli %get3A_1905, %mul3A_1907 : vector<16xi32>
      %add3A_1909 = arith.addi %mul3A_1899, %mul3A_1908 : vector<16xi32>
      %add3A_1910 = vector.broadcast %arg0 : i32 to vector<16xi32>
      %add3A_1911 = arith.addi %add3A_1909, %add3A_1910 : vector<16xi32>
      %swap3A_1912 = arith.constant 1 : i32
      %swap3A_1913 = arith.constant 0 : i32
      %swap3A_1914 = arith.index_cast %swap3A_1912 : i32 to index
      %swap3A_1915 = arith.index_cast %swap3A_1913 : i32 to index
      %swap3A_1916 = arith.constant 352 : index
      %swap3A_1917 = tpu.vector_load %arg10[%swap3A_1914, %swap3A_1915, %swap3A_1916] {strides = array<i32>} : memref<2x1x400xi32, #tpu.memory_space<vmem>>, vector<16xi32>,
      tpu.vector_store %arg10[%swap3A_1914, %swap3A_1915, %swap3A_1916], %add3A_1911 {strides = array<i32>} : memref<2x1x400xi32, #tpu.memory_space<vmem>>, vector<16xi32>,
      %get3A_1918 = arith.constant 1 : i32
      %get3A_1919 = arith.constant 0 : i32
      %get3A_1920 = arith.index_cast %get3A_1918 : i32 to index
      %get3A_1921 = arith.index_cast %get3A_1919 : i32 to index
      %get3A_1922 = arith.constant 368 : index
      %get3A_1923 = tpu.vector_load %arg8[%get3A_1920, %get3A_1921, %get3A_1922] {strides = array<i32>} : memref<2x1x400xi32, #tpu.memory_space<vmem>>, vector<16xi32>,
      %mul3A_1924 = arith.constant 14 : i32
      %mul3A_1925 = vector.broadcast %mul3A_1924 : i32 to vector<16xi32>
      %mul3A_1926 = arith.muli %get3A_1923, %mul3A_1925 : vector<16xi32>
      %get3A_1927 = arith.constant 1 : i32
      %get3A_1928 = arith.constant 0 : i32
      %get3A_1929 = arith.index_cast %get3A_1927 : i32 to index
      %get3A_1930 = arith.index_cast %get3A_1928 : i32 to index
      %get3A_1931 = arith.constant 368 : index
      %get3A_1932 = tpu.vector_load %arg9[%get3A_1929, %get3A_1930, %get3A_1931] {strides = array<i32>} : memref<2x1x400xi32, #tpu.memory_space<vmem>>, vector<16xi32>,
      %mul3A_1933 = arith.constant 2 : i32
      %mul3A_1934 = vector.broadcast %mul3A_1933 : i32 to vector<16xi32>
      %mul3A_1935 = arith.muli %get3A_1932, %mul3A_1934 : vector<16xi32>
      %add3A_1936 = arith.addi %mul3A_1926, %mul3A_1935 : vector<16xi32>
      %add3A_1937 = vector.broadcast %arg0 : i32 to vector<16xi32>
      %add3A_1938 = arith.addi %add3A_1936, %add3A_1937 : vector<16xi32>
      %swap3A_1939 = arith.constant 1 : i32
      %swap3A_1940 = arith.constant 0 : i32
      %swap3A_1941 = arith.index_cast %swap3A_1939 : i32 to index
      %swap3A_1942 = arith.index_cast %swap3A_1940 : i32 to index
      %swap3A_1943 = arith.constant 368 : index
      %swap3A_1944 = tpu.vector_load %arg10[%swap3A_1941, %swap3A_1942, %swap3A_1943] {strides = array<i32>} : memref<2x1x400xi32, #tpu.memory_space<vmem>>, vector<16xi32>,
      tpu.vector_store %arg10[%swap3A_1941, %swap3A_1942, %swap3A_1943], %add3A_1938 {strides = array<i32>} : memref<2x1x400xi32, #tpu.memory_space<vmem>>, vector<16xi32>,
      %get3A_1945 = arith.constant 1 : i32
      %get3A_1946 = arith.constant 0 : i32
      %get3A_1947 = arith.index_cast %get3A_1945 : i32 to index
      %get3A_1948 = arith.index_cast %get3A_1946 : i32 to index
      %get3A_1949 = arith.constant 384 : index
      %get3A_1950 = tpu.vector_load %arg8[%get3A_1947, %get3A_1948, %get3A_1949] {strides = array<i32>} : memref<2x1x400xi32, #tpu.memory_space<vmem>>, vector<16xi32>,
      %mul3A_1951 = arith.constant 14 : i32
      %mul3A_1952 = vector.broadcast %mul3A_1951 : i32 to vector<16xi32>
      %mul3A_1953 = arith.muli %get3A_1950, %mul3A_1952 : vector<16xi32>
      %get3A_1954 = arith.constant 1 : i32
      %get3A_1955 = arith.constant 0 : i32
      %get3A_1956 = arith.index_cast %get3A_1954 : i32 to index
      %get3A_1957 = arith.index_cast %get3A_1955 : i32 to index
      %get3A_1958 = arith.constant 384 : index
      %get3A_1959 = tpu.vector_load %arg9[%get3A_1956, %get3A_1957, %get3A_1958] {strides = array<i32>} : memref<2x1x400xi32, #tpu.memory_space<vmem>>, vector<16xi32>,
      %mul3A_1960 = arith.constant 2 : i32
      %mul3A_1961 = vector.broadcast %mul3A_1960 : i32 to vector<16xi32>
      %mul3A_1962 = arith.muli %get3A_1959, %mul3A_1961 : vector<16xi32>
      %add3A_1963 = arith.addi %mul3A_1953, %mul3A_1962 : vector<16xi32>
      %add3A_1964 = vector.broadcast %arg0 : i32 to vector<16xi32>
      %add3A_1965 = arith.addi %add3A_1963, %add3A_1964 : vector<16xi32>
      %swap3A_1966 = arith.constant 1 : i32
      %swap3A_1967 = arith.constant 0 : i32
      %swap3A_1968 = arith.index_cast %swap3A_1966 : i32 to index
      %swap3A_1969 = arith.index_cast %swap3A_1967 : i32 to index
      %swap3A_1970 = arith.constant 384 : index
      %swap3A_1971 = tpu.vector_load %arg10[%swap3A_1968, %swap3A_1969, %swap3A_1970] {strides = array<i32>} : memref<2x1x400xi32, #tpu.memory_space<vmem>>, vector<16xi32>,
      tpu.vector_store %arg10[%swap3A_1968, %swap3A_1969, %swap3A_1970], %add3A_1965 {strides = array<i32>} : memref<2x1x400xi32, #tpu.memory_space<vmem>>, vector<16xi32>,
      %dma_wait3A_1972 = arith.constant 0 : i32
      %dma_wait3A_1973 = arith.constant 0 : i32
      %dma_wait3A_1974 = arith.constant 0 : i32
      %dma_wait3A_1975 = arith.constant 0 : i32
      %dma_wait3A_1976 = arith.constant 0 : i32
      %dma_wait3A_1977 = arith.constant 0 : i32
      %dma_wait3A_1978 = tpu.memref_slice %arg11[%dma_wait3A_1974, %dma_wait3A_1975, %dma_wait3A_1976, %dma_wait3A_1977] : memref<2x1x400x32xbf16, #tpu.memory_space<vmem>> -> memref<1x1x400x32xbf16, #tpu.memory_space<vmem>>
      %dma_wait3A_1979 = tpu.memref_squeeze %dma_wait3A_1978 : memref<1x1x400x32xbf16, #tpu.memory_space<vmem>> -> memref<400x32xbf16, #tpu.memory_space<vmem>>
      %dma_wait3A_1980 = arith.constant 0 : i32
      %dma_wait3A_1981 = tpu.memref_slice %arg10[%dma_wait3A_1972, %dma_wait3A_1973, %dma_wait3A_1980] : memref<2x1x400xi32, #tpu.memory_space<vmem>> -> memref<1x1x400xi32, #tpu.memory_space<vmem>>
      %dma_wait3A_1982 = tpu.memref_squeeze %dma_wait3A_1981 : memref<1x1x400xi32, #tpu.memory_space<vmem>> -> memref<400xi32, #tpu.memory_space<vmem>>
      %dma_wait3A_1983 = arith.constant 0 : i32
      %dma_wait3A_1984 = arith.constant 0 : i32
      %dma_wait3A_1985 = tpu.memref_slice %arg2[%dma_wait3A_1983, %dma_wait3A_1984] : memref<1400000x32xbf16, #tpu.memory_space<hbm>> -> memref<1400000x32xbf16, #tpu.memory_space<hbm>>
      tpu.wait_indirect_dma semaphore(%arg17 : memref<!tpu.dma_semaphore, #tpu.memory_space<semaphore_mem>>) src(%dma_wait3A_1985 : memref<1400000x32xbf16, #tpu.memory_space<hbm>>) dst(%dma_wait3A_1979 : memref<400x32xbf16, #tpu.memory_space<vmem>>)
      %dma_start3A_1986 = arith.constant 1 : i32
      %dma_start3A_1987 = arith.constant 0 : i32
      %dma_start3A_1988 = arith.constant 1 : i32
      %dma_start3A_1989 = arith.constant 0 : i32
      %dma_start3A_1990 = arith.constant 0 : i32
      %dma_start3A_1991 = arith.constant 0 : i32
      %dma_start3A_1992 = tpu.memref_slice %arg11[%dma_start3A_1988, %dma_start3A_1989, %dma_start3A_1990, %dma_start3A_1991] : memref<2x1x400x32xbf16, #tpu.memory_space<vmem>> -> memref<1x1x400x32xbf16, #tpu.memory_space<vmem>>
      %dma_start3A_1993 = tpu.memref_squeeze %dma_start3A_1992 : memref<1x1x400x32xbf16, #tpu.memory_space<vmem>> -> memref<400x32xbf16, #tpu.memory_space<vmem>>
      %dma_start3A_1994 = arith.constant 0 : i32
      %dma_start3A_1995 = tpu.memref_slice %arg10[%dma_start3A_1986, %dma_start3A_1987, %dma_start3A_1994] : memref<2x1x400xi32, #tpu.memory_space<vmem>> -> memref<1x1x400xi32, #tpu.memory_space<vmem>>
      %dma_start3A_1996 = tpu.memref_squeeze %dma_start3A_1995 : memref<1x1x400xi32, #tpu.memory_space<vmem>> -> memref<400xi32, #tpu.memory_space<vmem>>
      %dma_start3A_1997 = arith.constant 0 : i32
      %dma_start3A_1998 = arith.constant 0 : i32
      %dma_start3A_1999 = tpu.memref_slice %arg2[%dma_start3A_1997, %dma_start3A_1998] : memref<1400000x32xbf16, #tpu.memory_space<hbm>> -> memref<1400000x32xbf16, #tpu.memory_space<hbm>>
      tpu.enqueue_indirect_dma source(%dma_start3A_1999 : memref<1400000x32xbf16, #tpu.memory_space<hbm>>) target(%dma_start3A_1993 : memref<400x32xbf16, #tpu.memory_space<vmem>>) offsets(%dma_start3A_1996 : memref<400xi32, #tpu.memory_space<vmem>>) semaphore(%arg17 : memref<!tpu.dma_semaphore, #tpu.memory_space<semaphore_mem>>)
      %run_scoped3A_2000 = arith.constant 0 : i32
      %run_scoped3A_2001 = arith.constant 0 : i32
      %run_scoped3A_2002 = arith.constant 0 : i32
      %run_scoped3A_2003 = arith.constant 0 : i32
      "tpu.region"() ({
        %run_scoped3A_2006 = tpu.sem_alloc : memref<!tpu.dma_semaphore, #tpu.memory_space<semaphore_mem>>
        %dma_start3A_2007 = arith.constant 0 : i32
        %dma_start3A_2008 = arith.constant 0 : i32
        %dma_start3A_2009 = tpu.memref_slice %arg11[%run_scoped3A_2000, %run_scoped3A_2001, %dma_start3A_2007, %dma_start3A_2008] : memref<2x1x400x32xbf16, #tpu.memory_space<vmem>> -> memref<1x1x400x32xbf16, #tpu.memory_space<vmem>>
        %dma_start3A_2010 = tpu.memref_squeeze %dma_start3A_2009 : memref<1x1x400x32xbf16, #tpu.memory_space<vmem>> -> memref<400x32xbf16, #tpu.memory_space<vmem>>
        %dma_start3A_2011 = arith.constant 0 : i32
        %dma_start3A_2012 = tpu.memref_slice %arg7[%run_scoped3A_2002, %run_scoped3A_2003, %dma_start3A_2011] : memref<2x1x400xi32, #tpu.memory_space<vmem>> -> memref<1x1x400xi32, #tpu.memory_space<vmem>>
        %dma_start3A_2013 = tpu.memref_squeeze %dma_start3A_2012 : memref<1x1x400xi32, #tpu.memory_space<vmem>> -> memref<400xi32, #tpu.memory_space<vmem>>
        %dma_start3A_2014 = arith.constant 0 : i32
        %dma_start3A_2015 = arith.constant 0 : i32
        %dma_start3A_2016 = tpu.memref_slice %arg15[%dma_start3A_2014, %dma_start3A_2015] : memref<100008x32xbf16, #tpu.memory_space<vmem_shared>> -> memref<100008x32xbf16, #tpu.memory_space<vmem_shared>>
        tpu.enqueue_indirect_dma source(%dma_start3A_2010 : memref<400x32xbf16, #tpu.memory_space<vmem>>) target(%dma_start3A_2016 : memref<100008x32xbf16, #tpu.memory_space<vmem_shared>>) offsets(%dma_start3A_2013 : memref<400xi32, #tpu.memory_space<vmem>>) semaphore(%run_scoped3A_2006 : memref<!tpu.dma_semaphore, #tpu.memory_space<semaphore_mem>>) {add = true}
        %dma_wait3A_2017 = arith.constant 0 : i32
        %dma_wait3A_2018 = arith.constant 0 : i32
        %dma_wait3A_2019 = tpu.memref_slice %arg11[%run_scoped3A_2000, %run_scoped3A_2001, %dma_wait3A_2017, %dma_wait3A_2018] : memref<2x1x400x32xbf16, #tpu.memory_space<vmem>> -> memref<1x1x400x32xbf16, #tpu.memory_space<vmem>>
        %dma_wait3A_2020 = tpu.memref_squeeze %dma_wait3A_2019 : memref<1x1x400x32xbf16, #tpu.memory_space<vmem>> -> memref<400x32xbf16, #tpu.memory_space<vmem>>
        %dma_wait3A_2021 = arith.constant 0 : i32
        %dma_wait3A_2022 = tpu.memref_slice %arg7[%run_scoped3A_2002, %run_scoped3A_2003, %dma_wait3A_2021] : memref<2x1x400xi32, #tpu.memory_space<vmem>> -> memref<1x1x400xi32, #tpu.memory_space<vmem>>
        %dma_wait3A_2023 = tpu.memref_squeeze %dma_wait3A_2022 : memref<1x1x400xi32, #tpu.memory_space<vmem>> -> memref<400xi32, #tpu.memory_space<vmem>>
        %dma_wait3A_2024 = arith.constant 0 : i32
        %dma_wait3A_2025 = arith.constant 0 : i32
        %dma_wait3A_2026 = tpu.memref_slice %arg15[%dma_wait3A_2024, %dma_wait3A_2025] : memref<100008x32xbf16, #tpu.memory_space<vmem_shared>> -> memref<100008x32xbf16, #tpu.memory_space<vmem_shared>>
        tpu.wait_indirect_dma semaphore(%run_scoped3A_2006 : memref<!tpu.dma_semaphore, #tpu.memory_space<semaphore_mem>>) src(%dma_wait3A_2020 : memref<400x32xbf16, #tpu.memory_space<vmem>>) dst(%dma_wait3A_2026 : memref<100008x32xbf16, #tpu.memory_space<vmem_shared>>)
        tpu.yield
      }) : () -> ()
      %lt3A = arith.constant 124 : i32
      %lt3A_2004 = arith.cmpi slt, %scan3A_482, %lt3A : i32
      %convert_element_type3A = arith.extui %lt3A_2004 : i1 to i32
      %cond3A = arith.constant 0 : i32
      %cond3A_2005 = arith.cmpi ne, %convert_element_type3A, %cond3A : i32
      scf.if %cond3A_2005 {
        %add3A_2006 = arith.constant 800 : i32
        %add3A_2007 = arith.addi %add3A, %add3A_2006 : i32
        %dma_start3A_2008 = arith.constant 0 : i32
        %dma_start3A_2009 = arith.constant 0 : i32
        %dma_start3A_2010 = arith.constant 0 : i32
        %dma_start3A_2011 = tpu.memref_slice %arg7[%dma_start3A_2008, %dma_start3A_2009, %dma_start3A_2010] : memref<2x1x400xi32, #tpu.memory_space<vmem>> -> memref<1x1x400xi32, #tpu.memory_space<vmem>>
        %dma_start3A_2012 = tpu.memref_squeeze %dma_start3A_2011 : memref<1x1x400xi32, #tpu.memory_space<vmem>> -> memref<400xi32, #tpu.memory_space<vmem>>
        %dma_start3A_2013 = tpu.memref_slice %arg3[%add3A_2007] : memref<1600000xi32, #tpu.memory_space<hbm>> -> memref<400xi32, #tpu.memory_space<hbm>>
        %dma_start3A_2014 = arith.constant 0 : i32
        %dma_start3A_2015 = tpu.memref_slice %arg7[%dma_start3A_2008, %dma_start3A_2009, %dma_start3A_2014] : memref<2x1x400xi32, #tpu.memory_space<vmem>> -> memref<1x1x400xi32, #tpu.memory_space<vmem>>
        %dma_start3A_2016 = tpu.memref_squeeze %dma_start3A_2015 : memref<1x1x400xi32, #tpu.memory_space<vmem>> -> memref<400xi32, #tpu.memory_space<vmem>>
        %dma_start3A_2017 = tpu.memref_slice %arg3[%add3A_2007] : memref<1600000xi32, #tpu.memory_space<hbm>> -> memref<400xi32, #tpu.memory_space<hbm>>
        tpu.enqueue_dma source(%dma_start3A_2017 : memref<400xi32, #tpu.memory_space<hbm>>) target(%dma_start3A_2016 : memref<400xi32, #tpu.memory_space<vmem>>) target_semaphore(%arg16 : memref<!tpu.dma_semaphore, #tpu.memory_space<semaphore_mem>>)
        %dma_start3A_2018 = arith.constant 0 : i32
        %dma_start3A_2019 = arith.constant 0 : i32
        %dma_start3A_2020 = arith.constant 0 : i32
        %dma_start3A_2021 = tpu.memref_slice %arg8[%dma_start3A_2018, %dma_start3A_2019, %dma_start3A_2020] : memref<2x1x400xi32, #tpu.memory_space<vmem>> -> memref<1x1x400xi32, #tpu.memory_space<vmem>>
        %dma_start3A_2022 = tpu.memref_squeeze %dma_start3A_2021 : memref<1x1x400xi32, #tpu.memory_space<vmem>> -> memref<400xi32, #tpu.memory_space<vmem>>
        %dma_start3A_2023 = tpu.memref_slice %arg4[%add3A_2007] : memref<1600000xi32, #tpu.memory_space<hbm>> -> memref<400xi32, #tpu.memory_space<hbm>>
        %dma_start3A_2024 = arith.constant 0 : i32
        %dma_start3A_2025 = tpu.memref_slice %arg8[%dma_start3A_2018, %dma_start3A_2019, %dma_start3A_2024] : memref<2x1x400xi32, #tpu.memory_space<vmem>> -> memref<1x1x400xi32, #tpu.memory_space<vmem>>
        %dma_start3A_2026 = tpu.memref_squeeze %dma_start3A_2025 : memref<1x1x400xi32, #tpu.memory_space<vmem>> -> memref<400xi32, #tpu.memory_space<vmem>>
        %dma_start3A_2027 = tpu.memref_slice %arg4[%add3A_2007] : memref<1600000xi32, #tpu.memory_space<hbm>> -> memref<400xi32, #tpu.memory_space<hbm>>
        tpu.enqueue_dma source(%dma_start3A_2027 : memref<400xi32, #tpu.memory_space<hbm>>) target(%dma_start3A_2026 : memref<400xi32, #tpu.memory_space<vmem>>) target_semaphore(%arg16 : memref<!tpu.dma_semaphore, #tpu.memory_space<semaphore_mem>>)
        %dma_start3A_2028 = arith.constant 0 : i32
        %dma_start3A_2029 = arith.constant 0 : i32
        %dma_start3A_2030 = arith.constant 0 : i32
        %dma_start3A_2031 = tpu.memref_slice %arg9[%dma_start3A_2028, %dma_start3A_2029, %dma_start3A_2030] : memref<2x1x400xi32, #tpu.memory_space<vmem>> -> memref<1x1x400xi32, #tpu.memory_space<vmem>>
        %dma_start3A_2032 = tpu.memref_squeeze %dma_start3A_2031 : memref<1x1x400xi32, #tpu.memory_space<vmem>> -> memref<400xi32, #tpu.memory_space<vmem>>
        %dma_start3A_2033 = tpu.memref_slice %arg5[%add3A_2007] : memref<1600000xi32, #tpu.memory_space<hbm>> -> memref<400xi32, #tpu.memory_space<hbm>>
        %dma_start3A_2034 = arith.constant 0 : i32
        %dma_start3A_2035 = tpu.memref_slice %arg9[%dma_start3A_2028, %dma_start3A_2029, %dma_start3A_2034] : memref<2x1x400xi32, #tpu.memory_space<vmem>> -> memref<1x1x400xi32, #tpu.memory_space<vmem>>
        %dma_start3A_2036 = tpu.memref_squeeze %dma_start3A_2035 : memref<1x1x400xi32, #tpu.memory_space<vmem>> -> memref<400xi32, #tpu.memory_space<vmem>>
        %dma_start3A_2037 = tpu.memref_slice %arg5[%add3A_2007] : memref<1600000xi32, #tpu.memory_space<hbm>> -> memref<400xi32, #tpu.memory_space<hbm>>
        tpu.enqueue_dma source(%dma_start3A_2037 : memref<400xi32, #tpu.memory_space<hbm>>) target(%dma_start3A_2036 : memref<400xi32, #tpu.memory_space<vmem>>) target_semaphore(%arg16 : memref<!tpu.dma_semaphore, #tpu.memory_space<semaphore_mem>>)
      } else {
      }
    }
    %scan3A_458 = arith.constant 125 : i32
    %dma_wait3A = arith.constant 1 : i32
    %dma_wait3A_459 = arith.constant 0 : i32
    %dma_wait3A_460 = arith.constant 1 : i32
    %dma_wait3A_461 = arith.constant 0 : i32
    %dma_wait3A_462 = arith.constant 0 : i32
    %dma_wait3A_463 = arith.constant 0 : i32
    %dma_wait3A_464 = tpu.memref_slice %arg11[%dma_wait3A_460, %dma_wait3A_461, %dma_wait3A_462, %dma_wait3A_463] : memref<2x1x400x32xbf16, #tpu.memory_space<vmem>> -> memref<1x1x400x32xbf16, #tpu.memory_space<vmem>>
    %dma_wait3A_465 = tpu.memref_squeeze %dma_wait3A_464 : memref<1x1x400x32xbf16, #tpu.memory_space<vmem>> -> memref<400x32xbf16, #tpu.memory_space<vmem>>
    %dma_wait3A_466 = arith.constant 0 : i32
    %dma_wait3A_467 = tpu.memref_slice %arg10[%dma_wait3A, %dma_wait3A_459, %dma_wait3A_466] : memref<2x1x400xi32, #tpu.memory_space<vmem>> -> memref<1x1x400xi32, #tpu.memory_space<vmem>>
    %dma_wait3A_468 = tpu.memref_squeeze %dma_wait3A_467 : memref<1x1x400xi32, #tpu.memory_space<vmem>> -> memref<400xi32, #tpu.memory_space<vmem>>
    %dma_wait3A_469 = arith.constant 0 : i32
    %dma_wait3A_470 = arith.constant 0 : i32
    %dma_wait3A_471 = tpu.memref_slice %arg2[%dma_wait3A_469, %dma_wait3A_470] : memref<1400000x32xbf16, #tpu.memory_space<hbm>> -> memref<1400000x32xbf16, #tpu.memory_space<hbm>>
    tpu.wait_indirect_dma semaphore(%arg17 : memref<!tpu.dma_semaphore, #tpu.memory_space<semaphore_mem>>) src(%dma_wait3A_471 : memref<1400000x32xbf16, #tpu.memory_space<hbm>>) dst(%dma_wait3A_465 : memref<400x32xbf16, #tpu.memory_space<vmem>>)
    %run_scoped3A = arith.constant 1 : i32
    %run_scoped3A_472 = arith.constant 0 : i32
    %run_scoped3A_473 = arith.constant 1 : i32
    %run_scoped3A_474 = arith.constant 0 : i32
    "tpu.region"() ({
      %run_scoped3A_482 = tpu.sem_alloc : memref<!tpu.dma_semaphore, #tpu.memory_space<semaphore_mem>>
      %dma_start3A_483 = arith.constant 0 : i32
      %dma_start3A_484 = arith.constant 0 : i32
      %dma_start3A_485 = tpu.memref_slice %arg11[%run_scoped3A, %run_scoped3A_472, %dma_start3A_483, %dma_start3A_484] : memref<2x1x400x32xbf16, #tpu.memory_space<vmem>> -> memref<1x1x400x32xbf16, #tpu.memory_space<vmem>>
      %dma_start3A_486 = tpu.memref_squeeze %dma_start3A_485 : memref<1x1x400x32xbf16, #tpu.memory_space<vmem>> -> memref<400x32xbf16, #tpu.memory_space<vmem>>
      %dma_start3A_487 = arith.constant 0 : i32
      %dma_start3A_488 = tpu.memref_slice %arg7[%run_scoped3A_473, %run_scoped3A_474, %dma_start3A_487] : memref<2x1x400xi32, #tpu.memory_space<vmem>> -> memref<1x1x400xi32, #tpu.memory_space<vmem>>
      %dma_start3A_489 = tpu.memref_squeeze %dma_start3A_488 : memref<1x1x400xi32, #tpu.memory_space<vmem>> -> memref<400xi32, #tpu.memory_space<vmem>>
      %dma_start3A_490 = arith.constant 0 : i32
      %dma_start3A_491 = arith.constant 0 : i32
      %dma_start3A_492 = tpu.memref_slice %arg15[%dma_start3A_490, %dma_start3A_491] : memref<100008x32xbf16, #tpu.memory_space<vmem_shared>> -> memref<100008x32xbf16, #tpu.memory_space<vmem_shared>>
      tpu.enqueue_indirect_dma source(%dma_start3A_486 : memref<400x32xbf16, #tpu.memory_space<vmem>>) target(%dma_start3A_492 : memref<100008x32xbf16, #tpu.memory_space<vmem_shared>>) offsets(%dma_start3A_489 : memref<400xi32, #tpu.memory_space<vmem>>) semaphore(%run_scoped3A_482 : memref<!tpu.dma_semaphore, #tpu.memory_space<semaphore_mem>>) {add = true}
      %dma_wait3A_493 = arith.constant 0 : i32
      %dma_wait3A_494 = arith.constant 0 : i32
      %dma_wait3A_495 = tpu.memref_slice %arg11[%run_scoped3A, %run_scoped3A_472, %dma_wait3A_493, %dma_wait3A_494] : memref<2x1x400x32xbf16, #tpu.memory_space<vmem>> -> memref<1x1x400x32xbf16, #tpu.memory_space<vmem>>
      %dma_wait3A_496 = tpu.memref_squeeze %dma_wait3A_495 : memref<1x1x400x32xbf16, #tpu.memory_space<vmem>> -> memref<400x32xbf16, #tpu.memory_space<vmem>>
      %dma_wait3A_497 = arith.constant 0 : i32
      %dma_wait3A_498 = tpu.memref_slice %arg7[%run_scoped3A_473, %run_scoped3A_474, %dma_wait3A_497] : memref<2x1x400xi32, #tpu.memory_space<vmem>> -> memref<1x1x400xi32, #tpu.memory_space<vmem>>
      %dma_wait3A_499 = tpu.memref_squeeze %dma_wait3A_498 : memref<1x1x400xi32, #tpu.memory_space<vmem>> -> memref<400xi32, #tpu.memory_space<vmem>>
      %dma_wait3A_500 = arith.constant 0 : i32
      %dma_wait3A_501 = arith.constant 0 : i32
      %dma_wait3A_502 = tpu.memref_slice %arg15[%dma_wait3A_500, %dma_wait3A_501] : memref<100008x32xbf16, #tpu.memory_space<vmem_shared>> -> memref<100008x32xbf16, #tpu.memory_space<vmem_shared>>
      tpu.wait_indirect_dma semaphore(%run_scoped3A_482 : memref<!tpu.dma_semaphore, #tpu.memory_space<semaphore_mem>>) src(%dma_wait3A_496 : memref<400x32xbf16, #tpu.memory_space<vmem>>) dst(%dma_wait3A_502 : memref<100008x32xbf16, #tpu.memory_space<vmem_shared>>)
      tpu.yield
    }) : () -> ()
    %barrier3A_475 = arith.constant 0 : index
    tpu.barrier barrier_id(%barrier3A_475)
    %scan3A_476 = arith.constant 0 : i32
    %scan3A_477 = arith.constant 0 : i32
    %scan3A_478 = arith.constant 50 : i32
    %scan3A_479 = arith.addi %scan3A_477, %scan3A_478 : i32
    %scan3A_480 = arith.constant 1 : i32
    scf.for %scan3A_482 = %scan3A_477 to %scan3A_479 step %scan3A_480  : i32 {
      %mul3A_483 = arith.constant 6250 : i32
      %mul3A_484 = arith.muli %arg1, %mul3A_483 : i32
      %mul3A_485 = arith.constant 125 : i32
      %mul3A_486 = arith.muli %scan3A_482, %mul3A_485 : i32
      %add3A = arith.addi %mul3A_484, %mul3A_486 : i32
      "tpu.region"() ({
        %run_scoped3A_500 = tpu.sem_alloc : memref<!tpu.dma_semaphore, #tpu.memory_space<semaphore_mem>>
        %dma_start3A_501 = arith.constant 0 : i32
        %dma_start3A_502 = tpu.memref_slice %arg15[%add3A, %dma_start3A_501] : memref<100008x32xbf16, #tpu.memory_space<vmem_shared>> -> memref<125x32xbf16, #tpu.memory_space<vmem_shared>>
        %dma_start3A_503 = arith.constant 0 : i32
        %dma_start3A_504 = tpu.memref_slice %arg15[%add3A, %dma_start3A_503] : memref<100008x32xbf16, #tpu.memory_space<vmem_shared>> -> memref<125x32xbf16, #tpu.memory_space<vmem_shared>>
        tpu.enqueue_dma source(%dma_start3A_504 : memref<125x32xbf16, #tpu.memory_space<vmem_shared>>) target(%arg13 : memref<125x32xbf16, #tpu.memory_space<vmem>>) target_semaphore(%run_scoped3A_500 : memref<!tpu.dma_semaphore, #tpu.memory_space<semaphore_mem>>)
        %dma_wait3A_505 = arith.constant 0 : i32
        %dma_wait3A_506 = tpu.memref_slice %arg15[%add3A, %dma_wait3A_505] : memref<100008x32xbf16, #tpu.memory_space<vmem_shared>> -> memref<125x32xbf16, #tpu.memory_space<vmem_shared>>
        %dma_wait3A_507 = arith.constant 0 : i32
        %dma_wait3A_508 = tpu.memref_slice %arg15[%add3A, %dma_wait3A_507] : memref<100008x32xbf16, #tpu.memory_space<vmem_shared>> -> memref<125x32xbf16, #tpu.memory_space<vmem_shared>>
        tpu.wait_dma2 semaphore(%run_scoped3A_500 : memref<!tpu.dma_semaphore, #tpu.memory_space<semaphore_mem>>) src(%dma_wait3A_508 : memref<125x32xbf16, #tpu.memory_space<vmem_shared>>) dst(%arg13 : memref<125x32xbf16, #tpu.memory_space<vmem>>)
        tpu.yield
      }) : () -> ()
      %scan3A_487 = arith.constant 0 : i32
      %scan3A_488 = arith.constant 0 : i32
      %scan3A_489 = arith.constant 125 : i32
      %scan3A_490 = arith.addi %scan3A_488, %scan3A_489 : i32
      %scan3A_491 = arith.constant 1 : i32
      scf.for %scan3A_500 = %scan3A_488 to %scan3A_490 step %scan3A_491  : i32 {
        %get3A = arith.index_cast %scan3A_500 : i32 to index
        %get3A_501 = arith.constant 0 : index
        %get3A_502 = tpu.vector_load %arg13[%get3A, %get3A_501] {strides = array<i32>} : memref<125x32xbf16, #tpu.memory_space<vmem>>, vector<32xbf16>,
        %unpack3A = tpu.unpack_subelements %get3A_502, 0 {pack_format = #tpu.pack_format<interleaved>} : vector<32xbf16> -> vector<16xf32>
        %unpack3A_503 = tpu.unpack_subelements %get3A_502, 1 {pack_format = #tpu.pack_format<interleaved>} : vector<32xbf16> -> vector<16xf32>
        %swap3A_504 = arith.index_cast %scan3A_500 : i32 to index
        %swap3A_505 = arith.constant 0 : index
        %swap3A_506 = tpu.vector_load %arg14[%swap3A_504, %swap3A_505] {strides = array<i32>} : memref<125x32xf32, #tpu.memory_space<vmem>>, vector<16xf32>,
        tpu.vector_store %arg14[%swap3A_504, %swap3A_505], %unpack3A {strides = array<i32>} : memref<125x32xf32, #tpu.memory_space<vmem>>, vector<16xf32>,
        %swap3A_507 = arith.index_cast %scan3A_500 : i32 to index
        %swap3A_508 = arith.constant 16 : index
        %swap3A_509 = tpu.vector_load %arg14[%swap3A_507, %swap3A_508] {strides = array<i32>} : memref<125x32xf32, #tpu.memory_space<vmem>>, vector<16xf32>,
        tpu.vector_store %arg14[%swap3A_507, %swap3A_508], %unpack3A_503 {strides = array<i32>} : memref<125x32xf32, #tpu.memory_space<vmem>>, vector<16xf32>,
      }
      %scan3A_492 = arith.constant 125 : i32
      %eq3A = arith.constant 0 : i32
      %eq3A_493 = arith.cmpi eq, %arg0, %eq3A : i32
      %convert_element_type3A = arith.extui %eq3A_493 : i1 to i32
      %cond3A = arith.constant 0 : i32
      %cond3A_494 = arith.cmpi ne, %convert_element_type3A, %cond3A : i32
      scf.if %cond3A_494 {
        "tpu.region"() ({
          %run_scoped3A_500 = tpu.sem_alloc : memref<!tpu.dma_semaphore, #tpu.memory_space<semaphore_mem>>
          %dma_start3A_501 = arith.constant 0 : i32
          %dma_start3A_502 = tpu.memref_slice %arg6[%add3A, %dma_start3A_501] : memref<100000x64xf32, #tpu.memory_space<hbm>> -> memref<125x32xf32, #tpu.memory_space<hbm>>
          %dma_start3A_503 = arith.constant 0 : i32
          %dma_start3A_504 = tpu.memref_slice %arg6[%add3A, %dma_start3A_503] : memref<100000x64xf32, #tpu.memory_space<hbm>> -> memref<125x32xf32, #tpu.memory_space<hbm>>
          tpu.enqueue_dma source(%arg14 : memref<125x32xf32, #tpu.memory_space<vmem>>) target(%dma_start3A_504 : memref<125x32xf32, #tpu.memory_space<hbm>>) target_semaphore(%run_scoped3A_500 : memref<!tpu.dma_semaphore, #tpu.memory_space<semaphore_mem>>)
          %dma_wait3A_505 = arith.constant 0 : i32
          %dma_wait3A_506 = tpu.memref_slice %arg6[%add3A, %dma_wait3A_505] : memref<100000x64xf32, #tpu.memory_space<hbm>> -> memref<125x32xf32, #tpu.memory_space<hbm>>
          %dma_wait3A_507 = arith.constant 0 : i32
          %dma_wait3A_508 = tpu.memref_slice %arg6[%add3A, %dma_wait3A_507] : memref<100000x64xf32, #tpu.memory_space<hbm>> -> memref<125x32xf32, #tpu.memory_space<hbm>>
          tpu.wait_dma2 semaphore(%run_scoped3A_500 : memref<!tpu.dma_semaphore, #tpu.memory_space<semaphore_mem>>) src(%arg14 : memref<125x32xf32, #tpu.memory_space<vmem>>) dst(%dma_wait3A_508 : memref<125x32xf32, #tpu.memory_space<hbm>>)
          tpu.yield
        }) : () -> ()
      } else {
      }
      %eq3A_495 = arith.constant 1 : i32
      %eq3A_496 = arith.cmpi eq, %arg0, %eq3A_495 : i32
      %convert_element_type3A_497 = arith.extui %eq3A_496 : i1 to i32
      %cond3A_498 = arith.constant 0 : i32
      %cond3A_499 = arith.cmpi ne, %convert_element_type3A_497, %cond3A_498 : i32
      scf.if %cond3A_499 {
        "tpu.region"() ({
          %run_scoped3A_500 = tpu.sem_alloc : memref<!tpu.dma_semaphore, #tpu.memory_space<semaphore_mem>>
          %dma_start3A_501 = arith.constant 32 : i32
          %dma_start3A_502 = tpu.memref_slice %arg6[%add3A, %dma_start3A_501] : memref<100000x64xf32, #tpu.memory_space<hbm>> -> memref<125x32xf32, #tpu.memory_space<hbm>>
          %dma_start3A_503 = arith.constant 32 : i32
          %dma_start3A_504 = tpu.memref_slice %arg6[%add3A, %dma_start3A_503] : memref<100000x64xf32, #tpu.memory_space<hbm>> -> memref<125x32xf32, #tpu.memory_space<hbm>>
          tpu.enqueue_dma source(%arg14 : memref<125x32xf32, #tpu.memory_space<vmem>>) target(%dma_start3A_504 : memref<125x32xf32, #tpu.memory_space<hbm>>) target_semaphore(%run_scoped3A_500 : memref<!tpu.dma_semaphore, #tpu.memory_space<semaphore_mem>>)
          %dma_wait3A_505 = arith.constant 32 : i32
          %dma_wait3A_506 = tpu.memref_slice %arg6[%add3A, %dma_wait3A_505] : memref<100000x64xf32, #tpu.memory_space<hbm>> -> memref<125x32xf32, #tpu.memory_space<hbm>>
          %dma_wait3A_507 = arith.constant 32 : i32
          %dma_wait3A_508 = tpu.memref_slice %arg6[%add3A, %dma_wait3A_507] : memref<100000x64xf32, #tpu.memory_space<hbm>> -> memref<125x32xf32, #tpu.memory_space<hbm>>
          tpu.wait_dma2 semaphore(%run_scoped3A_500 : memref<!tpu.dma_semaphore, #tpu.memory_space<semaphore_mem>>) src(%arg14 : memref<125x32xf32, #tpu.memory_space<vmem>>) dst(%dma_wait3A_508 : memref<125x32xf32, #tpu.memory_space<hbm>>)
          tpu.yield
        }) : () -> ()
      } else {
      }
    }
    %scan3A_481 = arith.constant 50 : i32
    return
  }
}

module attributes {stable_mosaic.version = 14 : i64} {
  func.func @_y_body(%arg0: i32, %arg1: memref<2048x32xf32, #tpu.memory_space<vmem>>, %arg2: memref<2048x1xi32, #tpu.memory_space<vmem>>, %arg3: memref<40x448xf32, #tpu.memory_space<vmem>>, %arg4: memref<2048x448xbf16, #tpu.memory_space<vmem>>) attributes {dimension_semantics = [#tpu.dimension_semantics<arbitrary>], iteration_bounds = array<i64: 49>, scalar_prefetch = 0 : i64, scratch_operands = 0 : i64, tpu.core_type = #tpu.core_type<tc>, window_params = [{transform_indices = @transform_0, window_bounds = array<i64: 2048, 32>}, {transform_indices = @transform_1, window_bounds = array<i64: 2048, 1>}, {pipeline_mode = #tpu.pipeline_mode<synchronous>, transform_indices = @transform_2, window_bounds = array<i64: 40, 448>}, {transform_indices = @transform_3, window_bounds = array<i64: 2048, 448>}]} {
    %get3A = arith.constant 0 : index
    %get3A_0 = arith.constant 0 : index
    %get3A_1 = vector.load %arg1[%get3A, %get3A_0] : memref<2048x32xf32, #tpu.memory_space<vmem>>, vector<2048x32xf32>
    %get3A_2 = arith.constant 0 : index
    %get3A_3 = arith.constant 0 : index
    %get3A_4 = vector.load %arg2[%get3A_2, %get3A_3] : memref<2048x1xi32, #tpu.memory_space<vmem>>, vector<2048x1xi32>
    %get3A_5 = arith.constant 0 : index
    %get3A_6 = arith.constant 0 : index
    %get3A_7 = vector.load %arg3[%get3A_5, %get3A_6] : memref<40x448xf32, #tpu.memory_space<vmem>>, vector<32x448xf32>
    %get3A_8 = arith.constant 32 : index
    %get3A_9 = arith.constant 0 : index
    %get3A_10 = vector.load %arg3[%get3A_8, %get3A_9] : memref<40x448xf32, #tpu.memory_space<vmem>>, vector<8x448xf32>
    %iota3A = tpu.iota {dimensions = array<i32: 1>} : vector<2048x8xi32>
    %eq3A = vector.broadcast %get3A_4 : vector<2048x1xi32> to vector<2048x8xi32>
    %eq3A_11 = arith.cmpi eq, %iota3A, %eq3A : vector<2048x8xi32>
    %convert_element_type3A = arith.extui %eq3A_11 : vector<2048x8xi1> to vector<2048x8xi32>
    %convert_element_type3A_12 = arith.sitofp %convert_element_type3A : vector<2048x8xi32> to vector<2048x8xf32>
    %dot_general3A = arith.constant dense<0.000000e+00> : vector<2048x448xf32>
    %dot_general3A_13 = tpu.matmul %get3A_1, %get3A_7, %dot_general3A {dimension_numbers = #tpu.dot_dimension_numbers<[1], [0], [0], [1], [0, 0, 1, 1], [], []>, transpose_lhs_hint = false} : vector<2048x32xf32>, vector<32x448xf32>, vector<2048x448xf32> -> vector<2048x448xf32>
    %dot_general3A_14 = arith.constant dense<0.000000e+00> : vector<2048x448xf32>
    %dot_general3A_15 = tpu.matmul %convert_element_type3A_12, %get3A_10, %dot_general3A_14 {dimension_numbers = #tpu.dot_dimension_numbers<[1], [0], [0], [1], [0, 0, 1, 1], [], []>, transpose_lhs_hint = false} : vector<2048x8xf32>, vector<8x448xf32>, vector<2048x448xf32> -> vector<2048x448xf32>
    %add3A = arith.addf %dot_general3A_13, %dot_general3A_15 : vector<2048x448xf32>
    %convert_element_type3A_16 = arith.truncf %add3A : vector<2048x448xf32> to vector<2048x448xbf16>
    %swap3A = arith.constant 0 : index
    %swap3A_17 = arith.constant 0 : index
    %swap3A_18 = vector.load %arg4[%swap3A, %swap3A_17] : memref<2048x448xbf16, #tpu.memory_space<vmem>>, vector<2048x448xbf16>
    tpu.vector_store %arg4[%swap3A, %swap3A_17], %convert_element_type3A_16 {strides = array<i32>} : memref<2048x448xbf16, #tpu.memory_space<vmem>>, vector<2048x448xbf16>,
    return
  }
  func.func @transform_0(%arg0: i32) -> (i32, i32) {
    %c0_i32 = arith.constant 0 : i32
    %c0_i32_0 = arith.constant 0 : i32
    return %arg0, %c0_i32 : i32, i32
  }
  func.func @transform_1(%arg0: i32) -> (i32, i32) {
    %c0_i32 = arith.constant 0 : i32
    %c0_i32_0 = arith.constant 0 : i32
    return %arg0, %c0_i32 : i32, i32
  }
  func.func @transform_2(%arg0: i32) -> (i32, i32) {
    %c0_i32 = arith.constant 0 : i32
    %c0_i32_0 = arith.constant 0 : i32
    %c0_i32_1 = arith.constant 0 : i32
    return %c0_i32, %c0_i32_0 : i32, i32
  }
  func.func @transform_3(%arg0: i32) -> (i32, i32) {
    %c0_i32 = arith.constant 0 : i32
    %c0_i32_0 = arith.constant 0 : i32
    return %arg0, %c0_i32 : i32, i32
  }
}

</mosaic_0001>

<sc_bundles>
// kernel: kernel.4.cloned.1.call-start
scs
__scs_entry_jumppad:
0x0: {  	(pc) =	sbr.rel $0x88, $3  }
0x1: {  	(tag) =	ssettag $0x0;
	lr =	simm.s32 $0x1  }
0x2: {  	[smem:$0x3F9C] =	sst lr;
	_ =	strace $0xD0000000  }
0x3: {  	_ = 	snop  }
0x4: {  	_ = 	snop  }
0x5: {  	_ = 	snop  }
0x6: {  	_ = 	snop  }
0x7: {  	_ = 	snop  }
__scs_overlays_trampoline_lowered:
0x8: {  	[smem:$0x3FAB] =	sst s0  }
0x9: {  	[smem:$0x3FAC] =	sst s1  }
0xa: {  	[smem:$0x3FAD] =	sst s2  }
0xb: {  	[smem:$0x3FAE] =	sst s3  }
0xc: {  	[smem:$0x3FAF] =	sst s4  }
0xd: {  	[smem:$0x3FB0] =	sst s5  }
0xe: {  	[smem:$0x3FB1] =	sst s6  }
0xf: {  	[smem:$0x3FB2] =	sst s7  }
0x10: {  	[smem:$0x3FB3] =	sst s8  }
0x11: {  	[smem:$0x3FB4] =	sst s9;
	s0 =	simm.s32 @!p0 $0x0  }
0x12: {  	s1 =	sld [smem:$0x3F9A];
	s0 =	simm.s32 @p0 $0x1  }
0x13: {  	[smem:$0x3FB5] =	sst s0;
	s0 =	simm.s32 @!p1 $0x0  }
0x14: {  	s2 =	sld [smem:$0x3F99];
	s0 =	simm.s32 @p1 $0x1  }
0x15: {  	[smem:$0x3FB6] =	sst s0;
	s0 =	simm.s32 @!p2 $0x0  }
0x16: {  	s3 =	sld [smem:$0x3FDB];
	s0 =	simm.s32 @p2 $0x1  }
0x17: {  	s4 =	simm.s32 $0x1BF5;
	[smem:$0x3FB8] =	sst s0  }
0x18: {  	s0 =	sld [smem:$0x3F9B];
	_ =	swait.ge [sflag:s4], $0x0  }
0x19: {  	s7 =	sld [smem:$0x3F9C]  }
0x1a: {  	s8 =	sadd.s32 $0xFFFFE003, lr  }
0x1b: {  	s9 =	sadd.s32 $0xFFFFFEF7, lr;
	s5 =	simm.s32 $0xFFFFFFFF;
	p2 =	slt.u32 s8, $0xFFFFF086  }
0x1c: {  	p1 =	slt.u32 s9, $0xF7A;
	s5 =	simm.s32 @!p2 $0x0  }
0x1d: {  	s5 =	simm.s32 @p1 $0x1;
	p0 =	seq.s32 s7, s2  }
0x1e: {  	s7 =	smul.u32 @!p0 $0xF7A, s2;
	p2 =	seq.s32 @!p0 s5, $0x0  }
0x1f: {  	s9 =	smul.u32 $0xF7A, s1;
	s8 =	simm.s32 @!p0 $0x1BF5;
	p2 =	por !p2, p0  }
0x20: {  	[sflag:s8] =	ssyncset.s32 @!p0 $0xFFFFF086;
	s6 =	sadd.s32 @!p0 s3, s7;
	s7 =	simm.s32 @!p0 $0x108  }
0x21: {  	s3 =	sadd.s32 s3, s9;
	s6 =	sadd.s32 @!p0 $0x88, s6;
	s7 =	simm.s32 @p2 $0x1082  }
0x22: {  	[simem:s7], [sflag:s8] =	dma.local @!p0 [hbm:s6], $0xF7A  }
0x23: {  	s9 =	sor.u32 $0xD0000000, s2;
	s6 =	simm.s32 $0x108;
	_ =	swait.ge @!p0 [sflag:s8], $0x0  }
0x24: {  	s3 =	sadd.s32 $0x88, s3;
	s6 =	simm.s32 @!p1 $0x1082;
	[sflag:s4] =	ssyncset.s32 $0xFFFFF086  }
0x25: {  	[simem:s6], [sflag:s4] =	dma.local [hbm:s3], $0xF7A  }
0x26: {  	[smem:$0x3F9C] =	sst s1;
	(tag) =	ssettag s2;
	_ =	strace s9  }
0x27: {  	s1 =	sld [smem:$0x3FAC]  }
0x28: {  	s2 =	sld [smem:$0x3FAD]  }
0x29: {  	s4 =	sld [smem:$0x3FAF]  }
0x2a: {  	p0 =	seq.s32 s5, $0x0;
	s5 =	sld [smem:$0x3FB0]  }
0x2b: {  	s6 =	sld [smem:$0x3FB1]  }
0x2c: {  	s7 =	sld [smem:$0x3FB2]  }
0x2d: {  	s3 =	simm.s32 $0x108;
	s8 =	sld [smem:$0x3FB3]  }
0x2e: {  	s3 =	simm.s32 @!p0 $0x1082;
	s9 =	sld [smem:$0x3FB4]  }
0x2f: {  	lr =	sadd.s32 s0, s3;
	s0 =	sld [smem:$0x3FAB]  }
0x30: {  	s3 =	sld [smem:$0x3FAE]  }
0x31: {  	[smem:$0x3FB7] =	sst s10  }
0x32: {  	s10 =	sld [smem:$0x3FB5];
	_ =	sdelay $0x3  }
0x33: {  	p0 =	seq.s32 s10, $0x1;
	s10 =	sld [smem:$0x3FB7];
	_ =	sdelay $0x3  }
0x34: {  	[smem:$0x3FB7] =	sst s10  }
0x35: {  	s10 =	sld [smem:$0x3FB6];
	_ =	sdelay $0x3  }
0x36: {  	p1 =	seq.s32 s10, $0x1;
	s10 =	sld [smem:$0x3FB7];
	_ =	sdelay $0x3  }
0x37: {  	[smem:$0x3FB7] =	sst s10  }
0x38: {  	s10 =	sld [smem:$0x3FB8]  }
0x39: {  	_ = 	snop;
	(pc) =	sbr.ind lr, $3  }
0x3a: {  	_ = 	snop  }
0x3b: {  	_ = 	snop  }
0x3c: {  	p2 =	seq.s32 s10, $0x1;
	s10 =	sld [smem:$0x3FB7]  }
0x3d: {  	_ =	shalt  }
0x3e: {  	_ =	shalt  }
0x3f: {  	_ =	shalt  }
0x40: {  	_ =	shalt  }
0x41: {  	_ =	shalt  }
0x42: {  	_ =	shalt  }
0x43: {  	_ =	shalt  }
0x44: {  	_ =	shalt  }
0x45: {  	_ =	shalt  }
0x46: {  	_ =	shalt  }
0x47: {  	_ =	shalt  }
0x48: {  	_ =	shalt  }
0x49: {  	_ =	shalt  }
0x4a: {  	_ =	shalt  }
0x4b: {  	_ =	shalt  }
0x4c: {  	_ =	shalt  }
0x4d: {  	_ =	shalt  }
0x4e: {  	_ =	shalt  }
0x4f: {  	_ =	shalt  }
0x50: {  	_ =	shalt  }
0x51: {  	_ =	shalt  }
0x52: {  	_ =	shalt  }
0x53: {  	_ =	shalt  }
0x54: {  	_ =	shalt  }
0x55: {  	_ =	shalt  }
0x56: {  	_ =	shalt  }
0x57: {  	_ =	shalt  }
0x58: {  	_ =	shalt  }
0x59: {  	_ =	shalt  }
0x5a: {  	_ =	shalt  }
0x5b: {  	_ =	shalt  }
0x5c: {  	_ =	shalt  }
0x5d: {  	_ =	shalt  }
0x5e: {  	_ =	shalt  }
0x5f: {  	_ =	shalt  }
0x60: {  	_ =	shalt  }
0x61: {  	_ =	shalt  }
0x62: {  	_ =	shalt  }
0x63: {  	_ =	shalt  }
0x64: {  	_ =	shalt  }
0x65: {  	_ =	shalt  }
0x66: {  	_ =	shalt  }
0x67: {  	_ =	shalt  }
0x68: {  	_ =	shalt  }
0x69: {  	_ =	shalt  }
0x6a: {  	_ =	shalt  }
0x6b: {  	_ =	shalt  }
0x6c: {  	_ =	shalt  }
0x6d: {  	_ =	shalt  }
0x6e: {  	_ =	shalt  }
0x6f: {  	_ =	shalt  }
0x70: {  	_ =	shalt  }
0x71: {  	_ =	shalt  }
0x72: {  	_ =	shalt  }
0x73: {  	_ =	shalt  }
0x74: {  	_ =	shalt  }
0x75: {  	_ =	shalt  }
0x76: {  	_ =	shalt  }
0x77: {  	_ =	shalt  }
0x78: {  	_ =	shalt  }
0x79: {  	_ =	shalt  }
0x7a: {  	_ =	shalt  }
0x7b: {  	_ =	shalt  }
0x7c: {  	_ =	shalt  }
0x7d: {  	_ =	shalt  }
0x7e: {  	_ =	shalt  }
0x7f: {  	_ =	shalt  }
0x80: {  	_ =	shalt  }
0x81: {  	_ =	shalt  }
0x82: {  	_ =	shalt  }
0x83: {  	_ =	shalt  }
0x84: {  	_ =	shalt  }
0x85: {  	_ =	shalt  }
0x86: {  	_ =	shalt  }
0x87: {  	_ =	shalt  }
.Lfunc_end0:
.L_simem_size_0:
called_computation.1_lowered:
.L_overlay_start_0:
0x88: {  	s2 =	sld [smem:$0x3FD9]  }
0x89: {  	s3 =	sld [smem:$0x3FFE];
	_ =	sdelay $0x1  }
0x8a: {  	s1 =	srdreg.scid  }
0x8b: {  	s0 =	sand.u32 $0x1, s1  }
0x8c: {  	s17 =	sshll.u32 s0, $0xA;
	s2 =	sadd.s32 s3, s2  }
0x8d: {  	s2 =	sadd.s32 s2, s17  }
0x8e: {  	[smem:$0x3FC3] =	sst s2  }
0x8f: {  	_ = 	snop  }
0x90: {  	s2 =	sld [smem:$0x3FC7]  }
0x91: {  	s18 =	sld [smem:$0x3FD0];
	(tm) =	ssettm $0x1  }
0x92: {  	s4 =	sld [smem:$0x3FFB];
	_ =	sdelay $0x3  }
0x93: {  	_ =	strace s4  }
0x94: {  	s4 =	sld [smem:$0x3FFC];
	_ =	sdelay $0x3  }
0x95: {  	_ =	strace s4  }
0x96: {  	s4 =	sld [smem:$0x3FFD];
	_ =	sdelay $0x3  }
0x97: {  	_ =	strace s4  }
0x98: {  	_ =	strace $0x8FFFFFFF  }
0x99: {  	s19 =	sld [smem:$0x3FDB];
	_ =	sdelay $0x1  }
0x9a: {  	s5 =	simm.s32 $_scs_section_size  }
0x9b: {  	s6 =	simm.s32 $_size__tile_overlayer_lowered;
	s7 =	simm.s32 $_tile_overlayer_lowered  }
0x9c: {  	s22 =	simm.s32 $0x1BFF;
	s21 =	sshll.u32 s7, $0x1;
	s4 =	sadd.s32 s5, s19  }
0x9d: {  	s8 =	simm.s32 $0x0;
	s20 =	sshll.u32 s6, $0x1;
	s6 =	sadd.s32 s21, s4  }
0x9e: {  	[timem:s8], [sflag:s22] =	dma.local [hbm:s6], s20  }
0x9f: {  	_ =	swait.ge [sflag:s22], s20  }
0xa0: {  	s5 =	ssub.s32 $0x0, s20;
	[sflag:s22] =	ssyncset.done $0x0  }
0xa1: {  	[sflag:s22] =	ssyncadd.s32 s5;
	_ =	sdelay $0x1  }
0xa2: {  	s23 =	simm.s32 $0x1B8B  }
0xa3: {  	_ =	swait.ge [sflag:s23], $0x1  }
0xa4: {  	[sflag:s23] =	ssyncset.done $0x0  }
0xa5: {  	s25 =	simm.s32 $0x1B8E;
	s24 =	sld [smem:$0x3FFE];
	[sflag:s23] =	ssyncadd.s32 $0xFFFFFFFF  }
0xa6: {  	s26 =	simm.s32 $execute0_lowered;
	[smem:$0x3FD2] =	sst s25  }
0xa7: {  	s6 =	sshll.u32 s26, $0x1;
	_ =	strace $0x80000049;
	[dreg:$0x1] =	wrdreg $0xFFFFFFFF  }
0xa8: {  	s28 =	simm.s32 $_size_execute0_lowered;
	s4 =	sadd.s32 s4, s6;
	[dreg:$0x0] =	wrdreg $0x0  }
0xa9: {  	s6 =	sshll.u32 s28, $0x1;
	[dreg:$0x2] =	wrdreg s4  }
0xaa: {  	[dreg:$0x3] =	wrdreg s6  }
0xab: {  	[dreg:$0x4] =	wrdreg $0xC0  }
0xac: {  	_ =	task [dreg:s8], $0x5FFFF  }
0xad: {  	[dreg:$0x1] =	wrdreg $0xFFFFFFFF  }
0xae: {  	[dreg:$0x0] =	wrdreg $0x60  }
0xaf: {  	[dreg:$0x2] =	wrdreg s24  }
0xb0: {  	[dreg:$0x3] =	wrdreg s2  }
0xb1: {  	[dreg:$0x4] =	wrdreg s18  }
0xb2: {  	[dreg:$0x5] =	wrdreg $0x5DC00  }
0xb3: {  	[dreg:$0x6] =	wrdreg $0x9  }
0xb4: {  	_ =	task.clear_ibuf [dreg:s8], $0x7FFFF;
	_ =	strace $0x90000049  }
0xb5: {  	s29 =	simm.s32 $0x9;
	_ =	strace $0x8000004B  }
0xb6: {  	_ =	swait.ge [sflag:s29], $0x1  }
0xb7: {  	[sflag:s29] =	ssyncadd.s32 $0xFFFFFFFF  }
0xb8: {  	_ =	strace $0x9000004B  }
0xb9: {  	_ =	sfence  }
0xba: {  	s30 =	sld [smem:$0x0];
	_ =	sdelay $0x2  }
0xbb: {  	s31 =	sshll.u32 s1, $0xD;
	s1 =	sshrl.u32 s1, $0x2  }
0xbc: {  	s3 =	sand.u32 $0x4000, s31;
	s1 =	sadd.s32 s1, s30  }
0xbd: {  	s0 =	sor.u32 s3, s0;
	s1 =	sshll.u32 s1, $0x11  }
0xbe: {  	s0 =	sor.u32 s1, s0  }
0xbf: {  	s0 =	sadd.s32 $0x8F2B, s0  }
0xc0: {  	[sflag:s0] =	ssyncadd.remote.s32 $0x1  }
0xc1: {  	_ =	sfence.sel $0xFFFF  }
0xc2: {  	[dreg:$0x0] =	wrdreg $0xFFFFFFFF;
	(pc) =	sbr.abs _section_cstart, $3  }
0xc3: {  	[dreg:$0x1] =	wrdreg $0xFFFFFFFF  }
0xc4: {  	_ =	task.clear_ibuf [dreg:s8], $0x2FFFF;
	_ =	strace $0x9FFFFFFF  }
0xc5: {  	(tm) =	ssettm $0x7FFFFFFF  }
tec
execute0_lowered:
.L_overlay_start_1:
0x0: {  	(tag) =	ssettag $0x1  }
0x1: {  	s0 =	rddreg [dreg:$0x0]  }
0x2: {  	s2 =	rddreg [dreg:$0x1]  }
0x3: {  	s6 =	rddreg [dreg:$0x2]  }
0x4: {  	s1 =	rddreg [dreg:$0x3];
	s3 =	simm.s32 $0x0  }
0x5: {  	s5 =	srdreg.scid;
	s12 =	stileid.u32;
	s15 =	simm.s32 $0x3E80  }
0x6: {  	s16 =	simm.s32 $0x3;
	s17 =	simm.s32 $0x190;
	s18 =	simm.s32 $0xAF0  }
0x7: {  	s19 =	simm.s32 $0x2580;
	s22 =	simm.s32 $0x1;
	s28 =	simm.s32 $0x4B0  }
0x8: {  	s29 =	simm.s32 $0x7D0;
	s30 =	simm.s32 $0x4;
	s8 =	smul.u32 $0x186A0, s12  }
0x9: {  	s31 =	simm.s32 $0x4650;
	s7 =	sand.u32 $0x1, s5;
	s5 =	smul.u32 $0x186A, s12  }
0xa: {  	[smem:$0x7FF] =	sst s3;
	s9 =	sadd.s32 $0x588800, s0;
	s24 =	smul.u32 $0x61A80, s12  }
0xb: {  	s4 =	sadd.s32 $0x600, s0;
	s0 =	sadd.s32 $0x557A00, s0;
	s25 =	smul.u32 $0x30D4, s12  }
0xc: {  	_ =	strace $0x8000004A;
	s10 =	ssub.s32 $0x2, s7;
	s26 =	sshll.u32 s7, $0x2  }
0xd: {  	p0 =	seq.s32 s7, $0x0;
	s11 =	sshrl.u32 s10, $0x1;
	s8 =	sshrl.u32 s8, $0x3  }
0xe: {  	s12 =	sadd.s32 s25, s2;
	s14 =	sadd.s32 s25, s9;
	s23 =	sadd.s32 s9, s8  }
0xf: {  	s10 =	ssub.s32 s10, s11;
	s13 =	sadd.s32 s0, s8;
	[dreg:$0x5] =	wrdreg s23  }
0x10: {  	s8 =	sadd.s32 s2, s8;
	s11 =	sshrl.u32 s24, $0x2;
	[dreg:$0x6] =	wrdreg s13  }
0x11: {  	s24 =	simm.s32 $0x2;
	s2 =	simm.s32 $0x40;
	[dreg:$0x7] =	wrdreg s8  }
0x12: {  	s10 =	smax.u32 s10, $0x1;
	s11 =	sadd.s32 s11, s1;
	s13 =	sadd.s32 s25, s0  }
0x13: {  	s23 =	simm.s32 $0x4;
	s25 =	simm.s32 $0x960;
	s0 =	simm.s32 $0x20  }
0x14: {  	v1 =	vimm.bf16 $0.0e+00;
	s8 =	simm.s32 $0x0;
	[dreg:$0x8] =	wrdreg s10;
	s10 =	sadd.s32 s26, s6  }
0x15: {  	v2 =	vimm.s32 $0x0;
	v3 =	vimm.s32 $0x186A0;
	v0 =	vmov s7;
	s23 =	simm.s32 @!p0 $0x3;
	s26 =	simm.s32 $0xC80;
	s6 =	simm.s32 $0x4E20  }
.LBB2_1:
0x16: {  	[dreg:$0x9] =	wrdreg s8;
	s7 =	simm.s32 $0x0  }
.LBB2_2:
0x17: {  	p0 =	sne.s32 s7, $0x1F00  }
.Ltmp0:
0x18: {  	_ = 	snop;
	(pc) =	sbr.rel @p0 .LBB2_2-.Ltmp0, $3  }
0x19: {  	_ =	sdelay $0x1  }
0x1a: {  	s8 =	sshra.s32 s7, $0x2  }
0x1b: {  	s7 =	sadd.s32 $0x40, s7;
	[tilespmem:s8+$0x3E80] =	vst v1  }
0x1c: {  	s7 =	sadd.s32 $0x0, s11  }
0x1d: {  	[spmem:s7] =	stream.linear.scatter [tilespmem:s15], [sflag:$0x3], $0x7D0, $0x38;
	[tilespmem:$0x1E468] =	vst v63  }
0x1e: {  	s7 =	simm.s32 $0x1F40;
	_ =	swait.ge [sflag:s16], $0x7D0  }
.LBB2_4:
0x1f: {  	s8 =	sshra.s32 s7, $0x2;
	[sflag:s16] =	ssyncset.done $0x0;
	p0 =	sne.s32 s7, $0x5FB40  }
.Ltmp1:
0x20: {  	s8 =	sadd.s32 s8, s11;
	[sflag:s16] =	ssyncadd.s32 $0xFFFFF830;
	(pc) =	sbr.rel @p0 .LBB2_4-.Ltmp1, $3  }
0x21: {  	[spmem:s8] =	stream.linear.scatter [tilespmem:s15], [sflag:$0x3], $0x7D0, $0x38;
	[tilespmem:$0x1E468] =	vst v63  }
0x22: {  	s7 =	sadd.s32 $0x1F40, s7;
	_ =	sdelay $0x1  }
0x23: {  	_ =	swait.ge [sflag:s16], $0x7D0  }
0x24: {  	[sflag:s16] =	ssyncset.done $0x0  }
0x25: {  	[sflag:s16] =	ssyncadd.s32 $0xFFFFF830  }
0x26: {  	[bflag:$0x0] =	sbarrier.arrive $0xFFFF  }
0x27: {  	[tilespmem:$0xAF0] =	vst v2  }
0x28: {  	[tilespmem:$0x190] =	vst v3  }
0x29: {  	[tilespmem:$0xB00] =	vst v2  }
0x2a: {  	[tilespmem:$0x1A0] =	vst v3  }
0x2b: {  	[tilespmem:$0xB10] =	vst v2  }
0x2c: {  	[tilespmem:$0x1B0] =	vst v3  }
0x2d: {  	[tilespmem:$0xB20] =	vst v2  }
0x2e: {  	[tilespmem:$0x1C0] =	vst v3  }
0x2f: {  	[tilespmem:$0xB30] =	vst v2  }
0x30: {  	[tilespmem:$0x1D0] =	vst v3  }
0x31: {  	[tilespmem:$0xB40] =	vst v2  }
0x32: {  	[tilespmem:$0x1E0] =	vst v3  }
0x33: {  	[tilespmem:$0xB50] =	vst v2  }
0x34: {  	[tilespmem:$0x1F0] =	vst v3  }
0x35: {  	[tilespmem:$0xB60] =	vst v2  }
0x36: {  	[tilespmem:$0x200] =	vst v3  }
0x37: {  	[tilespmem:$0xB70] =	vst v2  }
0x38: {  	[tilespmem:$0x210] =	vst v3  }
0x39: {  	[tilespmem:$0xB80] =	vst v2  }
0x3a: {  	[tilespmem:$0x220] =	vst v3  }
0x3b: {  	[tilespmem:$0xB90] =	vst v2  }
0x3c: {  	[tilespmem:$0x230] =	vst v3  }
0x3d: {  	[tilespmem:$0xBA0] =	vst v2  }
0x3e: {  	[tilespmem:$0x240] =	vst v3  }
0x3f: {  	[tilespmem:$0xBB0] =	vst v2  }
0x40: {  	[tilespmem:$0x250] =	vst v3  }
0x41: {  	[tilespmem:$0xBC0] =	vst v2  }
0x42: {  	[tilespmem:$0x260] =	vst v3  }
0x43: {  	[tilespmem:$0xBD0] =	vst v2  }
0x44: {  	[tilespmem:$0x270] =	vst v3  }
0x45: {  	[tilespmem:$0xBE0] =	vst v2  }
0x46: {  	[tilespmem:$0x280] =	vst v3  }
0x47: {  	[tilespmem:$0xBF0] =	vst v2  }
0x48: {  	[tilespmem:$0x290] =	vst v3  }
0x49: {  	[tilespmem:$0xC00] =	vst v2  }
0x4a: {  	[tilespmem:$0x2A0] =	vst v3  }
0x4b: {  	[tilespmem:$0xC10] =	vst v2  }
0x4c: {  	[tilespmem:$0x2B0] =	vst v3  }
0x4d: {  	[tilespmem:$0xC20] =	vst v2  }
0x4e: {  	[tilespmem:$0x2C0] =	vst v3  }
0x4f: {  	[tilespmem:$0xC30] =	vst v2  }
0x50: {  	[tilespmem:$0x2D0] =	vst v3  }
0x51: {  	[tilespmem:$0xC40] =	vst v2  }
0x52: {  	[tilespmem:$0x2E0] =	vst v3  }
0x53: {  	[tilespmem:$0xC50] =	vst v2  }
0x54: {  	[tilespmem:$0x2F0] =	vst v3  }
0x55: {  	[tilespmem:$0xC60] =	vst v2  }
0x56: {  	[tilespmem:$0x300] =	vst v3  }
0x57: {  	[tilespmem:$0xC70] =	vst v2  }
0x58: {  	[tilespmem:$0x310] =	vst v3  }
0x59: {  	[tilespmem:s19], [sflag:$0x2] =	stream.indirect.gather [hbm4b:s4+s17], $0x10, s18, s17, $0xb8;
	[tilespmem:$0x1E468] =	vst v63  }
0x5a: {  	s8 =	simm.s32 $0x0;
	s7 =	rddreg [dreg:$0x5]  }
0x5b: {  	[tilespmem:s8], [sflag:$0x1] =	stream.linear.gather [hbm4b:s7+s8], $0x190, $0x38;
	[tilespmem:$0x1E468] =	vst v63  }
0x5c: {  	s9 =	simm.s32 $0x320;
	s21 =	rddreg [dreg:$0x6]  }
0x5d: {  	[tilespmem:s9], [sflag:$0x1] =	stream.linear.gather [hbm4b:s21+s8], $0x190, $0x38;
	[tilespmem:$0x1E468] =	vst v63  }
0x5e: {  	s20 =	rddreg [dreg:$0x7];
	s21 =	simm.s32 $0x640  }
0x5f: {  	[tilespmem:s21], [sflag:$0x1] =	stream.linear.gather [hbm4b:s20+s8], $0x190, $0x38;
	[tilespmem:$0x1E468] =	vst v63  }
.LBB2_6:
0x60: {  	_ =	swait.ge [sflag:s22], $0x190  }
0x61: {  	[sflag:s22] =	ssyncset.done $0x0  }
0x62: {  	[sflag:s22] =	ssyncadd.s32 $0xFFFFFE70  }
0x63: {  	_ =	swait.ge [sflag:s22], $0x190  }
0x64: {  	[sflag:s22] =	ssyncset.done $0x0  }
0x65: {  	[sflag:s22] =	ssyncadd.s32 $0xFFFFFE70  }
0x66: {  	_ =	swait.ge [sflag:s22], $0x190  }
0x67: {  	[sflag:s22] =	ssyncset.done $0x0  }
0x68: {  	[sflag:s22] =	ssyncadd.s32 $0xFFFFFE70  }
0x69: {  	v4 =	vld [tilespmem:$0x320]  }
0x6a: {  	v5 =	vld [tilespmem:$0x640]  }
0x6b: {  	v7 =	vld [tilespmem:$0x650]  }
0x6c: {  	v8 =	vld [tilespmem:$0x340]  }
0x6d: {  	v9 =	vld [tilespmem:$0x660]  }
0x6e: {  	v10 =	vld [tilespmem:$0x350]  }
0x6f: {  	v11 =	vld [tilespmem:$0x670]  }
0x70: {  	v12 =	vld [tilespmem:$0x360]  }
0x71: {  	v13 =	vld [tilespmem:$0x680]  }
0x72: {  	v14 =	vld [tilespmem:$0x370]  }
0x73: {  	v15 =	vld [tilespmem:$0x690]  }
0x74: {  	v16 =	vld [tilespmem:$0x380]  }
0x75: {  	v17 =	vld [tilespmem:$0x6A0]  }
0x76: {  	v18 =	vld [tilespmem:$0x390]  }
0x77: {  	v19 =	vld [tilespmem:$0x6B0]  }
0x78: {  	v20 =	vld [tilespmem:$0x3A0]  }
0x79: {  	v21 =	vld [tilespmem:$0x6C0]  }
0x7a: {  	v22 =	vld [tilespmem:$0x3B0]  }
0x7b: {  	v23 =	vld [tilespmem:$0x6D0]  }
0x7c: {  	v24 =	vld [tilespmem:$0x3C0]  }
0x7d: {  	v25 =	vld [tilespmem:$0x6E0]  }
0x7e: {  	v26 =	vld [tilespmem:$0x3D0]  }
0x7f: {  	v27 =	vld [tilespmem:$0x3E0];
	v4 =	vmul.u32 $0xE, v4  }
0x80: {  	v52 =	vld [tilespmem:$0x700];
	v5 =	vshll.u32 v5, $0x1;
	v7 =	vshll.u32 v7, $0x1;
	v8 =	vmul.u32 $0xE, v8  }
0x81: {  	v54 =	vld [tilespmem:$0x3F0];
	v50 =	vshll.u32 v9, $0x1;
	v51 =	vmul.u32 $0xE, v10;
	v53 =	vshll.u32 v11, $0x1  }
0x82: {  	v61 =	vld [tilespmem:$0x410];
	v55 =	vmul.u32 $0xE, v12;
	v13 =	vshll.u32 v13, $0x1;
	v14 =	vmul.u32 $0xE, v14  }
0x83: {  	v42 =	vld [tilespmem:$0x440];
	v57 =	vshll.u32 v15, $0x1;
	v58 =	vmul.u32 $0xE, v16;
	v60 =	vshll.u32 v17, $0x1  }
0x84: {  	v44 =	vld [tilespmem:$0x760];
	v62 =	vmul.u32 $0xE, v18;
	v19 =	vshll.u32 v19, $0x1;
	v20 =	vmul.u32 $0xE, v20  }
0x85: {  	v6 =	vld [tilespmem:$0x330];
	v32 =	vshll.u32 v21, $0x1;
	v33 =	vmul.u32 $0xE, v22;
	v35 =	vshll.u32 v23, $0x1  }
0x86: {  	v49 =	vld [tilespmem:$0x6F0];
	v38 =	vmul.u32 $0xE, v24;
	v40 =	vshll.u32 v25, $0x1;
	v41 =	vmul.u32 $0xE, v26  }
0x87: {  	v63 =	vld [tilespmem:$0x730];
	v43 =	vmul.u32 $0xE, v27;
	v10 =	vshll.u32 v52, $0x1;
	v46 =	vmul.u32 $0xE, v54  }
0x88: {  	v29 =	vld [tilespmem:$0x420];
	v52 =	vmul.u32 $0xE, v61;
	v22 =	vmul.u32 $0xE, v42;
	v4 =	vadd.s32 v4, v5  }
0x89: {  	v56 =	vld [tilespmem:$0x710];
	v24 =	vshll.u32 v44, $0x1;
	v9 =	vadd.s32 v55, v13;
	v4 =	vor.u32 v0, v4  }
0x8a: {  	v34 =	vld [tilespmem:$0x740];
	v5 =	vmul.u32 $0xE, v6;
	v13 =	vadd.s32 v14, v57;
	v9 =	vor.u32 v0, v9;
	[tilespmem:$0x960] =	vst v4  }
0x8b: {  	v39 =	vld [tilespmem:$0x750];
	v14 =	vadd.s32 v58, v60;
	v6 =	vshll.u32 v49, $0x1;
	v13 =	vor.u32 v0, v13;
	[tilespmem:$0x9A0] =	vst v9  }
0x8c: {  	v45 =	vld [tilespmem:$0x450];
	v55 =	vshll.u32 v63, $0x1;
	v26 =	vadd.s32 v22, v24;
	v14 =	vor.u32 v0, v14;
	[tilespmem:$0x9B0] =	vst v13  }
0x8d: {  	v47 =	vld [tilespmem:$0x770];
	v58 =	vmul.u32 $0xE, v29;
	v6 =	vadd.s32 v41, v6;
	v29 =	vor.u32 v0, v26;
	[tilespmem:$0x9C0] =	vst v14  }
0x8e: {  	v28 =	vld [tilespmem:$0x400];
	v48 =	vshll.u32 v56, $0x1;
	v57 =	vadd.s32 v52, v55;
	v6 =	vor.u32 v0, v6;
	[tilespmem:$0xA80] =	vst v29  }
0x8f: {  	v59 =	vld [tilespmem:$0x720];
	v61 =	vshll.u32 v34, $0x1;
	v5 =	vadd.s32 v5, v7;
	v60 =	vor.u32 v0, v57;
	[tilespmem:$0xA10] =	vst v6  }
0x90: {  	v36 =	vld [tilespmem:$0x430];
	v21 =	vshll.u32 v39, $0x1;
	v7 =	vadd.s32 v8, v50;
	v5 =	vor.u32 v0, v5;
	[tilespmem:$0xA50] =	vst v60  }
0x91: {  	v56 =	vld [tilespmem:$0x470];
	v27 =	vmul.u32 $0xE, v45;
	v8 =	vadd.s32 v51, v53;
	v7 =	vor.u32 v0, v7;
	[tilespmem:$0x970] =	vst v5  }
0x92: {  	v23 =	vld [tilespmem:$0x7A0];
	v30 =	vshll.u32 v47, $0x1;
	v4 =	vadd.s32 v62, v19;
	v8 =	vor.u32 v0, v8;
	[tilespmem:$0x980] =	vst v7  }
0x93: {  	v25 =	vld [tilespmem:$0x490];
	v37 =	vadd.s32 v33, v35;
	v49 =	vmul.u32 $0xE, v28;
	v4 =	vor.u32 v0, v4;
	[tilespmem:$0x990] =	vst v8  }
0x94: {  	v63 =	vld [tilespmem:$0x480];
	v9 =	vadd.s32 v43, v10;
	v51 =	vshll.u32 v59, $0x1;
	v7 =	vor.u32 v0, v37;
	[tilespmem:$0x9D0] =	vst v4  }
0x95: {  	v50 =	vld [tilespmem:$0x460];
	v62 =	vmul.u32 $0xE, v36;
	v5 =	vadd.s32 v20, v32;
	v4 =	vor.u32 v0, v9;
	[tilespmem:$0x9F0] =	vst v7  }
0x96: {  	v53 =	vld [tilespmem:$0x780];
	v54 =	vadd.s32 v49, v51;
	v8 =	vadd.s32 v38, v40;
	v5 =	vor.u32 v0, v5;
	[tilespmem:$0xA20] =	vst v4  }
0x97: {  	v59 =	vld [tilespmem:$0x790];
	v34 =	vmul.u32 $0xE, v56;
	v39 =	vshll.u32 v23, $0x1;
	v8 =	vor.u32 v0, v8;
	[tilespmem:$0x9E0] =	vst v5  }
0x98: {  	v28 =	vld [tilespmem:$0x7B0];
	v40 =	vmul.u32 $0xE, v25;
	v7 =	vor.u32 v0, v54;
	v5 =	vadd.s32 v46, v48;
	[tilespmem:$0xA00] =	vst v8  }
0x99: {  	v32 =	vld [tilespmem:$0x4A0];
	v4 =	vadd.s32 v58, v61;
	v38 =	vmul.u32 $0xE, v63;
	[tilespmem:$0xA40] =	vst v7;
	v5 =	vor.u32 v0, v5  }
0x9a: {  	v35 =	vld [tilespmem:$0x7C0];
	v4 =	vor.u32 v0, v4;
	v31 =	vmul.u32 $0xE, v50;
	[tilespmem:$0xA30] =	vst v5;
	v5 =	vadd.s32 v62, v21  }
0x9b: {  	[tilespmem:$0xA60] =	vst v4;
	v4 =	vadd.s32 v27, v30;
	v33 =	vshll.u32 v53, $0x1;
	v5 =	vor.u32 v0, v5  }
0x9c: {  	v36 =	vshll.u32 v59, $0x1;
	v4 =	vor.u32 v0, v4;
	[tilespmem:$0xA70] =	vst v5;
	v5 =	vadd.s32 v31, v33  }
0x9d: {  	v41 =	vshll.u32 v28, $0x1;
	v37 =	vadd.s32 v34, v36;
	[tilespmem:$0xA90] =	vst v4;
	v5 =	vor.u32 v0, v5  }
0x9e: {  	v4 =	vor.u32 v0, v37;
	v42 =	vmul.u32 $0xE, v32;
	[tilespmem:$0xAA0] =	vst v5;
	v5 =	vadd.s32 v38, v39  }
0x9f: {  	v43 =	vshll.u32 v35, $0x1;
	[tilespmem:$0xAB0] =	vst v4;
	v4 =	vor.u32 v0, v5;
	v5 =	vadd.s32 v40, v41  }
0xa0: {  	[tilespmem:$0xAC0] =	vst v4;
	v4 =	vor.u32 v0, v5;
	v5 =	vadd.s32 v42, v43  }
0xa1: {  	[tilespmem:$0xAD0] =	vst v4;
	v4 =	vor.u32 v0, v5  }
0xa2: {  	[tilespmem:$0xAE0] =	vst v4  }
0xa3: {  	_ =	swait.ge [sflag:s24], $0x1900  }
0xa4: {  	[sflag:s24] =	ssyncset.done $0x0  }
0xa5: {  	[sflag:s24] =	ssyncadd.s32 $0xFFFFE700  }
0xa6: {  	[tilespmem:s26], [sflag:$0x2] =	stream.indirect.gather [hbm4b:s4+s17], $0x10, s25, s17, $0xb8;
	[tilespmem:$0x1E468] =	vst v63  }
0xa7: {  	_ = 	snop  }
0xa8: {  	[spmem:s1] =	stream.indirect.scatter.add.bf16 [tilespmem:s19], [sflag:$0x3], $0x10, s17, s17, $0xb8;
	[tilespmem:$0x1E468] =	vst v63  }
0xa9: {  	_ =	swait.ge [sflag:s16], $0x1900  }
0xaa: {  	s9 =	sadd.s32 s8, s14;
	[sflag:s16] =	ssyncset.done $0x0  }
0xab: {  	s7 =	sadd.s32 $0x32, s9;
	[sflag:s16] =	ssyncadd.s32 $0xFFFFE700  }
0xac: {  	[tilespmem:s17], [sflag:$0x1] =	stream.linear.gather [hbm4b:s7+s3], $0x190, $0x38;
	[tilespmem:$0x1E468] =	vst v63  }
0xad: {  	s7 =	sadd.s32 s8, s13  }
0xae: {  	s20 =	sadd.s32 $0x32, s7  }
0xaf: {  	[tilespmem:s28], [sflag:$0x1] =	stream.linear.gather [hbm4b:s20+s3], $0x190, $0x38;
	[tilespmem:$0x1E468] =	vst v63  }
0xb0: {  	s20 =	sadd.s32 s8, s12  }
0xb1: {  	s21 =	sadd.s32 $0x32, s20  }
0xb2: {  	[tilespmem:s29], [sflag:$0x1] =	stream.linear.gather [hbm4b:s21+s3], $0x190, $0x38;
	[tilespmem:$0x1E468] =	vst v63  }
0xb3: {  	_ =	swait.ge [sflag:s22], $0x190  }
0xb4: {  	[sflag:s22] =	ssyncset.done $0x0  }
0xb5: {  	[sflag:s22] =	ssyncadd.s32 $0xFFFFFE70  }
0xb6: {  	_ =	swait.ge [sflag:s22], $0x190  }
0xb7: {  	[sflag:s22] =	ssyncset.done $0x0  }
0xb8: {  	[sflag:s22] =	ssyncadd.s32 $0xFFFFFE70  }
0xb9: {  	_ =	swait.ge [sflag:s22], $0x190  }
0xba: {  	[sflag:s22] =	ssyncset.done $0x0  }
0xbb: {  	[sflag:s22] =	ssyncadd.s32 $0xFFFFFE70  }
0xbc: {  	v4 =	vld [tilespmem:$0x4B0]  }
0xbd: {  	v5 =	vld [tilespmem:$0x7D0]  }
0xbe: {  	v44 =	vld [tilespmem:$0x4C0]  }
0xbf: {  	v45 =	vld [tilespmem:$0x7E0]  }
0xc0: {  	v46 =	vld [tilespmem:$0x4D0]  }
0xc1: {  	v47 =	vld [tilespmem:$0x7F0]  }
0xc2: {  	v48 =	vld [tilespmem:$0x4E0]  }
0xc3: {  	v49 =	vld [tilespmem:$0x800]  }
0xc4: {  	v50 =	vld [tilespmem:$0x4F0]  }
0xc5: {  	v51 =	vld [tilespmem:$0x810]  }
0xc6: {  	v52 =	vld [tilespmem:$0x500]  }
0xc7: {  	v53 =	vld [tilespmem:$0x820]  }
0xc8: {  	v55 =	vld [tilespmem:$0x830]  }
0xc9: {  	v56 =	vld [tilespmem:$0x520]  }
0xca: {  	v57 =	vld [tilespmem:$0x840]  }
0xcb: {  	v58 =	vld [tilespmem:$0x530]  }
0xcc: {  	v59 =	vld [tilespmem:$0x850]  }
0xcd: {  	v60 =	vld [tilespmem:$0x540]  }
0xce: {  	v62 =	vld [tilespmem:$0x550]  }
0xcf: {  	v63 =	vld [tilespmem:$0x870]  }
0xd0: {  	v32 =	vld [tilespmem:$0x560]  }
0xd1: {  	v33 =	vld [tilespmem:$0x880]  }
0xd2: {  	v34 =	vld [tilespmem:$0x570];
	v4 =	vmul.u32 $0xE, v4  }
0xd3: {  	v37 =	vld [tilespmem:$0x890];
	v5 =	vshll.u32 v5, $0x1;
	v7 =	vshll.u32 v45, $0x1;
	v8 =	vmul.u32 $0xE, v46  }
0xd4: {  	v39 =	vld [tilespmem:$0x580];
	v35 =	vshll.u32 v47, $0x1;
	v36 =	vmul.u32 $0xE, v48;
	v38 =	vshll.u32 v49, $0x1  }
0xd5: {  	v41 =	vld [tilespmem:$0x8A0];
	v40 =	vmul.u32 $0xE, v50;
	v13 =	vshll.u32 v51, $0x1;
	v14 =	vmul.u32 $0xE, v52  }
0xd6: {  	v42 =	vld [tilespmem:$0x590];
	v43 =	vshll.u32 v53, $0x1;
	v46 =	vshll.u32 v55, $0x1;
	v48 =	vmul.u32 $0xE, v56  }
0xd7: {  	v54 =	vld [tilespmem:$0x510];
	v19 =	vshll.u32 v57, $0x1;
	v20 =	vmul.u32 $0xE, v58;
	v51 =	vshll.u32 v59, $0x1  }
0xd8: {  	v61 =	vld [tilespmem:$0x860];
	v52 =	vmul.u32 $0xE, v60;
	v57 =	vmul.u32 $0xE, v62;
	v59 =	vshll.u32 v63, $0x1  }
0xd9: {  	v22 =	vld [tilespmem:$0x5E0];
	v60 =	vmul.u32 $0xE, v32;
	v6 =	vshll.u32 v33, $0x1;
	v62 =	vmul.u32 $0xE, v34  }
0xda: {  	v45 =	vld [tilespmem:$0x8B0];
	v10 =	vshll.u32 v37, $0x1;
	v24 =	vmul.u32 $0xE, v39;
	v26 =	vshll.u32 v41, $0x1  }
0xdb: {  	v47 =	vld [tilespmem:$0x5A0];
	v27 =	vmul.u32 $0xE, v42;
	v4 =	vadd.s32 v4, v5;
	v5 =	vmul.u32 $0xE, v44  }
0xdc: {  	v49 =	vld [tilespmem:$0x8C0];
	v9 =	vadd.s32 v40, v13;
	v44 =	vmul.u32 $0xE, v54;
	v4 =	vor.u32 v0, v4  }
0xdd: {  	v50 =	vld [tilespmem:$0x5B0];
	v13 =	vadd.s32 v14, v43;
	v54 =	vshll.u32 v61, $0x1;
	v9 =	vor.u32 v0, v9;
	[tilespmem:$0xAF0] =	vst v4  }
0xde: {  	v53 =	vld [tilespmem:$0x8D0];
	v6 =	vadd.s32 v60, v6;
	v13 =	vor.u32 v0, v13;
	v56 =	vadd.s32 v52, v54;
	[tilespmem:$0xB30] =	vst v9  }
0xdf: {  	v55 =	vld [tilespmem:$0x5C0];
	v6 =	vor.u32 v0, v6;
	v5 =	vadd.s32 v5, v7;
	v7 =	vadd.s32 v8, v35;
	[tilespmem:$0xB40] =	vst v13  }
0xe0: {  	v58 =	vld [tilespmem:$0x8E0];
	v8 =	vadd.s32 v36, v38;
	v14 =	vadd.s32 v44, v46;
	[tilespmem:$0xBA0] =	vst v6;
	v5 =	vor.u32 v0, v5  }
0xe1: {  	v63 =	vld [tilespmem:$0x8F0];
	v4 =	vadd.s32 v48, v19;
	v9 =	vadd.s32 v62, v10;
	v7 =	vor.u32 v0, v7;
	[tilespmem:$0xB00] =	vst v5  }
0xe2: {  	v25 =	vld [tilespmem:$0x900];
	v13 =	vmul.u32 $0xE, v22;
	v8 =	vor.u32 v0, v8;
	v14 =	vor.u32 v0, v14;
	[tilespmem:$0xB10] =	vst v7  }
0xe3: {  	v28 =	vld [tilespmem:$0x5F0];
	v4 =	vor.u32 v0, v4;
	v30 =	vshll.u32 v45, $0x1;
	v31 =	vmul.u32 $0xE, v47;
	[tilespmem:$0xB20] =	vst v8  }
0xe4: {  	v32 =	vld [tilespmem:$0x910];
	v34 =	vshll.u32 v49, $0x1;
	v37 =	vmul.u32 $0xE, v50;
	v40 =	vshll.u32 v53, $0x1;
	[tilespmem:$0xB50] =	vst v14  }
0xe5: {  	v42 =	vld [tilespmem:$0x610];
	v41 =	vmul.u32 $0xE, v55;
	v43 =	vshll.u32 v58, $0x1;
	v7 =	vor.u32 v0, v56;
	[tilespmem:$0xB60] =	vst v4  }
0xe6: {  	v61 =	vld [tilespmem:$0x5D0];
	v46 =	vshll.u32 v63, $0x1;
	v5 =	vadd.s32 v20, v51;
	v4 =	vor.u32 v0, v9;
	[tilespmem:$0xB80] =	vst v7  }
0xe7: {  	v54 =	vld [tilespmem:$0x630];
	v49 =	vshll.u32 v25, $0x1;
	v8 =	vadd.s32 v57, v59;
	v5 =	vor.u32 v0, v5;
	[tilespmem:$0xBB0] =	vst v4  }
0xe8: {  	v35 =	vld [tilespmem:$0x600];
	v50 =	vmul.u32 $0xE, v28;
	v33 =	vadd.s32 v27, v30;
	v8 =	vor.u32 v0, v8;
	[tilespmem:$0xB70] =	vst v5  }
0xe9: {  	v38 =	vld [tilespmem:$0x920];
	v53 =	vshll.u32 v32, $0x1;
	v52 =	vadd.s32 v13, v49;
	v7 =	vor.u32 v0, v33;
	[tilespmem:$0xB90] =	vst v8  }
0xea: {  	v45 =	vld [tilespmem:$0x930];
	v36 =	vadd.s32 v31, v34;
	v4 =	vadd.s32 v37, v40;
	v6 =	vor.u32 v0, v52;
	[tilespmem:$0xBD0] =	vst v7  }
0xeb: {  	v47 =	vld [tilespmem:$0x620];
	v44 =	vmul.u32 $0xE, v61;
	v5 =	vadd.s32 v24, v26;
	v39 =	vor.u32 v0, v36;
	[tilespmem:$0xC20] =	vst v6  }
0xec: {  	v58 =	vmul.u32 $0xE, v42;
	v51 =	vld [tilespmem:$0x940];
	v4 =	vor.u32 v0, v4;
	v5 =	vor.u32 v0, v5;
	[tilespmem:$0xBE0] =	vst v39  }
0xed: {  	v56 =	vld [tilespmem:$0x950];
	v62 =	vmul.u32 $0xE, v54;
	v48 =	vadd.s32 v44, v46;
	[tilespmem:$0xBC0] =	vst v5;
	v5 =	vadd.s32 v41, v43  }
0xee: {  	[tilespmem:$0xBF0] =	vst v4;
	v55 =	vmul.u32 $0xE, v35;
	v57 =	vshll.u32 v38, $0x1;
	v4 =	vor.u32 v0, v5  }
0xef: {  	v59 =	vshll.u32 v45, $0x1;
	v5 =	vadd.s32 v50, v53;
	[tilespmem:$0xC00] =	vst v4;
	v4 =	vor.u32 v0, v48  }
0xf0: {  	v61 =	vmul.u32 $0xE, v47;
	v5 =	vor.u32 v0, v5;
	[tilespmem:$0xC10] =	vst v4;
	v4 =	vadd.s32 v55, v57  }
0xf1: {  	v60 =	vadd.s32 v58, v59;
	[tilespmem:$0xC30] =	vst v5;
	v5 =	vshll.u32 v51, $0x1;
	v4 =	vor.u32 v0, v4  }
0xf2: {  	v63 =	vshll.u32 v56, $0x1;
	[tilespmem:$0xC40] =	vst v4;
	v4 =	vadd.s32 v61, v5;
	v5 =	vor.u32 v0, v60  }
0xf3: {  	[tilespmem:$0xC50] =	vst v5;
	v5 =	vadd.s32 v62, v63;
	v4 =	vor.u32 v0, v4  }
0xf4: {  	[tilespmem:$0xC60] =	vst v4;
	v4 =	vor.u32 v0, v5  }
0xf5: {  	[tilespmem:$0xC70] =	vst v4  }
0xf6: {  	_ =	swait.ge [sflag:s24], $0x1900  }
0xf7: {  	[sflag:s24] =	ssyncset.done $0x0  }
0xf8: {  	p0 =	seq.s32 s8, $0x3070;
	[sflag:s24] =	ssyncadd.s32 $0xFFFFE700  }
0xf9: {  	[tilespmem:s19], [sflag:$0x2] =	stream.indirect.gather [hbm4b:s4+s17], $0x10, s18, s17, $0xb8;
	[tilespmem:$0x1E468] =	vst v63  }
.Ltmp2:
0xfa: {  	_ = 	snop;
	(pc) =	sbr.rel @p0 .LBB2_8-.Ltmp2, $4  }
0xfb: {  	[spmem:s1] =	stream.indirect.scatter.add.bf16 [tilespmem:s26], [sflag:$0x3], $0x10, s3, s17, $0xb8;
	[tilespmem:$0x1E468] =	vst v63  }
0xfc: {  	_ =	swait.ge [sflag:s16], $0x1900  }
0xfd: {  	[sflag:s16] =	ssyncset.done $0x0  }
0xfe: {  	[sflag:s16] =	ssyncadd.s32 $0xFFFFE700  }
0xff: {  	s9 =	sadd.s32 $0x64, s9  }
0x100: {  	[tilespmem:s3], [sflag:$0x1] =	stream.linear.gather [hbm4b:s9+s3], $0x190, $0x38;
	[tilespmem:$0x1E468] =	vst v63  }
.Ltmp3:
0x101: {  	_ = 	snop;
	(pc) =	sbr.rel .LBB2_6-.Ltmp3, $4  }
0x102: {  	s7 =	sadd.s32 $0x64, s7;
	s21 =	simm.s32 $0x320  }
0x103: {  	[tilespmem:s21], [sflag:$0x1] =	stream.linear.gather [hbm4b:s7+s3], $0x190, $0x38;
	[tilespmem:$0x1E468] =	vst v63  }
0x104: {  	s20 =	sadd.s32 $0x64, s20;
	s8 =	sadd.s32 $0x64, s8;
	s21 =	simm.s32 $0x640  }
0x105: {  	[tilespmem:s21], [sflag:$0x1] =	stream.linear.gather [hbm4b:s20+s3], $0x190, $0x38;
	[tilespmem:$0x1E468] =	vst v63  }
.LBB2_8:
0x106: {  	_ =	swait.ge [sflag:s24], $0x1900  }
0x107: {  	[sflag:s24] =	ssyncset.done $0x0  }
0x108: {  	[sflag:s24] =	ssyncadd.s32 $0xFFFFE700  }
0x109: {  	[spmem:s1] =	stream.indirect.scatter.add.bf16 [tilespmem:s19], [sflag:$0x3], $0x10, s17, s17, $0xb8;
	[tilespmem:$0x1E468] =	vst v63  }
0x10a: {  	_ =	swait.ge [sflag:s16], $0x1900  }
0x10b: {  	[sflag:s16] =	ssyncset.done $0x0  }
0x10c: {  	[sflag:s16] =	ssyncadd.s32 $0xFFFFE700  }
0x10d: {  	s7 =	simm.s32 $0x0;
	[bflag:$0x0] =	sbarrier.arrive $0xFFFF  }
.LBB2_9:
0x10e: {  	s8 =	smul.u32 $0x7D, s7;
	_ =	sdelay $0x1  }
0x10f: {  	s8 =	sadd.s32 s5, s8  }
0x110: {  	s9 =	sshll.u32 s8, $0x4  }
0x111: {  	s9 =	sand.u32 $0x3FFFFFF0, s9  }
0x112: {  	s9 =	sadd.s32 s9, s1  }
0x113: {  	[tilespmem:s31], [sflag:$0x4] =	stream.linear.gather [spmem:s9], $0x7D0, $0x38;
	[tilespmem:$0x1E468] =	vst v63  }
0x114: {  	_ =	swait.ge [sflag:s30], $0x7D0  }
0x115: {  	[sflag:s30] =	ssyncset.done $0x0  }
0x116: {  	s21 =	simm.s32 $0x0;
	[sflag:s30] =	ssyncadd.s32 $0xFFFFF830  }
0x117: {  	v4 =	vld [tilespmem:s21+$0x4650];
	_ =	sdelay $0x4  }
0x118: {  	s9 =	simm.s32 $0x4E30;
	v5 =	vunpack.i.l.bf16.f32 v4  }
0x119: {  	v4 =	vunpack.i.u.bf16.f32 v4;
	[tilespmem:s9+$0xFFFFFFF0] =	vst v5  }
0x11a: {  	s20 =	simm.s32 $0x80;
	s21 =	simm.s32 $0x10;
	[tilespmem:s9+$0x0] =	vst v4  }
.LBB2_10:
0x11b: {  	p0 =	sne.s32 s20, $0x1F00;
	v4 =	vld [tilespmem:s21+$0x4650];
	_ =	sdelay $0x2  }
.Ltmp4:
0x11c: {  	(pc) =	sbr.rel @p0 .LBB2_10-.Ltmp4, $4  }
0x11d: {  	_ = 	snop  }
0x11e: {  	s9 =	sadd.s32 $0x20, s9;
	v5 =	vunpack.i.u.bf16.f32 v4;
	v4 =	vunpack.i.l.bf16.f32 v4  }
0x11f: {  	[tilespmem:s9+$0xFFFFFFF0] =	vst v4  }
0x120: {  	s21 =	sshra.s32 s20, $0x2;
	s20 =	sadd.s32 $0x40, s20;
	[tilespmem:s9+$0x0] =	vst v5  }
0x121: {  	v4 =	vld [tilespmem:s21+$0x4650];
	_ =	sdelay $0x4  }
0x122: {  	s9 =	sadd.s32 $0x20, s9;
	s7 =	sadd.s32 $0x1, s7;
	v5 =	vunpack.i.l.bf16.f32 v4  }
0x123: {  	s8 =	sshll.u32 s8, $0x3;
	p0 =	sne.s32 s7, $0x32;
	v4 =	vunpack.i.u.bf16.f32 v4;
	[tilespmem:s9+$0xFFFFFFF0] =	vst v5  }
.Ltmp5:
0x124: {  	s8 =	sadd.s32 s10, s8;
	[tilespmem:s9+$0x0] =	vst v4;
	(pc) =	sbr.rel @p0 .LBB2_9-.Ltmp5, $4  }
0x125: {  	[hbm4b:s8+s0] =	stream.strided.scatter [tilespmem:s6], [sflag:s23], $0xFA0, s2, s0, $0x38;
	[tilespmem:$0x1E468] =	vst v63  }
0x126: {  	_ =	swait.ge [sflag:s23], $0xFA0  }
0x127: {  	[sflag:s23] =	ssyncset.done $0x0  }
0x128: {  	[sflag:s23] =	ssyncadd.s32 $0xFFFFF060  }
0x129: {  	s8 =	rddreg [dreg:$0x9]  }
0x12a: {  	s7 =	rddreg [dreg:$0x8];
	s8 =	sadd.s32 $0x1, s8  }
0x12b: {  	p0 =	sne.s32 s8, s7  }
.Ltmp6:
0x12c: {  	_ = 	snop;
	(pc) =	sbr.rel @p0 .LBB2_1-.Ltmp6, $1  }
0x12d: {  	_ =	sdelay $0x3  }
0x12e: {  	_ =	sfence.sel $0x180000  }
0x12f: {  	[bflag:$0x0] =	sbarrier.arrive $0xFFFF  }
0x130: {  	_ =	strace $0x9000004A  }
0x131: {  	s0 =	stileid.u32;
	[bflag:$0x2] =	sbarrier.arrive $0xFFFF  }
0x132: {  	p0 =	sne.s32 s0, $0x0;
	s0 =	rddreg [dreg:$0x4]  }
0x133: {  	s0 =	sadd.s32 @!p0 $0x100000, s0  }
0x134: {  	[sflag:s0] =	ssyncadd.tile.s32 @!p0 $0x1;
	_ =	shalt  }
.Lfunc_end2:
_tile_overlayer_lowered:
.L_overlay_start_2:
0x135: {  	(tag) =	ssettag $0x2  }
0x136: {  	s0 =	rddreg [dreg:$0x0];
	s2 =	stileid.u32  }
0x137: {  	s1 =	rddreg [dreg:$0x1];
	p0 =	sne.s32 s2, $0x0  }
0x138: {  	s3 =	rddreg [dreg:$0x2];
	[bflag:$0x3] =	sbarrier.arrive $0xFFFF;
	s2 =	simm.s32 @!p0 $0x1C03  }
0x139: {  	[timem:s3], [sflag:s2] =	dma.local @!p0 [hbm:s0], s1  }
0x13a: {  	s0 =	simm.s32 @!p0 $0x3  }
0x13b: {  	_ =	swait.ge @!p0 [sflag:s0], s1  }
0x13c: {  	s1 =	ssub.s32 @!p0 $0x0, s1;
	[sflag:s0] =	ssyncset.done @!p0 $0x0  }
0x13d: {  	[sflag:s0] =	ssyncadd.s32 @!p0 s1  }
0x13e: {  	[bflag:$0x3] =	sbarrier.arrive $0xFFFF  }
0x13f: {  	_ =	shalt  }

// kernel: sparse-core-data-format-call.cloned.1.call-start
scs
called_computation_lowered:
.L_overlay_start_0:
0x0: {  	s1 =	sld [smem:$0x3FD9]  }
0x1: {  	s2 =	sld [smem:$0x3FFE];
	_ =	sdelay $0x1  }
0x2: {  	s3 =	srdreg.scid  }
0x3: {  	s0 =	sand.u32 $0x1, s3  }
0x4: {  	s17 =	sshll.u32 s0, $0xA;
	s1 =	sadd.s32 s2, s1  }
0x5: {  	s1 =	sadd.s32 s1, s17  }
0x6: {  	[smem:$0x3FC3] =	sst s1  }
0x7: {  	_ = 	snop  }
0x8: {  	(tm) =	ssettm $0x1  }
0x9: {  	s18 =	sld [smem:$0x3FFB];
	_ =	sdelay $0x3  }
0xa: {  	_ =	strace s18  }
0xb: {  	s1 =	sld [smem:$0x3FFC];
	_ =	sdelay $0x3  }
0xc: {  	_ =	strace s1  }
0xd: {  	s1 =	sld [smem:$0x3FFD];
	_ =	sdelay $0x3  }
0xe: {  	_ =	strace s1  }
0xf: {  	_ =	strace $0x8FFFFFFF  }
0x10: {  	s19 =	sld [smem:$0x3FDB];
	_ =	sdelay $0x1  }
0x11: {  	s20 =	simm.s32 $_scs_section_size  }
0x12: {  	s4 =	simm.s32 $_size__tile_overlayer_lowered;
	s5 =	simm.s32 $_tile_overlayer_lowered  }
0x13: {  	s23 =	simm.s32 $0x1BFF;
	s22 =	sshll.u32 s5, $0x1;
	s1 =	sadd.s32 s20, s19  }
0x14: {  	s6 =	simm.s32 $0x0;
	s21 =	sshll.u32 s4, $0x1;
	s4 =	sadd.s32 s22, s1  }
0x15: {  	[timem:s6], [sflag:s23] =	dma.local [hbm:s4], s21  }
0x16: {  	_ =	swait.ge [sflag:s23], s21  }
0x17: {  	s2 =	ssub.s32 $0x0, s21;
	[sflag:s23] =	ssyncset.done $0x0  }
0x18: {  	[sflag:s23] =	ssyncadd.s32 s2;
	_ =	sdelay $0x1  }
0x19: {  	s24 =	simm.s32 $0x1B8B  }
0x1a: {  	_ =	swait.ge [sflag:s24], $0x1  }
0x1b: {  	[sflag:s24] =	ssyncset.done $0x0  }
0x1c: {  	s26 =	simm.s32 $0x1B8E;
	s25 =	sld [smem:$0x3FFE];
	[sflag:s24] =	ssyncadd.s32 $0xFFFFFFFF  }
0x1d: {  	s27 =	simm.s32 $execute0_lowered;
	[smem:$0x3FD2] =	sst s26  }
0x1e: {  	s4 =	sshll.u32 s27, $0x1;
	_ =	strace $0x80000046;
	[dreg:$0x1] =	wrdreg $0xFFFFFFFF  }
0x1f: {  	s28 =	simm.s32 $_size_execute0_lowered;
	s1 =	sadd.s32 s1, s4;
	[dreg:$0x0] =	wrdreg $0x0  }
0x20: {  	s4 =	sshll.u32 s28, $0x1;
	[dreg:$0x2] =	wrdreg s1  }
0x21: {  	[dreg:$0x3] =	wrdreg s4  }
0x22: {  	[dreg:$0x4] =	wrdreg $0xC0  }
0x23: {  	_ =	task [dreg:s6], $0x5FFFF  }
0x24: {  	[dreg:$0x1] =	wrdreg $0xFFFFFFFF  }
0x25: {  	[dreg:$0x0] =	wrdreg $0x60  }
0x26: {  	[dreg:$0x2] =	wrdreg s25  }
0x27: {  	[dreg:$0x3] =	wrdreg $0x9  }
0x28: {  	_ =	task.clear_ibuf [dreg:s6], $0x4FFFF;
	_ =	strace $0x90000046  }
0x29: {  	s29 =	simm.s32 $0x9;
	_ =	strace $0x80000048  }
0x2a: {  	_ =	swait.ge [sflag:s29], $0x1  }
0x2b: {  	[sflag:s29] =	ssyncadd.s32 $0xFFFFFFFF  }
0x2c: {  	_ =	strace $0x90000048  }
0x2d: {  	_ =	sfence  }
0x2e: {  	s30 =	sld [smem:$0x0];
	_ =	sdelay $0x2  }
0x2f: {  	s31 =	sshll.u32 s3, $0xD;
	s3 =	sshrl.u32 s3, $0x2  }
0x30: {  	s2 =	sand.u32 $0x4000, s31;
	s1 =	sadd.s32 s3, s30  }
0x31: {  	s0 =	sor.u32 s2, s0;
	s1 =	sshll.u32 s1, $0x11  }
0x32: {  	s0 =	sor.u32 s1, s0  }
0x33: {  	s0 =	sadd.s32 $0x8F2B, s0  }
0x34: {  	[sflag:s0] =	ssyncadd.remote.s32 $0x1  }
0x35: {  	_ =	sfence.sel $0xFFFF  }
0x36: {  	[dreg:$0x0] =	wrdreg $0xFFFFFFFF;
	(pc) =	sbr.abs _section_cstart, $3  }
0x37: {  	[dreg:$0x1] =	wrdreg $0xFFFFFFFF  }
0x38: {  	_ =	task.clear_ibuf [dreg:s6], $0x2FFFF;
	_ =	strace $0x9FFFFFFF  }
0x39: {  	(tm) =	ssettm $0x7FFFFFFF  }
tec
execute0_lowered:
.L_overlay_start_1:
0x0: {  	(tag) =	ssettag $0x1  }
0x1: {  	s0 =	srdreg.scid  }
0x2: {  	s5 =	rddreg [dreg:$0x0];
	s1 =	stileid.u32;
	s4 =	simm.s32 $0x1  }
0x3: {  	s6 =	simm.s32 $0x2;
	s8 =	simm.s32 $0x0;
	s2 =	sshll.u32 s0, $0x4  }
0x4: {  	s9 =	simm.s32 $0x0;
	s13 =	simm.s32 $0x0;
	s2 =	sand.u32 $0x10, s2  }
.Ltmp0:
0x5: {  	s10 =	simm.s32 $0x0;
	s3 =	sor.u32 s1, s2;
	(pc) =	sbr.rel .LBB1_1-.Ltmp0, $4  }
0x6: {  	s0 =	rddreg [dreg:$0x1];
	_ =	strace $0x80000047;
	s3 =	sshll.u32 s3, $0x4  }
0x7: {  	s12 =	simm.s32 $0x0;
	[sflag:s4] =	ssyncpa.u1 $0x0;
	s7 =	ssub.s32 $0x5570, s3  }
0x8: {  	s2 =	sadd.s32 $0x2AC000, s5;
	[sflag:s6] =	ssyncpa.u1 $0x0;
	s6 =	sshrl.u32 s7, $0x9  }
0x9: {  	s5 =	sadd.s32 $0x600, s5;
	s11 =	smov.u32 s3;
	s7 =	sadd.s32 $0x2, s6  }
.LBB1_7:
0xa: {  	s15 =	sshll.u32 s12, $0xF  }
0xb: {  	s15 =	sand.u32 $0x8000, s15  }
0xc: {  	s16 =	sshll.u32 s10, $0x7;
	s15 =	sshrl.u32 s15, $0x1  }
0xd: {  	s16 =	sadd.s32 s5, s16;
	s15 =	sor.u32 $0x8000, s15  }
0xe: {  	[hbm4b:s16+s8] =	stream.linear.scatter [tilespmem:s15], [sflag:$0x2], s14, $0x38;
	[tilespmem:$0x10000] =	vst v63  }
.LBB1_8:
0xf: {  	p0 =	slt.u32 s12, $0x2  }
0x10: {  	p1 =	sgt.s32 @!p0 s13, $0x5563  }
0x11: {  	s14 =	smov.u32 s13;
	s15 =	sshra.s32 @!p0 s13, $0x1F;
	p1 =	por !p1, p0  }
0x12: {  	s13 =	sand.u32 @!p0 s15, s13;
	s14 =	simm.s32 @p1 $0x5563  }
0x13: {  	s13 =	ssub.s32 @!p0 s14, s13  }
0x14: {  	s13 =	sadd.s32 @!p0 $0xFFFFAA9D, s13  }
0x15: {  	s14 =	sshll.u32 @!p0 s13, $0xC  }
0x16: {  	p1 =	sgt.s32 @!p0 s13, $0xF;
	s13 =	ssub.s32 @!p0 $0x10000, s14  }
0x17: {  	s15 =	sadd.s32 $0x200, s11;
	p1 =	por !p1, p0;
	s13 =	sshrl.u32 @!p0 s13, $0x2  }
0x18: {  	s13 =	simm.s32 @!p1 $0x0;
	p1 =	sgt.s32 s15, $0x5572  }
0x19: {  	s15 =	smov.u32 @p1 s3;
	p1 =	sne.s32 s12, s7  }
.Ltmp1:
0x1a: {  	_ = 	snop;
	(pc) =	sbr.rel @!p1 .LBB1_9-.Ltmp1, $4  }
0x1b: {  	s14 =	simm.s32 @!p0 $0x2  }
0x1c: {  	s9 =	sadd.s32 $0x8000, s9;
	_ =	swait.ge @!p0 [sflag:s14], s13;
	s16 =	ssub.s32 @!p0 $0x0, s13  }
0x1d: {  	s13 =	smov.u32 s10;
	s12 =	sadd.s32 $0x1, s12;
	[sflag:s14] =	ssyncset.done @!p0 $0x0  }
0x1e: {  	s10 =	smov.u32 s11;
	s11 =	smov.u32 s15;
	[sflag:s14] =	ssyncadd.s32 @!p0 s16  }
.LBB1_1:
0x1f: {  	p0 =	sgt.u32 s12, s6  }
0x20: {  	p1 =	sgt.s32 @!p0 s11, $0x5563  }
0x21: {  	s14 =	smov.u32 s11;
	s15 =	sshra.s32 @!p0 s11, $0x1F;
	p1 =	por !p1, p0  }
0x22: {  	s15 =	sand.u32 @!p0 s15, s11;
	s14 =	simm.s32 @p1 $0x5563  }
0x23: {  	s14 =	ssub.s32 @!p0 s14, s15  }
0x24: {  	s14 =	sadd.s32 @!p0 $0xFFFFAA9D, s14  }
0x25: {  	s16 =	sshll.u32 @!p0 s11, $0x7;
	s17 =	simm.s32 @!p0 $0x0;
	s15 =	sshll.u32 @!p0 s14, $0xC  }
0x26: {  	p1 =	sgt.s32 @!p0 s14, $0xF;
	s14 =	ssub.s32 @!p0 $0x10000, s15;
	s15 =	sxor.u32 @!p0 $0xFFFFFFFF, s12  }
0x27: {  	p1 =	por !p1, p0;
	s14 =	sshrl.u32 @!p0 s14, $0x2;
	s15 =	sshll.u32 @!p0 s15, $0xE  }
0x28: {  	s16 =	sadd.s32 @!p0 s2, s16;
	s14 =	simm.s32 @!p1 $0x0;
	s15 =	sand.u32 @!p0 $0x4000, s15  }
0x29: {  	[tilespmem:s15], [sflag:$0x1] =	stream.linear.gather @!p0 [hbm4b:s16+s17], s14, $0x38;
	[tilespmem:$0x10000] =	vst v63  }
0x2a: {  	p0 =	seq.s32 s12, $0x0  }
0x2b: {  	p1 =	sge.u32 @!p0 s12, s7  }
0x2c: {  	p0 =	por p0, p1  }
.Ltmp2:
0x2d: {  	_ = 	snop;
	(pc) =	sbr.rel @p0 .LBB1_8-.Ltmp2, $1  }
0x2e: {  	_ =	sdelay $0x3  }
0x2f: {  	p0 =	sgt.s32 s10, $0x5563;
	s14 =	smov.u32 s10;
	s15 =	sshra.s32 s10, $0x1F  }
0x30: {  	s14 =	simm.s32 @!p0 $0x5563;
	s15 =	sand.u32 s15, s10  }
0x31: {  	s14 =	ssub.s32 s14, s15  }
0x32: {  	s16 =	sadd.s32 $0x10, s10;
	s14 =	sadd.s32 $0xFFFFAA9D, s14  }
0x33: {  	p1 =	slt.s32 s16, $0x5573;
	s30 =	sshll.u32 s14, $0xC  }
0x34: {  	s16 =	simm.s32 @!p1 $0x5573;
	s15 =	ssub.s32 $0x10000, s30  }
0x35: {  	p0 =	sgt.s32 s14, $0xF;
	s14 =	sshrl.u32 s15, $0x2;
	s15 =	ssub.s32 s16, s10  }
0x36: {  	s14 =	simm.s32 @p0 $0x0;
	p0 =	slt.s32 s15, $0x1  }
.Ltmp3:
0x37: {  	_ = 	snop;
	(pc) =	sbr.rel @p0 .LBB1_7-.Ltmp3, $4  }
0x38: {  	_ = 	snop  }
0x39: {  	_ =	swait.ge [sflag:s4], s14  }
0x3a: {  	s31 =	ssub.s32 $0x0, s14;
	[sflag:s4] =	ssyncset.done $0x0  }
0x3b: {  	[sflag:s4] =	ssyncadd.s32 s31  }
0x3c: {  	s16 =	sshrl.u32 s9, $0x1  }
0x3d: {  	s17 =	sand.u32 $0x4000, s16  }
0x3e: {  	s18 =	simm.s32 $0x0;
	s16 =	sor.u32 $0x200, s17;
	s17 =	sor.u32 $0x8080, s17  }
.LBB1_4:
0x3f: {  	v0 =	vld [tilespmem:s16+$0xFFFFFE70]  }
0x40: {  	v1 =	vld [tilespmem:s16+$0x70]  }
0x41: {  	v2 =	vld [tilespmem:s16+$0x0]  }
0x42: {  	v3 =	vld [tilespmem:s16+$0xFFFFFE10]  }
0x43: {  	v4 =	vld [tilespmem:s16+$0x10]  }
0x44: {  	v5 =	vld [tilespmem:s16+$0xFFFFFE20]  }
0x45: {  	v7 =	vld [tilespmem:s16+$0x20]  }
0x46: {  	v11 =	vld [tilespmem:s16+$0x30];
	v6 =	vunpack.i.l.s16.s32 v0;
	v8 =	vunpack.i.u.s16.s32 v0;
	v9 =	vunpack.i.u.s16.s32 v1  }
0x47: {  	v10 =	vunpack.i.l.s16.s32 v1;
	v0 =	vunpack.i.u.s16.s32 v2;
	v1 =	vunpack.i.l.s16.s32 v2;
	v2 =	vld [tilespmem:s16+$0xFFFFFE30]  }
0x48: {  	v8 =	vpack.i.b32.b16 v9, v8;
	v9 =	vunpack.i.u.s16.s32 v3;
	v3 =	vunpack.i.l.s16.s32 v3  }
0x49: {  	v12 =	vld [tilespmem:s16+$0xFFFFFE40];
	v6 =	vpack.i.b32.b16 v10, v6;
	[tilespmem:s17+$0x70] =	vst v8;
	v8 =	vunpack.i.u.s16.s32 v4;
	v4 =	vunpack.i.l.s16.s32 v4  }
0x4a: {  	v13 =	vld [tilespmem:s16+$0x40];
	v10 =	vunpack.i.u.s16.s32 v5;
	v5 =	vunpack.i.l.s16.s32 v5;
	[tilespmem:s17+$0xFFFFFFF0] =	vst v6;
	v3 =	vpack.i.b32.b16 v4, v3  }
0x4b: {  	v6 =	vunpack.i.l.s16.s32 v7;
	v4 =	vld [tilespmem:s16+$0xFFFFFE50];
	[tilespmem:s17+$0xFFFFFF90] =	vst v3;
	v3 =	vpack.i.b32.b16 v8, v9;
	v8 =	vunpack.i.u.s16.s32 v7  }
0x4c: {  	v7 =	vunpack.i.l.s16.s32 v11;
	[tilespmem:s17+$0x10] =	vst v3;
	v3 =	vpack.i.b32.b16 v6, v5;
	v9 =	vunpack.i.u.s16.s32 v2;
	v6 =	vld [tilespmem:s16+$0x50]  }
0x4d: {  	v5 =	vunpack.i.l.s16.s32 v2;
	v2 =	vld [tilespmem:s16+$0xFFFFFE60];
	[tilespmem:s17+$0xFFFFFFA0] =	vst v3;
	v3 =	vpack.i.b32.b16 v8, v10;
	v10 =	vunpack.i.u.s16.s32 v11  }
0x4e: {  	s21 =	simm.s32 $0x0;
	v11 =	vpack.i.b32.b16 v7, v5;
	v7 =	vunpack.i.u.s16.s32 v12;
	v8 =	vunpack.i.l.s16.s32 v12;
	[tilespmem:s17+$0x20] =	vst v3;
	v3 =	vld [tilespmem:s16+$0x60]  }
0x4f: {  	s22 =	sadd.s32 $0x80, s16;
	s20 =	smov.u32 s17;
	s19 =	smov.u32 s17;
	v5 =	vld [tilespmem:s16+$0xFFFFFE00];
	[tilespmem:s17+$0xFFFFFFB0] =	vst v11;
	v10 =	vpack.i.b32.b16 v10, v9;
	v9 =	vunpack.i.u.s16.s32 v13;
	v11 =	vunpack.i.l.s16.s32 v13  }
.LBB1_5:
0x50: {  	v12 =	vld [tilespmem:s22+$0xFFFFFE70];
	[tilespmem:s20+$0x30] =	vst v10;
	v8 =	vpack.i.b32.b16 v11, v8;
	v10 =	vunpack.i.u.s16.s32 v4;
	v4 =	vunpack.i.l.s16.s32 v4  }
0x51: {  	s21 =	sadd.s32 $0x2, s21;
	v7 =	vpack.i.b32.b16 v9, v7;
	v11 =	vld [tilespmem:s22+$0x70];
	[tilespmem:s20+$0xFFFFFFC0] =	vst v8;
	v8 =	vunpack.i.u.s16.s32 v6;
	v6 =	vunpack.i.l.s16.s32 v6  }
0x52: {  	p0 =	slt.u32 s21, $0x6;
	v9 =	vld [tilespmem:s22+$0x0];
	[tilespmem:s20+$0x40] =	vst v7;
	v4 =	vpack.i.b32.b16 v6, v4;
	v6 =	vunpack.i.u.s16.s32 v2;
	v2 =	vunpack.i.l.s16.s32 v2  }
0x53: {  	v7 =	vld [tilespmem:s22+$0xFFFFFE10];
	[tilespmem:s20+$0xFFFFFFD0] =	vst v4;
	v4 =	vpack.i.b32.b16 v8, v10;
	v8 =	vunpack.i.u.s16.s32 v3;
	v3 =	vunpack.i.l.s16.s32 v3  }
0x54: {  	v10 =	vld [tilespmem:s22+$0x10];
	v13 =	vunpack.i.u.s16.s32 v5;
	v5 =	vunpack.i.l.s16.s32 v5;
	[tilespmem:s20+$0x50] =	vst v4;
	v2 =	vpack.i.b32.b16 v3, v2  }
0x55: {  	v3 =	vld [tilespmem:s22+$0xFFFFFE20];
	v4 =	vunpack.i.l.s16.s32 v12;
	v1 =	vpack.i.b32.b16 v1, v5;
	v5 =	vpack.i.b32.b16 v0, v13;
	[tilespmem:s20+$0xFFFFFFE0] =	vst v2  }
0x56: {  	v12 =	vunpack.i.u.s16.s32 v12;
	v2 =	vld [tilespmem:s22+$0x20];
	v13 =	vunpack.i.u.s16.s32 v11;
	v11 =	vunpack.i.l.s16.s32 v11;
	[tilespmem:s20+$0xFFFFFF80] =	vst v1  }
0x57: {  	s20 =	sadd.s32 $0x100, s20;
	v0 =	vunpack.i.u.s16.s32 v9;
	v1 =	vunpack.i.l.s16.s32 v9;
	v9 =	vld [tilespmem:s22+$0xFFFFFE30];
	v12 =	vpack.i.b32.b16 v13, v12;
	[tilespmem:s19+$0x0] =	vst v5  }
0x58: {  	v6 =	vpack.i.b32.b16 v8, v6;
	v5 =	vunpack.i.u.s16.s32 v7;
	v7 =	vunpack.i.l.s16.s32 v7;
	v13 =	vld [tilespmem:s22+$0x30];
	[tilespmem:s20+$0x70] =	vst v12  }
0x59: {  	v4 =	vpack.i.b32.b16 v11, v4;
	v8 =	vunpack.i.u.s16.s32 v10;
	v10 =	vunpack.i.l.s16.s32 v10;
	v12 =	vld [tilespmem:s22+$0xFFFFFE40];
	[tilespmem:s19+$0x60] =	vst v6;
	s19 =	smov.u32 s20  }
0x5a: {  	v6 =	vpack.i.b32.b16 v10, v7;
	v7 =	vunpack.i.u.s16.s32 v3;
	v3 =	vunpack.i.l.s16.s32 v3;
	v11 =	vld [tilespmem:s22+$0x40];
	[tilespmem:s20+$0xFFFFFFF0] =	vst v4  }
.Ltmp4:
0x5b: {  	v5 =	vpack.i.b32.b16 v8, v5;
	[tilespmem:s20+$0xFFFFFF90] =	vst v6;
	v8 =	vunpack.i.u.s16.s32 v2;
	v2 =	vunpack.i.l.s16.s32 v2;
	v4 =	vld [tilespmem:s22+$0xFFFFFE50];
	(pc) =	sbr.rel @p0 .LBB1_5-.Ltmp4, $4  }
0x5c: {  	[tilespmem:s20+$0x10] =	vst v5;
	v2 =	vpack.i.b32.b16 v2, v3;
	v10 =	vunpack.i.u.s16.s32 v9;
	v3 =	vunpack.i.l.s16.s32 v9;
	v6 =	vld [tilespmem:s22+$0x50]  }
0x5d: {  	v5 =	vpack.i.b32.b16 v8, v7;
	[tilespmem:s20+$0xFFFFFFA0] =	vst v2;
	v9 =	vunpack.i.u.s16.s32 v13;
	v7 =	vunpack.i.l.s16.s32 v13;
	v2 =	vld [tilespmem:s22+$0xFFFFFE60]  }
0x5e: {  	[tilespmem:s20+$0x20] =	vst v5;
	v13 =	vpack.i.b32.b16 v7, v3;
	v7 =	vunpack.i.u.s16.s32 v12;
	v8 =	vunpack.i.l.s16.s32 v12;
	v3 =	vld [tilespmem:s22+$0x60]  }
0x5f: {  	v10 =	vpack.i.b32.b16 v9, v10;
	v5 =	vld [tilespmem:s22+$0xFFFFFE00];
	[tilespmem:s20+$0xFFFFFFB0] =	vst v13;
	v9 =	vunpack.i.u.s16.s32 v11;
	v11 =	vunpack.i.l.s16.s32 v11;
	s22 =	sadd.s32 $0x80, s22  }
0x60: {  	[tilespmem:s20+$0x30] =	vst v10;
	v8 =	vpack.i.b32.b16 v11, v8  }
0x61: {  	v51 =	vunpack.i.l.s16.s32 v4;
	v7 =	vpack.i.b32.b16 v9, v7;
	[tilespmem:s20+$0xFFFFFFC0] =	vst v8;
	v52 =	vunpack.i.l.s16.s32 v6  }
0x62: {  	v53 =	vunpack.i.u.s16.s32 v4;
	s18 =	sadd.s32 $0x1, s18;
	v54 =	vunpack.i.u.s16.s32 v6;
	[tilespmem:s20+$0x40] =	vst v7;
	v55 =	vpack.i.b32.b16 v52, v51  }
0x63: {  	p0 =	sne.s32 s18, s15;
	v56 =	vunpack.i.l.s16.s32 v2;
	v4 =	vpack.i.b32.b16 v54, v53;
	[tilespmem:s20+$0xFFFFFFD0] =	vst v55;
	v57 =	vunpack.i.l.s16.s32 v3  }
.Ltmp5:
0x64: {  	[tilespmem:s20+$0x50] =	vst v4;
	v58 =	vunpack.i.l.s16.s32 v5;
	v59 =	vpack.i.b32.b16 v57, v56;
	(pc) =	sbr.rel @p0 .LBB1_4-.Ltmp5, $4  }
.Ltmp6:
0x65: {  	v61 =	vunpack.i.u.s16.s32 v2;
	v62 =	vunpack.i.u.s16.s32 v3;
	v1 =	vpack.i.b32.b16 v1, v58;
	[tilespmem:s20+$0xFFFFFFE0] =	vst v59;
	(pc) =	sbr.rel @!p0 .LBB1_7-.Ltmp6, $4  }
0x66: {  	v60 =	vunpack.i.u.s16.s32 v5;
	v63 =	vpack.i.b32.b16 v62, v61;
	[tilespmem:s20+$0xFFFFFF80] =	vst v1  }
0x67: {  	v0 =	vpack.i.b32.b16 v0, v60;
	[tilespmem:s19+$0x60] =	vst v63  }
0x68: {  	s16 =	sadd.s32 $0x400, s16;
	s17 =	sadd.s32 $0x400, s17;
	[tilespmem:s19+$0x0] =	vst v0  }
0x69: {  	_ = 	snop  }
.LBB1_9:
0x6a: {  	_ =	sfence.sel $0x180000  }
0x6b: {  	s2 =	simm.s32 $0x1;
	[bflag:$0x0] =	sbarrier.arrive $0xFFFF  }
0x6c: {  	s31 =	simm.s32 $0x2;
	[sflag:s2] =	ssyncpa.u1 $0x1  }
0x6d: {  	[sflag:s31] =	ssyncpa.u1 $0x1  }
0x6e: {  	p0 =	sne.s32 s1, $0x0;
	_ =	strace $0x90000047  }
0x6f: {  	s0 =	sadd.s32 @!p0 $0x100000, s0;
	[bflag:$0x2] =	sbarrier.arrive $0xFFFF  }
0x70: {  	[sflag:s0] =	ssyncadd.tile.s32 @!p0 $0x1;
	_ =	shalt  }
.Lfunc_end1:
_tile_overlayer_lowered:
.L_overlay_start_2:
0x71: {  	(tag) =	ssettag $0x2  }
0x72: {  	s0 =	rddreg [dreg:$0x0];
	s2 =	stileid.u32  }
0x73: {  	s1 =	rddreg [dreg:$0x1];
	p0 =	sne.s32 s2, $0x0  }
0x74: {  	s3 =	rddreg [dreg:$0x2];
	[bflag:$0x3] =	sbarrier.arrive $0xFFFF;
	s2 =	simm.s32 @!p0 $0x1C01  }
0x75: {  	[timem:s3], [sflag:s2] =	dma.local @!p0 [hbm:s0], s1  }
0x76: {  	s0 =	simm.s32 @!p0 $0x1  }
0x77: {  	_ =	swait.ge @!p0 [sflag:s0], s1  }
0x78: {  	s1 =	ssub.s32 @!p0 $0x0, s1;
	[sflag:s0] =	ssyncset.done @!p0 $0x0  }
0x79: {  	[sflag:s0] =	ssyncadd.s32 @!p0 s1  }
0x7a: {  	[bflag:$0x3] =	sbarrier.arrive $0xFFFF  }
0x7b: {  	_ =	shalt  }

</sc_bundles>
